<compile_context>
chip_gen: v7x
topology: tpu7x:2x2x1
jax: 0.10.2.dev20260603
libtpu: 0.0.44.dev20260713+nightly
codegen_flags: <defaults>
</compile_context>

<pallas_src>
import functools

import jax
import jax.numpy as jnp
import numpy as np
from jax import lax
from jax.experimental import pallas as pl
from jax.experimental.pallas import tpu as pltpu
from jax.experimental.pallas import tpu_sc as plsc


_MLP_INV = 1.0 / np.sqrt(1.0 + 1e-5)



def _fps_kernel(xyz_ref, inds_ref, nxyz_ref, *, npoint, P, R, L):
    x = xyz_ref[:, 0, :, :]
    y = xyz_ref[:, 1, :, :]
    z = xyz_ref[:, 2, :, :]
    B = x.shape[0]
    flat = (lax.broadcasted_iota(jnp.int32, (B, R, L), 1) * L
            + lax.broadcasted_iota(jnp.int32, (B, R, L), 2))

    def red(op, v):
        v = op(v, axis=2, keepdims=True)
        v = op(v, axis=1, keepdims=True)
        return v

    xall = xyz_ref[...]

    def coords_of(sel):
        t = jnp.where(sel[:, None, :, :], xall, 0.0)
        s = jnp.sum(jnp.sum(t, axis=3, keepdims=True), axis=2, keepdims=True)
        return s[:, 0], s[:, 1], s[:, 2]

    def store_centroid(i, lx, ly, lz):
        nxyz_ref[:, pl.ds(i, 1), :] = jnp.concatenate([lx, ly, lz], axis=2)

    inds_ref[:, 0:1, :] = jnp.zeros((B, 1, 1), jnp.int32)

    def body(i, carry):
        dists, last = carry
        sel = flat == last
        lx, ly, lz = coords_of(sel)
        store_centroid(i - 1, lx, ly, lz)
        dx = x - lx
        dy = y - ly
        dz = z - lz
        d = (dx * dx + dy * dy) + dz * dz
        dists = jnp.minimum(dists, d)
        m = red(jnp.max, dists)
        nxt = red(jnp.min, jnp.where(dists == m, flat, P))
        inds_ref[:, pl.ds(i, 1), :] = nxt[:, :, 0:1]
        return dists, nxt

    dists0 = jnp.full((B, R, L), 1e10, jnp.float32)
    last0 = jnp.zeros((B, 1, 1), jnp.int32)
    _, last = lax.fori_loop(1, npoint, body, (dists0, last0))
    sel = flat == last
    lx, ly, lz = coords_of(sel)
    store_centroid(npoint - 1, lx, ly, lz)


def _fps(xyz, npoint):
    B, P, _ = xyz.shape
    R = 8
    L = P // R
    xyz_r = jnp.transpose(xyz, (0, 2, 1)).reshape(B, 3, R, L)
    inds, nxyz = pl.pallas_call(
        functools.partial(_fps_kernel, npoint=npoint, P=P, R=R, L=L),
        out_shape=[
            jax.ShapeDtypeStruct((B, npoint, 1), jnp.int32),
            jax.ShapeDtypeStruct((B, npoint, 3), jnp.float32),
        ],
    )(xyz_r)
    return inds, nxyz



def _ball_gather_sc(xs, ys, zs, cx, cy, cz, radius, nsample):
    B, P = xs.shape
    ST = cx.shape[0]
    SPB = ST // B
    NC, NS = 2, 16
    NW = NC * NS
    CPW = ST // NW
    UNROLL = 8
    PV = P // (16 * UNROLL)
    PAD = nsample + 16 * UNROLL
    OUTW = CPW * nsample * 3
    r2 = radius * radius

    mesh = plsc.VectorSubcoreMesh(
        core_axis_name="c", subcore_axis_name="s",
        num_cores=NC, num_subcores=NS)

    @functools.partial(
        pl.kernel,
        out_type=jax.ShapeDtypeStruct((ST * nsample * 3,), jnp.float32),
        mesh=mesh,
        compiler_params=pltpu.CompilerParams(needs_layout_passes=False),
        scratch_types=[
            pltpu.VMEM((P,), jnp.float32),
            pltpu.VMEM((P,), jnp.float32),
            pltpu.VMEM((P,), jnp.float32),
            pltpu.VMEM((CPW,), jnp.float32),
            pltpu.VMEM((CPW,), jnp.float32),
            pltpu.VMEM((CPW,), jnp.float32),
            pltpu.VMEM((PAD,), jnp.int32),
            pltpu.VMEM((OUTW,), jnp.float32),
        ],
    )
    def k(xs_h, ys_h, zs_h, cx_h, cy_h, cz_h, out_h,
          xs_v, ys_v, zs_v, cx_v, cy_v, cz_v, idx_v, out_v):
        wid = lax.axis_index("s") * NC + lax.axis_index("c")
        base = wid * CPW
        b = base // SPB
        pltpu.sync_copy(xs_h.at[b], xs_v)
        pltpu.sync_copy(ys_h.at[b], ys_v)
        pltpu.sync_copy(zs_h.at[b], zs_v)
        pltpu.sync_copy(cx_h.at[pl.ds(base, CPW)], cx_v)
        pltpu.sync_copy(cy_h.at[pl.ds(base, CPW)], cy_v)
        pltpu.sync_copy(cz_h.at[pl.ds(base, CPW)], cz_v)

        lane = lax.broadcasted_iota(jnp.int32, (16,), 0)
        zero16 = jnp.zeros((16,), jnp.int32)

        def per_centroid(j, carry):
            jv = zero16 + j
            cxv = plsc.load_gather(cx_v, [jv])
            cyv = plsc.load_gather(cy_v, [jv])
            czv = plsc.load_gather(cz_v, [jv])

            def cond(st):
                i, cnt = st
                return jnp.logical_and(i < PV, cnt < nsample)

            def sbody(st):
                i, cnt = st
                base_off = i * (16 * UNROLL)
                masks = []
                for u in range(UNROLL):
                    off = base_off + u * 16
                    xv = xs_v[pl.ds(off, 16)]
                    yv = ys_v[pl.ds(off, 16)]
                    zv = zs_v[pl.ds(off, 16)]
                    dx = xv - cxv
                    dy = yv - cyv
                    dz = zv - czv
                    d2 = (dx * dx + dy * dy) + dz * dz
                    masks.append(d2 < r2)
                pcs = [jnp.sum(mk.astype(jnp.int32)) for mk in masks]
                offs = []
                for u in range(UNROLL):
                    offs.append(cnt)
                    cnt = cnt + pcs[u]
                for u in range(UNROLL):
                    off = base_off + u * 16
                    plsc.store_compressed(
                        idx_v.at[pl.ds(offs[u], 16)], lane + off,
                        mask=masks[u])
                return i + 1, cnt

            _, cnt = lax.while_loop(cond, sbody, (jnp.int32(0), jnp.int32(0)))

            cntv = zero16 + cnt
            head = idx_v[pl.ds(0, 16)]
            first = jnp.min(jnp.where(lane < cntv, head, jnp.int32(2 ** 30)))
            firstv = zero16 + jnp.where(cnt > 0, first, jnp.int32(0))
            for q in range(nsample // 16):
                pos = lane + q * 16
                plsc.store_scatter(idx_v, [pos], firstv, mask=pos >= cntv)
            for g in range(nsample // 16):
                pos = lane + g * 16
                sel = idx_v[pl.ds(g * 16, 16)]
                gx = plsc.load_gather(xs_v, [sel])
                gy = plsc.load_gather(ys_v, [sel])
                gz = plsc.load_gather(zs_v, [sel])
                fl = (jv * nsample + pos) * 3
                plsc.store_scatter(out_v, [fl], gx)
                plsc.store_scatter(out_v, [fl + 1], gy)
                plsc.store_scatter(out_v, [fl + 2], gz)
            return carry

        lax.fori_loop(0, CPW, per_centroid, 0)
        pltpu.sync_copy(out_v, out_h.at[pl.ds(base * nsample * 3, OUTW)])

    flat = k(xs, ys, zs, cx, cy, cz)
    return flat.reshape(ST, nsample, 3)


def _sa_grouped_kernel(g_ref, c_ref, *wrefs, out_ref, r, nsample, S_b):
    nlayers = len(wrefs) // 3
    c = c_ref[0]
    rows = S_b * nsample
    g2 = g_ref[...].reshape(rows, 3)
    crep = jnp.broadcast_to(c[:, None, :], (S_b, nsample, 3)).reshape(rows, 3)
    h = (g2 - crep) / r
    for li in range(nlayers):
        w = wrefs[3 * li][...]
        g = wrefs[3 * li + 1][...]
        b = wrefs[3 * li + 2][...]
        h = jnp.dot(h.astype(jnp.bfloat16), w.astype(jnp.bfloat16),
                    preferred_element_type=jnp.float32)
        h = h * _MLP_INV
        h = g * h + b
        h = jnp.maximum(h, 0.0)
    cout = h.shape[1]
    out_ref[0] = jnp.max(h.reshape(S_b, nsample, cout), axis=1)


def _sa_from_grouped(grouped, new_xyz, radius, nsample, layers, S_b):
    ST = grouped.shape[0]
    B, S, _ = new_xyz.shape
    nblk = S // S_b

    wargs = []
    wspecs = []
    for (w, gamma, beta) in layers:
        wargs += [jnp.transpose(w), gamma[None, :], beta[None, :]]
        wspecs += [
            pl.BlockSpec((w.shape[1], w.shape[0]), lambda b, s: (0, 0)),
            pl.BlockSpec((1, gamma.shape[0]), lambda b, s: (0, 0)),
            pl.BlockSpec((1, beta.shape[0]), lambda b, s: (0, 0)),
        ]
    cout = layers[-1][0].shape[0]

    body = functools.partial(
        _sa_grouped_kernel, r=radius, nsample=nsample, S_b=S_b)

    def wrapped(g_r, c_r, *wr):
        body(g_r, c_r, *wr[:-1], out_ref=wr[-1])

    return pl.pallas_call(
        wrapped,
        grid=(B, nblk),
        in_specs=[
            pl.BlockSpec((S_b, nsample, 3), lambda b, s: (b * nblk + s, 0, 0)),
            pl.BlockSpec((1, S_b, 3), lambda b, s: (b, s, 0)),
        ] + wspecs,
        out_specs=pl.BlockSpec((1, S_b, cout), lambda b, s: (b, s, 0)),
        out_shape=jax.ShapeDtypeStruct((B, S, cout), jnp.float32),
    )(grouped, new_xyz, *wargs)



def _cumsum_lanes(x):
    rows, L = x.shape
    s = 1
    while s < L:
        x = x + jnp.concatenate(
            [jnp.zeros((rows, s), x.dtype), x[:, :L - s]], axis=1)
        s *= 2
    return x


def _sa_kernel(xyzt_ref, x_ref, c_ref, *wrefs, out_ref, r, r2, nsample, Pc, S_b):
    P = xyzt_ref.shape[2]
    cin = x_ref.shape[2]
    rows = S_b * nsample
    nlayers = len(wrefs) // 3

    c = c_ref[0]
    cx = c[:, 0:1]
    cy = c[:, 1:2]
    cz = c[:, 2:3]

    g_acc = jnp.zeros((rows, cin), jnp.float32)
    base = jnp.zeros((S_b, 1), jnp.int32)
    for j in range(P // Pc):
        px = xyzt_ref[0, 0:1, j * Pc:(j + 1) * Pc]
        py = xyzt_ref[0, 1:2, j * Pc:(j + 1) * Pc]
        pz = xyzt_ref[0, 2:3, j * Pc:(j + 1) * Pc]
        dx = px - cx
        dy = py - cy
        dz = pz - cz
        d2 = (dx * dx + dy * dy) + dz * dz
        m = d2 < r2
        rank = _cumsum_lanes(m.astype(jnp.int32)) + base
        base = rank[:, Pc - 1:Pc]
        ok = m & (rank <= nsample)
        kk = lax.broadcasted_iota(jnp.int32, (S_b, nsample, Pc), 1) + 1
        oh = (rank[:, None, :] == kk) & ok[:, None, :]
        ohf = oh.reshape(rows, Pc).astype(jnp.float32)
        xc = x_ref[0, j * Pc:(j + 1) * Pc, :]
        g_acc = g_acc + jnp.dot(ohf, xc, preferred_element_type=jnp.float32,
                                precision=lax.Precision.HIGHEST)

    total = base
    crep = jnp.broadcast_to(c[:, None, :], (S_b, nsample, 3)).reshape(rows, 3)
    axyz = (g_acc[:, 0:3] - crep) / r
    h = jnp.concatenate([axyz, g_acc[:, 3:]], axis=1) if cin > 3 else axyz
    for li in range(nlayers):
        w = wrefs[3 * li][...]
        g = wrefs[3 * li + 1][...]
        b = wrefs[3 * li + 2][...]
        h = jnp.dot(h.astype(jnp.bfloat16), w.astype(jnp.bfloat16),
                    preferred_element_type=jnp.float32)
        h = h * _MLP_INV
        h = g * h + b
        h = jnp.maximum(h, 0.0)

    cout = h.shape[1]
    kidx = lax.broadcasted_iota(jnp.int32, (rows, 1), 0) % nsample
    tot_e = jnp.broadcast_to(total[:, None, :], (S_b, nsample, 1)).reshape(rows, 1)
    valid = kidx < jnp.minimum(tot_e, nsample)
    hm = jnp.where(valid, h, -jnp.inf)
    out_ref[0] = jnp.max(hm.reshape(S_b, nsample, cout), axis=1)


def _sa(xyz, feats, new_xyz, radius, nsample, layers, S_b, Pc):
    B, P, _ = xyz.shape
    S = new_xyz.shape[1]
    xyzt = jnp.transpose(xyz, (0, 2, 1))
    x_in = xyz if feats is None else jnp.concatenate([xyz, feats], axis=2)
    cin = x_in.shape[2]

    wargs = []
    wspecs = []
    for li, (w, gamma, beta) in enumerate(layers):
        wt = jnp.transpose(w)
        wargs += [wt, gamma[None, :], beta[None, :]]
        wspecs += [
            pl.BlockSpec(wt.shape, lambda b, s: (0, 0)),
            pl.BlockSpec((1, gamma.shape[0]), lambda b, s: (0, 0)),
            pl.BlockSpec((1, beta.shape[0]), lambda b, s: (0, 0)),
        ]
    cout = layers[-1][0].shape[0]

    body = functools.partial(
        _sa_kernel, r=radius, r2=radius * radius, nsample=nsample,
        Pc=Pc, S_b=S_b)

    def wrapped(xyzt_r, x_r, c_r, *wr):
        body(xyzt_r, x_r, c_r, *wr[:-1], out_ref=wr[-1])

    return pl.pallas_call(
        wrapped,
        grid=(B, S // S_b),
        in_specs=[
            pl.BlockSpec((1, 3, P), lambda b, s: (b, 0, 0)),
            pl.BlockSpec((1, P, cin), lambda b, s: (b, 0, 0)),
            pl.BlockSpec((1, S_b, 3), lambda b, s: (b, s, 0)),
        ] + wspecs,
        out_specs=pl.BlockSpec((1, S_b, cout), lambda b, s: (b, s, 0)),
        out_shape=jax.ShapeDtypeStruct((B, S, cout), jnp.float32),
    )(xyzt, x_in, new_xyz, *wargs)



def _fp_kernel(q_ref, kt_ref, f1_ref, f2_ref, *wrefs, out_ref):
    nlayers = len(wrefs) // 3
    q = q_ref[0]
    qx = q[:, 0:1]
    qy = q[:, 1:2]
    qz = q[:, 2:3]
    kx = kt_ref[0, 0:1, :]
    ky = kt_ref[0, 1:2, :]
    kz = kt_ref[0, 2:3, :]
    dx = qx - kx
    dy = qy - ky
    dz = qz - kz
    d2 = (dx * dx + dy * dy) + dz * dz
    S, K = d2.shape
    iota = lax.broadcasted_iota(jnp.int32, (S, K), 1)

    d = d2
    wmat = jnp.zeros((S, K), jnp.float32)
    wsum = jnp.zeros((S, 1), jnp.float32)
    for _ in range(3):
        mval = jnp.min(d, axis=1, keepdims=True)
        idx = jnp.min(jnp.where(d == mval, iota, K), axis=1, keepdims=True)
        onehot = iota == idx
        wj = 1.0 / (mval + 1e-8)
        wmat = wmat + jnp.where(onehot, wj, 0.0)
        wsum = wsum + wj
        d = jnp.where(onehot, 1e30, d)
    wmat = wmat / wsum

    interp = jnp.dot(wmat, f2_ref[0], preferred_element_type=jnp.float32,
                     precision=lax.Precision.HIGHEST)
    h = jnp.concatenate([interp, f1_ref[0]], axis=1)
    for li in range(nlayers):
        w = wrefs[3 * li][...]
        g = wrefs[3 * li + 1][...]
        b = wrefs[3 * li + 2][...]
        h = jnp.dot(h.astype(jnp.bfloat16), w.astype(jnp.bfloat16),
                    preferred_element_type=jnp.float32)
        h = h * _MLP_INV
        h = g * h + b
        h = jnp.maximum(h, 0.0)
    out_ref[0] = h


def _fp(unknown, known, feats1, feats2, layers):
    B, S, _ = unknown.shape
    K = known.shape[1]
    c1 = feats1.shape[2]
    c2 = feats2.shape[2]
    knownt = jnp.transpose(known, (0, 2, 1))

    wargs = []
    wspecs = []
    for (w, gamma, beta) in layers:
        wargs += [jnp.transpose(w), gamma[None, :], beta[None, :]]
        wspecs += [
            pl.BlockSpec((w.shape[1], w.shape[0]), lambda b: (0, 0)),
            pl.BlockSpec((1, gamma.shape[0]), lambda b: (0, 0)),
            pl.BlockSpec((1, beta.shape[0]), lambda b: (0, 0)),
        ]
    cout = layers[-1][0].shape[0]

    def wrapped(q_r, kt_r, f1_r, f2_r, *wr):
        _fp_kernel(q_r, kt_r, f1_r, f2_r, *wr[:-1], out_ref=wr[-1])

    return pl.pallas_call(
        wrapped,
        grid=(B,),
        in_specs=[
            pl.BlockSpec((1, S, 3), lambda b: (b, 0, 0)),
            pl.BlockSpec((1, 3, K), lambda b: (b, 0, 0)),
            pl.BlockSpec((1, S, c1), lambda b: (b, 0, 0)),
            pl.BlockSpec((1, K, c2), lambda b: (b, 0, 0)),
        ] + wspecs,
        out_specs=pl.BlockSpec((1, S, cout), lambda b: (b, 0, 0)),
        out_shape=jax.ShapeDtypeStruct((B, S, cout), jnp.float32),
    )(unknown, knownt, feats1, feats2, *wargs)



def kernel(pc, params):
    xyz = pc[..., :3]
    inds1, c1 = _fps(xyz, 1024)
    grouped1 = _ball_gather_sc(
        xyz[:, :, 0], xyz[:, :, 1], xyz[:, :, 2],
        c1[:, :, 0].reshape(-1), c1[:, :, 1].reshape(-1),
        c1[:, :, 2].reshape(-1), 0.1, 64)
    f1 = _sa_from_grouped(grouped1, c1, 0.1, 64, params['sa1'], S_b=32)
    _, c2 = _fps(c1, 512)
    f2 = _sa(c1, f1, c2, 0.2, 32, params['sa2'], S_b=16, Pc=1024)
    _, c3 = _fps(c2, 256)
    f3 = _sa(c2, f2, c3, 0.4, 16, params['sa3'], S_b=32, Pc=512)
    latf = _fp(c2, c3, f2, f3, params['fp2'])
    return c2, latf, inds1[:, :512, 0]

# --- scband reference (transcript-rebuilt; emitter-appended) ---
"""Pipeline reference for scband-pcauto-encoder-19731079758278 (READ-ONLY COPY).

The authoritative reference and input builder live on the scoring server;
editing this copy changes nothing except your own understanding.
"""

import jax, jax.numpy as jnp
import numpy as np


def fps(xyz, npoint):
    xyz = jax.lax.stop_gradient(xyz)
    B, P, _ = xyz.shape
    def body(i, state):
        dists, inds, last = state
        last_xyz = jnp.take_along_axis(xyz, last[:, None, None], axis=1)
        d = jnp.sum((xyz - last_xyz) ** 2, axis=-1)
        dists = jnp.minimum(dists, d)
        nxt = jnp.argmax(dists, axis=-1).astype(jnp.int32)
        inds = inds.at[:, i].set(nxt)
        return (dists, inds, nxt)
    dists0 = jnp.full((B, P), 1e10, dtype=xyz.dtype)
    inds0 = jnp.zeros((B, npoint), dtype=jnp.int32)
    last0 = jnp.zeros((B,), dtype=jnp.int32)
    _, inds, _ = jax.lax.fori_loop(1, npoint, body, (dists0, inds0, last0))
    return inds


def ball_query(radius, nsample, xyz, new_xyz):
    xyz = jax.lax.stop_gradient(xyz)
    new_xyz = jax.lax.stop_gradient(new_xyz)
    P = xyz.shape[1]
    d2 = jnp.sum((new_xyz[:, :, None, :] - xyz[:, None, :, :]) ** 2, axis=-1)
    key = jnp.where(d2 < radius * radius, jnp.arange(P, dtype=jnp.int32), P)
    neg, _ = jax.lax.top_k(-key, nsample)
    idx = -neg
    first = idx[..., :1]
    idx = jnp.where(idx == P, first, idx)
    idx = jnp.where(idx == P, 0, idx)
    return idx


def shared_mlp(x, layers):
    eps = 1e-5
    inv = 1.0 / np.sqrt(1.0 + eps)
    for (w, gamma, beta) in layers:
        x = jnp.einsum('bcsn,oc->bosn', x, w)
        x = x * inv
        x = gamma[None, :, None, None] * x + beta[None, :, None, None]
        x = jax.nn.relu(x)
    return x


def sa_module(xyz, feats, npoint, radius, nsample, layers):
    inds = fps(xyz, npoint)
    new_xyz = jnp.take_along_axis(xyz, inds[:, :, None], axis=1)
    idx = ball_query(radius, nsample, xyz, new_xyz)
    grouped_xyz = jax.vmap(lambda x, i: x[i])(xyz, idx)
    grouped_xyz = (grouped_xyz - new_xyz[:, :, None, :]) / radius
    grouped_xyz = jnp.transpose(grouped_xyz, (0, 3, 1, 2))
    if feats is not None:
        grouped_feats = jax.vmap(lambda f, i: f[:, i])(feats, idx)
        new_in = jnp.concatenate([grouped_xyz, grouped_feats], axis=1)
    else:
        new_in = grouped_xyz
    out = shared_mlp(new_in, layers)
    new_feats = jnp.max(out, axis=-1)
    return new_xyz, new_feats, inds


def fp_module(unknown, known, feats1, feats2, layers):
    d2 = jnp.sum((unknown[:, :, None, :] - known[:, None, :, :]) ** 2, axis=-1)
    negd, idx = jax.lax.top_k(-d2, 3)
    dist = -negd
    w = 1.0 / (dist + 1e-8)
    w = w / jnp.sum(w, axis=-1, keepdims=True)
    gathered = jax.vmap(lambda f, i: f[:, i])(feats2, idx)
    interp = jnp.sum(gathered * w[:, None, :, :], axis=-1)
    x = jnp.concatenate([interp, feats1], axis=1) if feats1 is not None else interp
    x = shared_mlp(x[..., None], layers)
    return x[..., 0]


def _forward(pc, params):
    sa0_xyz = pc[..., :3]
    sa1_xyz, sa1_feats, sa1_inds = sa_module(sa0_xyz, None, 1024, 0.1, 64, params['sa1'])
    sa2_xyz, sa2_feats, _ = sa_module(sa1_xyz, sa1_feats, 512, 0.2, 32, params['sa2'])
    sa3_xyz, sa3_feats, _ = sa_module(sa2_xyz, sa2_feats, 256, 0.4, 16, params['sa3'])
    fp2_feats = fp_module(sa2_xyz, sa3_xyz, sa2_feats, sa3_feats, params['fp2'])
    lat_xyz = sa2_xyz
    lat_feats = jnp.transpose(fp2_feats, (0, 2, 1))
    lat_inds = sa1_inds[:, :lat_xyz.shape[1]]
    return lat_xyz, lat_feats, lat_inds


def _make_layers(key, dims):
    layers = []
    for i in range(len(dims) - 1):
        key, k1 = jax.random.split(key)
        w = jax.random.normal(k1, (dims[i + 1], dims[i]), dtype=jnp.float32) * np.sqrt(2.0 / dims[i])
        layers.append((w, jnp.ones((dims[i + 1],), jnp.float32), jnp.zeros((dims[i + 1],), jnp.float32)))
    return layers


def setup_inputs(seed: int = 0):
    key = jax.random.key(seed)
    k_pc, k1, k2, k3, k4 = jax.random.split(key, 5)
    pc = jax.random.uniform(k_pc, (2, 16384, 3), dtype=jnp.float32)
    params = {
        'sa1': _make_layers(k1, [3, 64, 64, 128]),
        'sa2': _make_layers(k2, [131, 128, 128, 256]),
        'sa3': _make_layers(k3, [259, 128, 128, 256]),
        'fp2': _make_layers(k4, [512, 256, 256]),
    }
    return {'pc': pc, 'params': params}


def reference(pc, params):
    return _forward(pc, params)

if __name__ == "__main__":
    import jax
    _d = setup_inputs()
    print(jax.jit(kernel)(*tuple(_d.values())))

</pallas_src>

<mosaic_0001>
#map = affine_map<(d0, d1) -> (0, 0)>
#map1 = affine_map<(d0, d1) -> (0)>
module attributes {stable_mosaic.version = 14 : i64} {
  func.func @k(%arg0: i32, %arg1: i32, %arg2: memref<2x16384xf32, #tpu.memory_space<hbm>>, %arg3: memref<2x16384xf32, #tpu.memory_space<hbm>>, %arg4: memref<2x16384xf32, #tpu.memory_space<hbm>>, %arg5: memref<2048xf32, #tpu.memory_space<hbm>>, %arg6: memref<2048xf32, #tpu.memory_space<hbm>>, %arg7: memref<2048xf32, #tpu.memory_space<hbm>>, %arg8: memref<393216xf32, #tpu.memory_space<hbm>>, %arg9: memref<16384xf32, #tpu.memory_space<vmem>>, %arg10: memref<16384xf32, #tpu.memory_space<vmem>>, %arg11: memref<16384xf32, #tpu.memory_space<vmem>>, %arg12: memref<64xf32, #tpu.memory_space<vmem>>, %arg13: memref<64xf32, #tpu.memory_space<vmem>>, %arg14: memref<64xf32, #tpu.memory_space<vmem>>, %arg15: memref<192xi32, #tpu.memory_space<vmem>>, %arg16: memref<12288xf32, #tpu.memory_space<vmem>>) attributes {dimension_semantics = [#tpu.dimension_semantics<core_parallel>, #tpu.dimension_semantics<subcore_parallel>], iteration_bounds = array<i64: 2, 16>, scalar_prefetch = 0 : i64, scratch_operands = 8 : i64, tpu.core_type = #tpu.core_type<sc_vector_subcore>, window_params = [{transform_indices = #map}, {transform_indices = #map}, {transform_indices = #map}, {transform_indices = #map1}, {transform_indices = #map1}, {transform_indices = #map1}, {transform_indices = #map1}]} {
    %mul3A = arith.constant 2 : i32
    %mul3A_0 = arith.muli %arg1, %mul3A : i32
    %add3A = arith.addi %mul3A_0, %arg0 : i32
    %mul3A_1 = arith.constant 64 : i32
    %mul3A_2 = arith.muli %add3A, %mul3A_1 : i32
    %jit3A = arith.constant 1024 : i32
    %div3A = arith.divsi %mul3A_2, %jit3A : i32
    %sign3A = arith.constant 0 : i32
    %sign3A_3 = arith.cmpi sgt, %mul3A_2, %sign3A : i32
    %sign3A_4 = arith.extui %sign3A_3 : i1 to i32
    %sign3A_5 = arith.constant 0 : i32
    %sign3A_6 = arith.cmpi slt, %mul3A_2, %sign3A_5 : i32
    %sign3A_7 = arith.extui %sign3A_6 : i1 to i32
    %sign3A_8 = arith.subi %sign3A_4, %sign3A_7 : i32
    %sign3A_9 = arith.constant 0 : i32
    %sign3A_10 = arith.cmpi sgt, %jit3A, %sign3A_9 : i32
    %sign3A_11 = arith.extui %sign3A_10 : i1 to i32
    %sign3A_12 = arith.constant 0 : i32
    %sign3A_13 = arith.cmpi slt, %jit3A, %sign3A_12 : i32
    %sign3A_14 = arith.extui %sign3A_13 : i1 to i32
    %sign3A_15 = arith.subi %sign3A_11, %sign3A_14 : i32
    %ne3A = arith.cmpi ne, %sign3A_8, %sign3A_15 : i32
    %rem3A = arith.remsi %mul3A_2, %jit3A : i32
    %ne3A_16 = arith.constant 0 : i32
    %ne3A_17 = arith.cmpi ne, %rem3A, %ne3A_16 : i32
    %and3A = arith.andi %ne3A, %ne3A_17 : i1
    %sub3A = arith.constant 1 : i32
    %sub3A_18 = arith.subi %div3A, %sub3A : i32
    %select_n3A = arith.select %and3A, %sub3A_18, %div3A : i32
    "tpu.region"() ({
      %run_scoped3A = tpu.sem_alloc : memref<!tpu.dma_semaphore, #tpu.memory_space<semaphore_mem>>
      %dma_start3A = arith.constant 0 : i32
      %dma_start3A_29 = tpu.memref_slice %arg2[%select_n3A, %dma_start3A] : memref<2x16384xf32, #tpu.memory_space<hbm>> -> memref<1x16384xf32, #tpu.memory_space<hbm>>
      %dma_start3A_30 = tpu.memref_squeeze %dma_start3A_29 : memref<1x16384xf32, #tpu.memory_space<hbm>> -> memref<16384xf32, #tpu.memory_space<hbm>>
      %dma_start3A_31 = arith.constant 0 : i32
      %dma_start3A_32 = tpu.memref_slice %arg2[%select_n3A, %dma_start3A_31] : memref<2x16384xf32, #tpu.memory_space<hbm>> -> memref<1x16384xf32, #tpu.memory_space<hbm>>
      %dma_start3A_33 = tpu.memref_squeeze %dma_start3A_32 : memref<1x16384xf32, #tpu.memory_space<hbm>> -> memref<16384xf32, #tpu.memory_space<hbm>>
      tpu.enqueue_dma source(%dma_start3A_33 : memref<16384xf32, #tpu.memory_space<hbm>>) target(%arg9 : memref<16384xf32, #tpu.memory_space<vmem>>) target_semaphore(%run_scoped3A : memref<!tpu.dma_semaphore, #tpu.memory_space<semaphore_mem>>)
      %dma_wait3A = arith.constant 0 : i32
      %dma_wait3A_34 = tpu.memref_slice %arg2[%select_n3A, %dma_wait3A] : memref<2x16384xf32, #tpu.memory_space<hbm>> -> memref<1x16384xf32, #tpu.memory_space<hbm>>
      %dma_wait3A_35 = tpu.memref_squeeze %dma_wait3A_34 : memref<1x16384xf32, #tpu.memory_space<hbm>> -> memref<16384xf32, #tpu.memory_space<hbm>>
      %dma_wait3A_36 = arith.constant 0 : i32
      %dma_wait3A_37 = tpu.memref_slice %arg2[%select_n3A, %dma_wait3A_36] : memref<2x16384xf32, #tpu.memory_space<hbm>> -> memref<1x16384xf32, #tpu.memory_space<hbm>>
      %dma_wait3A_38 = tpu.memref_squeeze %dma_wait3A_37 : memref<1x16384xf32, #tpu.memory_space<hbm>> -> memref<16384xf32, #tpu.memory_space<hbm>>
      tpu.wait_dma2 semaphore(%run_scoped3A : memref<!tpu.dma_semaphore, #tpu.memory_space<semaphore_mem>>) src(%dma_wait3A_38 : memref<16384xf32, #tpu.memory_space<hbm>>) dst(%arg9 : memref<16384xf32, #tpu.memory_space<vmem>>)
      tpu.yield
    }) : () -> ()
    "tpu.region"() ({
      %run_scoped3A = tpu.sem_alloc : memref<!tpu.dma_semaphore, #tpu.memory_space<semaphore_mem>>
      %dma_start3A = arith.constant 0 : i32
      %dma_start3A_29 = tpu.memref_slice %arg3[%select_n3A, %dma_start3A] : memref<2x16384xf32, #tpu.memory_space<hbm>> -> memref<1x16384xf32, #tpu.memory_space<hbm>>
      %dma_start3A_30 = tpu.memref_squeeze %dma_start3A_29 : memref<1x16384xf32, #tpu.memory_space<hbm>> -> memref<16384xf32, #tpu.memory_space<hbm>>
      %dma_start3A_31 = arith.constant 0 : i32
      %dma_start3A_32 = tpu.memref_slice %arg3[%select_n3A, %dma_start3A_31] : memref<2x16384xf32, #tpu.memory_space<hbm>> -> memref<1x16384xf32, #tpu.memory_space<hbm>>
      %dma_start3A_33 = tpu.memref_squeeze %dma_start3A_32 : memref<1x16384xf32, #tpu.memory_space<hbm>> -> memref<16384xf32, #tpu.memory_space<hbm>>
      tpu.enqueue_dma source(%dma_start3A_33 : memref<16384xf32, #tpu.memory_space<hbm>>) target(%arg10 : memref<16384xf32, #tpu.memory_space<vmem>>) target_semaphore(%run_scoped3A : memref<!tpu.dma_semaphore, #tpu.memory_space<semaphore_mem>>)
      %dma_wait3A = arith.constant 0 : i32
      %dma_wait3A_34 = tpu.memref_slice %arg3[%select_n3A, %dma_wait3A] : memref<2x16384xf32, #tpu.memory_space<hbm>> -> memref<1x16384xf32, #tpu.memory_space<hbm>>
      %dma_wait3A_35 = tpu.memref_squeeze %dma_wait3A_34 : memref<1x16384xf32, #tpu.memory_space<hbm>> -> memref<16384xf32, #tpu.memory_space<hbm>>
      %dma_wait3A_36 = arith.constant 0 : i32
      %dma_wait3A_37 = tpu.memref_slice %arg3[%select_n3A, %dma_wait3A_36] : memref<2x16384xf32, #tpu.memory_space<hbm>> -> memref<1x16384xf32, #tpu.memory_space<hbm>>
      %dma_wait3A_38 = tpu.memref_squeeze %dma_wait3A_37 : memref<1x16384xf32, #tpu.memory_space<hbm>> -> memref<16384xf32, #tpu.memory_space<hbm>>
      tpu.wait_dma2 semaphore(%run_scoped3A : memref<!tpu.dma_semaphore, #tpu.memory_space<semaphore_mem>>) src(%dma_wait3A_38 : memref<16384xf32, #tpu.memory_space<hbm>>) dst(%arg10 : memref<16384xf32, #tpu.memory_space<vmem>>)
      tpu.yield
    }) : () -> ()
    "tpu.region"() ({
      %run_scoped3A = tpu.sem_alloc : memref<!tpu.dma_semaphore, #tpu.memory_space<semaphore_mem>>
      %dma_start3A = arith.constant 0 : i32
      %dma_start3A_29 = tpu.memref_slice %arg4[%select_n3A, %dma_start3A] : memref<2x16384xf32, #tpu.memory_space<hbm>> -> memref<1x16384xf32, #tpu.memory_space<hbm>>
      %dma_start3A_30 = tpu.memref_squeeze %dma_start3A_29 : memref<1x16384xf32, #tpu.memory_space<hbm>> -> memref<16384xf32, #tpu.memory_space<hbm>>
      %dma_start3A_31 = arith.constant 0 : i32
      %dma_start3A_32 = tpu.memref_slice %arg4[%select_n3A, %dma_start3A_31] : memref<2x16384xf32, #tpu.memory_space<hbm>> -> memref<1x16384xf32, #tpu.memory_space<hbm>>
      %dma_start3A_33 = tpu.memref_squeeze %dma_start3A_32 : memref<1x16384xf32, #tpu.memory_space<hbm>> -> memref<16384xf32, #tpu.memory_space<hbm>>
      tpu.enqueue_dma source(%dma_start3A_33 : memref<16384xf32, #tpu.memory_space<hbm>>) target(%arg11 : memref<16384xf32, #tpu.memory_space<vmem>>) target_semaphore(%run_scoped3A : memref<!tpu.dma_semaphore, #tpu.memory_space<semaphore_mem>>)
      %dma_wait3A = arith.constant 0 : i32
      %dma_wait3A_34 = tpu.memref_slice %arg4[%select_n3A, %dma_wait3A] : memref<2x16384xf32, #tpu.memory_space<hbm>> -> memref<1x16384xf32, #tpu.memory_space<hbm>>
      %dma_wait3A_35 = tpu.memref_squeeze %dma_wait3A_34 : memref<1x16384xf32, #tpu.memory_space<hbm>> -> memref<16384xf32, #tpu.memory_space<hbm>>
      %dma_wait3A_36 = arith.constant 0 : i32
      %dma_wait3A_37 = tpu.memref_slice %arg4[%select_n3A, %dma_wait3A_36] : memref<2x16384xf32, #tpu.memory_space<hbm>> -> memref<1x16384xf32, #tpu.memory_space<hbm>>
      %dma_wait3A_38 = tpu.memref_squeeze %dma_wait3A_37 : memref<1x16384xf32, #tpu.memory_space<hbm>> -> memref<16384xf32, #tpu.memory_space<hbm>>
      tpu.wait_dma2 semaphore(%run_scoped3A : memref<!tpu.dma_semaphore, #tpu.memory_space<semaphore_mem>>) src(%dma_wait3A_38 : memref<16384xf32, #tpu.memory_space<hbm>>) dst(%arg11 : memref<16384xf32, #tpu.memory_space<vmem>>)
      tpu.yield
    }) : () -> ()
    "tpu.region"() ({
      %run_scoped3A = tpu.sem_alloc : memref<!tpu.dma_semaphore, #tpu.memory_space<semaphore_mem>>
      %dma_start3A = tpu.memref_slice %arg5[%mul3A_2] : memref<2048xf32, #tpu.memory_space<hbm>> -> memref<64xf32, #tpu.memory_space<hbm>>
      %dma_start3A_29 = tpu.memref_slice %arg5[%mul3A_2] : memref<2048xf32, #tpu.memory_space<hbm>> -> memref<64xf32, #tpu.memory_space<hbm>>
      tpu.enqueue_dma source(%dma_start3A_29 : memref<64xf32, #tpu.memory_space<hbm>>) target(%arg12 : memref<64xf32, #tpu.memory_space<vmem>>) target_semaphore(%run_scoped3A : memref<!tpu.dma_semaphore, #tpu.memory_space<semaphore_mem>>)
      %dma_wait3A = tpu.memref_slice %arg5[%mul3A_2] : memref<2048xf32, #tpu.memory_space<hbm>> -> memref<64xf32, #tpu.memory_space<hbm>>
      %dma_wait3A_30 = tpu.memref_slice %arg5[%mul3A_2] : memref<2048xf32, #tpu.memory_space<hbm>> -> memref<64xf32, #tpu.memory_space<hbm>>
      tpu.wait_dma2 semaphore(%run_scoped3A : memref<!tpu.dma_semaphore, #tpu.memory_space<semaphore_mem>>) src(%dma_wait3A_30 : memref<64xf32, #tpu.memory_space<hbm>>) dst(%arg12 : memref<64xf32, #tpu.memory_space<vmem>>)
      tpu.yield
    }) : () -> ()
    "tpu.region"() ({
      %run_scoped3A = tpu.sem_alloc : memref<!tpu.dma_semaphore, #tpu.memory_space<semaphore_mem>>
      %dma_start3A = tpu.memref_slice %arg6[%mul3A_2] : memref<2048xf32, #tpu.memory_space<hbm>> -> memref<64xf32, #tpu.memory_space<hbm>>
      %dma_start3A_29 = tpu.memref_slice %arg6[%mul3A_2] : memref<2048xf32, #tpu.memory_space<hbm>> -> memref<64xf32, #tpu.memory_space<hbm>>
      tpu.enqueue_dma source(%dma_start3A_29 : memref<64xf32, #tpu.memory_space<hbm>>) target(%arg13 : memref<64xf32, #tpu.memory_space<vmem>>) target_semaphore(%run_scoped3A : memref<!tpu.dma_semaphore, #tpu.memory_space<semaphore_mem>>)
      %dma_wait3A = tpu.memref_slice %arg6[%mul3A_2] : memref<2048xf32, #tpu.memory_space<hbm>> -> memref<64xf32, #tpu.memory_space<hbm>>
      %dma_wait3A_30 = tpu.memref_slice %arg6[%mul3A_2] : memref<2048xf32, #tpu.memory_space<hbm>> -> memref<64xf32, #tpu.memory_space<hbm>>
      tpu.wait_dma2 semaphore(%run_scoped3A : memref<!tpu.dma_semaphore, #tpu.memory_space<semaphore_mem>>) src(%dma_wait3A_30 : memref<64xf32, #tpu.memory_space<hbm>>) dst(%arg13 : memref<64xf32, #tpu.memory_space<vmem>>)
      tpu.yield
    }) : () -> ()
    "tpu.region"() ({
      %run_scoped3A = tpu.sem_alloc : memref<!tpu.dma_semaphore, #tpu.memory_space<semaphore_mem>>
      %dma_start3A = tpu.memref_slice %arg7[%mul3A_2] : memref<2048xf32, #tpu.memory_space<hbm>> -> memref<64xf32, #tpu.memory_space<hbm>>
      %dma_start3A_29 = tpu.memref_slice %arg7[%mul3A_2] : memref<2048xf32, #tpu.memory_space<hbm>> -> memref<64xf32, #tpu.memory_space<hbm>>
      tpu.enqueue_dma source(%dma_start3A_29 : memref<64xf32, #tpu.memory_space<hbm>>) target(%arg14 : memref<64xf32, #tpu.memory_space<vmem>>) target_semaphore(%run_scoped3A : memref<!tpu.dma_semaphore, #tpu.memory_space<semaphore_mem>>)
      %dma_wait3A = tpu.memref_slice %arg7[%mul3A_2] : memref<2048xf32, #tpu.memory_space<hbm>> -> memref<64xf32, #tpu.memory_space<hbm>>
      %dma_wait3A_30 = tpu.memref_slice %arg7[%mul3A_2] : memref<2048xf32, #tpu.memory_space<hbm>> -> memref<64xf32, #tpu.memory_space<hbm>>
      tpu.wait_dma2 semaphore(%run_scoped3A : memref<!tpu.dma_semaphore, #tpu.memory_space<semaphore_mem>>) src(%dma_wait3A_30 : memref<64xf32, #tpu.memory_space<hbm>>) dst(%arg14 : memref<64xf32, #tpu.memory_space<vmem>>)
      tpu.yield
    }) : () -> ()
    %iota3A = tpu.iota {dimensions = array<i32: 0>} : vector<16xi32>
    %broadcast_in_dim3A = arith.constant 0 : i32
    %broadcast_in_dim3A_19 = vector.broadcast %broadcast_in_dim3A : i32 to vector<16xi32>
    %scan3A = arith.constant 0 : i32
    %scan3A_20 = arith.constant 0 : i32
    %scan3A_21 = arith.constant 64 : i32
    %scan3A_22 = arith.addi %scan3A_20, %scan3A_21 : i32
    %scan3A_23 = arith.constant 1 : i32
    scf.for %scan3A_29 = %scan3A_20 to %scan3A_22 step %scan3A_23  : i32 {
      %add3A_30 = vector.broadcast %scan3A_29 : i32 to vector<16xi32>
      %add3A_31 = arith.addi %broadcast_in_dim3A_19, %add3A_30 : vector<16xi32>
      %gather3A = tpu.vector_load_idx %arg12[%add3A_31] : memref<64xf32, #tpu.memory_space<vmem>>[vector<16xi32>], vector<16xf32>,
      %gather3A_32 = tpu.vector_load_idx %arg13[%add3A_31] : memref<64xf32, #tpu.memory_space<vmem>>[vector<16xi32>], vector<16xf32>,
      %gather3A_33 = tpu.vector_load_idx %arg14[%add3A_31] : memref<64xf32, #tpu.memory_space<vmem>>[vector<16xi32>], vector<16xf32>,
      %while3A = arith.constant 0 : i32
      %while3A_34 = arith.constant 0 : i32
      %while3A_35:2 = scf.while (%while3A_153 = %while3A, %while3A_154 = %while3A_34) : (i32, i32) -> (i32, i32) {
        %lt3A_155 = arith.constant 128 : i32
        %lt3A_156 = arith.cmpi slt, %while3A_153, %lt3A_155 : i32
        %lt3A_157 = arith.constant 64 : i32
        %lt3A_158 = arith.cmpi slt, %while3A_154, %lt3A_157 : i32
        %and3A_159 = arith.andi %lt3A_156, %lt3A_158 : i1
        scf.condition(%and3A_159) %while3A_153, %while3A_154 : i32, i32
      } do {
      ^bb0(%while3A_153: i32, %while3A_154: i32):
        %mul3A_155 = arith.constant 128 : i32
        %mul3A_156 = arith.muli %while3A_153, %mul3A_155 : i32
        %add3A_157 = arith.constant 0 : i32
        %add3A_158 = arith.addi %mul3A_156, %add3A_157 : i32
        %get3A_159 = arith.index_cast %add3A_158 : i32 to index
        %get3A_160 = tpu.vector_load %arg9[%get3A_159] {strides = array<i32>} : memref<16384xf32, #tpu.memory_space<vmem>>, vector<16xf32>,
        %get3A_161 = arith.index_cast %add3A_158 : i32 to index
        %get3A_162 = tpu.vector_load %arg10[%get3A_161] {strides = array<i32>} : memref<16384xf32, #tpu.memory_space<vmem>>, vector<16xf32>,
        %get3A_163 = arith.index_cast %add3A_158 : i32 to index
        %get3A_164 = tpu.vector_load %arg11[%get3A_163] {strides = array<i32>} : memref<16384xf32, #tpu.memory_space<vmem>>, vector<16xf32>,
        %sub3A_165 = arith.subf %get3A_160, %gather3A : vector<16xf32>
        %sub3A_166 = arith.subf %get3A_162, %gather3A_32 : vector<16xf32>
        %sub3A_167 = arith.subf %get3A_164, %gather3A_33 : vector<16xf32>
        %mul3A_168 = arith.mulf %sub3A_165, %sub3A_165 : vector<16xf32>
        %mul3A_169 = arith.mulf %sub3A_166, %sub3A_166 : vector<16xf32>
        %add3A_170 = arith.addf %mul3A_168, %mul3A_169 : vector<16xf32>
        %mul3A_171 = arith.mulf %sub3A_167, %sub3A_167 : vector<16xf32>
        %add3A_172 = arith.addf %add3A_170, %mul3A_171 : vector<16xf32>
        %lt3A_173 = arith.constant 0.00999999977 : f32
        %lt3A_174 = vector.broadcast %lt3A_173 : f32 to vector<16xf32>
        %lt3A_175 = arith.cmpf olt, %add3A_172, %lt3A_174 : vector<16xf32>
        %add3A_176 = arith.constant 16 : i32
        %add3A_177 = arith.addi %mul3A_156, %add3A_176 : i32
        %get3A_178 = arith.index_cast %add3A_177 : i32 to index
        %get3A_179 = tpu.vector_load %arg9[%get3A_178] {strides = array<i32>} : memref<16384xf32, #tpu.memory_space<vmem>>, vector<16xf32>,
        %get3A_180 = arith.index_cast %add3A_177 : i32 to index
        %get3A_181 = tpu.vector_load %arg10[%get3A_180] {strides = array<i32>} : memref<16384xf32, #tpu.memory_space<vmem>>, vector<16xf32>,
        %get3A_182 = arith.index_cast %add3A_177 : i32 to index
        %get3A_183 = tpu.vector_load %arg11[%get3A_182] {strides = array<i32>} : memref<16384xf32, #tpu.memory_space<vmem>>, vector<16xf32>,
        %sub3A_184 = arith.subf %get3A_179, %gather3A : vector<16xf32>
        %sub3A_185 = arith.subf %get3A_181, %gather3A_32 : vector<16xf32>
        %sub3A_186 = arith.subf %get3A_183, %gather3A_33 : vector<16xf32>
        %mul3A_187 = arith.mulf %sub3A_184, %sub3A_184 : vector<16xf32>
        %mul3A_188 = arith.mulf %sub3A_185, %sub3A_185 : vector<16xf32>
        %add3A_189 = arith.addf %mul3A_187, %mul3A_188 : vector<16xf32>
        %mul3A_190 = arith.mulf %sub3A_186, %sub3A_186 : vector<16xf32>
        %add3A_191 = arith.addf %add3A_189, %mul3A_190 : vector<16xf32>
        %lt3A_192 = arith.constant 0.00999999977 : f32
        %lt3A_193 = vector.broadcast %lt3A_192 : f32 to vector<16xf32>
        %lt3A_194 = arith.cmpf olt, %add3A_191, %lt3A_193 : vector<16xf32>
        %add3A_195 = arith.constant 32 : i32
        %add3A_196 = arith.addi %mul3A_156, %add3A_195 : i32
        %get3A_197 = arith.index_cast %add3A_196 : i32 to index
        %get3A_198 = tpu.vector_load %arg9[%get3A_197] {strides = array<i32>} : memref<16384xf32, #tpu.memory_space<vmem>>, vector<16xf32>,
        %get3A_199 = arith.index_cast %add3A_196 : i32 to index
        %get3A_200 = tpu.vector_load %arg10[%get3A_199] {strides = array<i32>} : memref<16384xf32, #tpu.memory_space<vmem>>, vector<16xf32>,
        %get3A_201 = arith.index_cast %add3A_196 : i32 to index
        %get3A_202 = tpu.vector_load %arg11[%get3A_201] {strides = array<i32>} : memref<16384xf32, #tpu.memory_space<vmem>>, vector<16xf32>,
        %sub3A_203 = arith.subf %get3A_198, %gather3A : vector<16xf32>
        %sub3A_204 = arith.subf %get3A_200, %gather3A_32 : vector<16xf32>
        %sub3A_205 = arith.subf %get3A_202, %gather3A_33 : vector<16xf32>
        %mul3A_206 = arith.mulf %sub3A_203, %sub3A_203 : vector<16xf32>
        %mul3A_207 = arith.mulf %sub3A_204, %sub3A_204 : vector<16xf32>
        %add3A_208 = arith.addf %mul3A_206, %mul3A_207 : vector<16xf32>
        %mul3A_209 = arith.mulf %sub3A_205, %sub3A_205 : vector<16xf32>
        %add3A_210 = arith.addf %add3A_208, %mul3A_209 : vector<16xf32>
        %lt3A_211 = arith.constant 0.00999999977 : f32
        %lt3A_212 = vector.broadcast %lt3A_211 : f32 to vector<16xf32>
        %lt3A_213 = arith.cmpf olt, %add3A_210, %lt3A_212 : vector<16xf32>
        %add3A_214 = arith.constant 48 : i32
        %add3A_215 = arith.addi %mul3A_156, %add3A_214 : i32
        %get3A_216 = arith.index_cast %add3A_215 : i32 to index
        %get3A_217 = tpu.vector_load %arg9[%get3A_216] {strides = array<i32>} : memref<16384xf32, #tpu.memory_space<vmem>>, vector<16xf32>,
        %get3A_218 = arith.index_cast %add3A_215 : i32 to index
        %get3A_219 = tpu.vector_load %arg10[%get3A_218] {strides = array<i32>} : memref<16384xf32, #tpu.memory_space<vmem>>, vector<16xf32>,
        %get3A_220 = arith.index_cast %add3A_215 : i32 to index
        %get3A_221 = tpu.vector_load %arg11[%get3A_220] {strides = array<i32>} : memref<16384xf32, #tpu.memory_space<vmem>>, vector<16xf32>,
        %sub3A_222 = arith.subf %get3A_217, %gather3A : vector<16xf32>
        %sub3A_223 = arith.subf %get3A_219, %gather3A_32 : vector<16xf32>
        %sub3A_224 = arith.subf %get3A_221, %gather3A_33 : vector<16xf32>
        %mul3A_225 = arith.mulf %sub3A_222, %sub3A_222 : vector<16xf32>
        %mul3A_226 = arith.mulf %sub3A_223, %sub3A_223 : vector<16xf32>
        %add3A_227 = arith.addf %mul3A_225, %mul3A_226 : vector<16xf32>
        %mul3A_228 = arith.mulf %sub3A_224, %sub3A_224 : vector<16xf32>
        %add3A_229 = arith.addf %add3A_227, %mul3A_228 : vector<16xf32>
        %lt3A_230 = arith.constant 0.00999999977 : f32
        %lt3A_231 = vector.broadcast %lt3A_230 : f32 to vector<16xf32>
        %lt3A_232 = arith.cmpf olt, %add3A_229, %lt3A_231 : vector<16xf32>
        %add3A_233 = arith.constant 64 : i32
        %add3A_234 = arith.addi %mul3A_156, %add3A_233 : i32
        %get3A_235 = arith.index_cast %add3A_234 : i32 to index
        %get3A_236 = tpu.vector_load %arg9[%get3A_235] {strides = array<i32>} : memref<16384xf32, #tpu.memory_space<vmem>>, vector<16xf32>,
        %get3A_237 = arith.index_cast %add3A_234 : i32 to index
        %get3A_238 = tpu.vector_load %arg10[%get3A_237] {strides = array<i32>} : memref<16384xf32, #tpu.memory_space<vmem>>, vector<16xf32>,
        %get3A_239 = arith.index_cast %add3A_234 : i32 to index
        %get3A_240 = tpu.vector_load %arg11[%get3A_239] {strides = array<i32>} : memref<16384xf32, #tpu.memory_space<vmem>>, vector<16xf32>,
        %sub3A_241 = arith.subf %get3A_236, %gather3A : vector<16xf32>
        %sub3A_242 = arith.subf %get3A_238, %gather3A_32 : vector<16xf32>
        %sub3A_243 = arith.subf %get3A_240, %gather3A_33 : vector<16xf32>
        %mul3A_244 = arith.mulf %sub3A_241, %sub3A_241 : vector<16xf32>
        %mul3A_245 = arith.mulf %sub3A_242, %sub3A_242 : vector<16xf32>
        %add3A_246 = arith.addf %mul3A_244, %mul3A_245 : vector<16xf32>
        %mul3A_247 = arith.mulf %sub3A_243, %sub3A_243 : vector<16xf32>
        %add3A_248 = arith.addf %add3A_246, %mul3A_247 : vector<16xf32>
        %lt3A_249 = arith.constant 0.00999999977 : f32
        %lt3A_250 = vector.broadcast %lt3A_249 : f32 to vector<16xf32>
        %lt3A_251 = arith.cmpf olt, %add3A_248, %lt3A_250 : vector<16xf32>
        %add3A_252 = arith.constant 80 : i32
        %add3A_253 = arith.addi %mul3A_156, %add3A_252 : i32
        %get3A_254 = arith.index_cast %add3A_253 : i32 to index
        %get3A_255 = tpu.vector_load %arg9[%get3A_254] {strides = array<i32>} : memref<16384xf32, #tpu.memory_space<vmem>>, vector<16xf32>,
        %get3A_256 = arith.index_cast %add3A_253 : i32 to index
        %get3A_257 = tpu.vector_load %arg10[%get3A_256] {strides = array<i32>} : memref<16384xf32, #tpu.memory_space<vmem>>, vector<16xf32>,
        %get3A_258 = arith.index_cast %add3A_253 : i32 to index
        %get3A_259 = tpu.vector_load %arg11[%get3A_258] {strides = array<i32>} : memref<16384xf32, #tpu.memory_space<vmem>>, vector<16xf32>,
        %sub3A_260 = arith.subf %get3A_255, %gather3A : vector<16xf32>
        %sub3A_261 = arith.subf %get3A_257, %gather3A_32 : vector<16xf32>
        %sub3A_262 = arith.subf %get3A_259, %gather3A_33 : vector<16xf32>
        %mul3A_263 = arith.mulf %sub3A_260, %sub3A_260 : vector<16xf32>
        %mul3A_264 = arith.mulf %sub3A_261, %sub3A_261 : vector<16xf32>
        %add3A_265 = arith.addf %mul3A_263, %mul3A_264 : vector<16xf32>
        %mul3A_266 = arith.mulf %sub3A_262, %sub3A_262 : vector<16xf32>
        %add3A_267 = arith.addf %add3A_265, %mul3A_266 : vector<16xf32>
        %lt3A_268 = arith.constant 0.00999999977 : f32
        %lt3A_269 = vector.broadcast %lt3A_268 : f32 to vector<16xf32>
        %lt3A_270 = arith.cmpf olt, %add3A_267, %lt3A_269 : vector<16xf32>
        %add3A_271 = arith.constant 96 : i32
        %add3A_272 = arith.addi %mul3A_156, %add3A_271 : i32
        %get3A_273 = arith.index_cast %add3A_272 : i32 to index
        %get3A_274 = tpu.vector_load %arg9[%get3A_273] {strides = array<i32>} : memref<16384xf32, #tpu.memory_space<vmem>>, vector<16xf32>,
        %get3A_275 = arith.index_cast %add3A_272 : i32 to index
        %get3A_276 = tpu.vector_load %arg10[%get3A_275] {strides = array<i32>} : memref<16384xf32, #tpu.memory_space<vmem>>, vector<16xf32>,
        %get3A_277 = arith.index_cast %add3A_272 : i32 to index
        %get3A_278 = tpu.vector_load %arg11[%get3A_277] {strides = array<i32>} : memref<16384xf32, #tpu.memory_space<vmem>>, vector<16xf32>,
        %sub3A_279 = arith.subf %get3A_274, %gather3A : vector<16xf32>
        %sub3A_280 = arith.subf %get3A_276, %gather3A_32 : vector<16xf32>
        %sub3A_281 = arith.subf %get3A_278, %gather3A_33 : vector<16xf32>
        %mul3A_282 = arith.mulf %sub3A_279, %sub3A_279 : vector<16xf32>
        %mul3A_283 = arith.mulf %sub3A_280, %sub3A_280 : vector<16xf32>
        %add3A_284 = arith.addf %mul3A_282, %mul3A_283 : vector<16xf32>
        %mul3A_285 = arith.mulf %sub3A_281, %sub3A_281 : vector<16xf32>
        %add3A_286 = arith.addf %add3A_284, %mul3A_285 : vector<16xf32>
        %lt3A_287 = arith.constant 0.00999999977 : f32
        %lt3A_288 = vector.broadcast %lt3A_287 : f32 to vector<16xf32>
        %lt3A_289 = arith.cmpf olt, %add3A_286, %lt3A_288 : vector<16xf32>
        %add3A_290 = arith.constant 112 : i32
        %add3A_291 = arith.addi %mul3A_156, %add3A_290 : i32
        %get3A_292 = arith.index_cast %add3A_291 : i32 to index
        %get3A_293 = tpu.vector_load %arg9[%get3A_292] {strides = array<i32>} : memref<16384xf32, #tpu.memory_space<vmem>>, vector<16xf32>,
        %get3A_294 = arith.index_cast %add3A_291 : i32 to index
        %get3A_295 = tpu.vector_load %arg10[%get3A_294] {strides = array<i32>} : memref<16384xf32, #tpu.memory_space<vmem>>, vector<16xf32>,
        %get3A_296 = arith.index_cast %add3A_291 : i32 to index
        %get3A_297 = tpu.vector_load %arg11[%get3A_296] {strides = array<i32>} : memref<16384xf32, #tpu.memory_space<vmem>>, vector<16xf32>,
        %sub3A_298 = arith.subf %get3A_293, %gather3A : vector<16xf32>
        %sub3A_299 = arith.subf %get3A_295, %gather3A_32 : vector<16xf32>
        %sub3A_300 = arith.subf %get3A_297, %gather3A_33 : vector<16xf32>
        %mul3A_301 = arith.mulf %sub3A_298, %sub3A_298 : vector<16xf32>
        %mul3A_302 = arith.mulf %sub3A_299, %sub3A_299 : vector<16xf32>
        %add3A_303 = arith.addf %mul3A_301, %mul3A_302 : vector<16xf32>
        %mul3A_304 = arith.mulf %sub3A_300, %sub3A_300 : vector<16xf32>
        %add3A_305 = arith.addf %add3A_303, %mul3A_304 : vector<16xf32>
        %lt3A_306 = arith.constant 0.00999999977 : f32
        %lt3A_307 = vector.broadcast %lt3A_306 : f32 to vector<16xf32>
        %lt3A_308 = arith.cmpf olt, %add3A_305, %lt3A_307 : vector<16xf32>
        %convert_element_type3A = arith.extui %lt3A_175 : vector<16xi1> to vector<16xi32>
        %reduce_sum3A = arith.constant true
        %reduce_sum3A_309 = vector.broadcast %reduce_sum3A : i1 to vector<16xi1>
        %reduce_sum3A_310 = tpu.scan <sum>, %convert_element_type3A masked %reduce_sum3A_309 : vector<16xi32>, vector<16xi1> -> vector<16xi32>
        %reduce_sum3A_311 = vector.extract %reduce_sum3A_310[15] : i32 from vector<16xi32>
        %convert_element_type3A_312 = arith.extui %lt3A_194 : vector<16xi1> to vector<16xi32>
        %reduce_sum3A_313 = arith.constant true
        %reduce_sum3A_314 = vector.broadcast %reduce_sum3A_313 : i1 to vector<16xi1>
        %reduce_sum3A_315 = tpu.scan <sum>, %convert_element_type3A_312 masked %reduce_sum3A_314 : vector<16xi32>, vector<16xi1> -> vector<16xi32>
        %reduce_sum3A_316 = vector.extract %reduce_sum3A_315[15] : i32 from vector<16xi32>
        %convert_element_type3A_317 = arith.extui %lt3A_213 : vector<16xi1> to vector<16xi32>
        %reduce_sum3A_318 = arith.constant true
        %reduce_sum3A_319 = vector.broadcast %reduce_sum3A_318 : i1 to vector<16xi1>
        %reduce_sum3A_320 = tpu.scan <sum>, %convert_element_type3A_317 masked %reduce_sum3A_319 : vector<16xi32>, vector<16xi1> -> vector<16xi32>
        %reduce_sum3A_321 = vector.extract %reduce_sum3A_320[15] : i32 from vector<16xi32>
        %convert_element_type3A_322 = arith.extui %lt3A_232 : vector<16xi1> to vector<16xi32>
        %reduce_sum3A_323 = arith.constant true
        %reduce_sum3A_324 = vector.broadcast %reduce_sum3A_323 : i1 to vector<16xi1>
        %reduce_sum3A_325 = tpu.scan <sum>, %convert_element_type3A_322 masked %reduce_sum3A_324 : vector<16xi32>, vector<16xi1> -> vector<16xi32>
        %reduce_sum3A_326 = vector.extract %reduce_sum3A_325[15] : i32 from vector<16xi32>
        %convert_element_type3A_327 = arith.extui %lt3A_251 : vector<16xi1> to vector<16xi32>
        %reduce_sum3A_328 = arith.constant true
        %reduce_sum3A_329 = vector.broadcast %reduce_sum3A_328 : i1 to vector<16xi1>
        %reduce_sum3A_330 = tpu.scan <sum>, %convert_element_type3A_327 masked %reduce_sum3A_329 : vector<16xi32>, vector<16xi1> -> vector<16xi32>
        %reduce_sum3A_331 = vector.extract %reduce_sum3A_330[15] : i32 from vector<16xi32>
        %convert_element_type3A_332 = arith.extui %lt3A_270 : vector<16xi1> to vector<16xi32>
        %reduce_sum3A_333 = arith.constant true
        %reduce_sum3A_334 = vector.broadcast %reduce_sum3A_333 : i1 to vector<16xi1>
        %reduce_sum3A_335 = tpu.scan <sum>, %convert_element_type3A_332 masked %reduce_sum3A_334 : vector<16xi32>, vector<16xi1> -> vector<16xi32>
        %reduce_sum3A_336 = vector.extract %reduce_sum3A_335[15] : i32 from vector<16xi32>
        %convert_element_type3A_337 = arith.extui %lt3A_289 : vector<16xi1> to vector<16xi32>
        %reduce_sum3A_338 = arith.constant true
        %reduce_sum3A_339 = vector.broadcast %reduce_sum3A_338 : i1 to vector<16xi1>
        %reduce_sum3A_340 = tpu.scan <sum>, %convert_element_type3A_337 masked %reduce_sum3A_339 : vector<16xi32>, vector<16xi1> -> vector<16xi32>
        %reduce_sum3A_341 = vector.extract %reduce_sum3A_340[15] : i32 from vector<16xi32>
        %convert_element_type3A_342 = arith.extui %lt3A_308 : vector<16xi1> to vector<16xi32>
        %reduce_sum3A_343 = arith.constant true
        %reduce_sum3A_344 = vector.broadcast %reduce_sum3A_343 : i1 to vector<16xi1>
        %reduce_sum3A_345 = tpu.scan <sum>, %convert_element_type3A_342 masked %reduce_sum3A_344 : vector<16xi32>, vector<16xi1> -> vector<16xi32>
        %reduce_sum3A_346 = vector.extract %reduce_sum3A_345[15] : i32 from vector<16xi32>
        %add3A_347 = arith.addi %while3A_154, %reduce_sum3A_311 : i32
        %add3A_348 = arith.addi %add3A_347, %reduce_sum3A_316 : i32
        %add3A_349 = arith.addi %add3A_348, %reduce_sum3A_321 : i32
        %add3A_350 = arith.addi %add3A_349, %reduce_sum3A_326 : i32
        %add3A_351 = arith.addi %add3A_350, %reduce_sum3A_331 : i32
        %add3A_352 = arith.addi %add3A_351, %reduce_sum3A_336 : i32
        %add3A_353 = arith.addi %add3A_352, %reduce_sum3A_341 : i32
        %add3A_354 = arith.addi %add3A_353, %reduce_sum3A_346 : i32
        %add3A_355 = arith.constant 0 : i32
        %add3A_356 = arith.addi %mul3A_156, %add3A_355 : i32
        %add3A_357 = vector.broadcast %add3A_356 : i32 to vector<16xi32>
        %add3A_358 = arith.addi %iota3A, %add3A_357 : vector<16xi32>
        %swap3A = arith.index_cast %while3A_154 : i32 to index
        %swap3A_359 = tpu.vector_load %arg15[%swap3A] masked %lt3A_175 {strides = array<i32>} : memref<192xi32, #tpu.memory_space<vmem>>, vector<16xi32>, vector<16xi1>
        tpu.vector_store %arg15[%swap3A], %add3A_358 masked %lt3A_175 {strides = array<i32>} : memref<192xi32, #tpu.memory_space<vmem>>, vector<16xi32>, vector<16xi1>
        %add3A_360 = arith.constant 16 : i32
        %add3A_361 = arith.addi %mul3A_156, %add3A_360 : i32
        %add3A_362 = vector.broadcast %add3A_361 : i32 to vector<16xi32>
        %add3A_363 = arith.addi %iota3A, %add3A_362 : vector<16xi32>
        %swap3A_364 = arith.index_cast %add3A_347 : i32 to index
        %swap3A_365 = tpu.vector_load %arg15[%swap3A_364] masked %lt3A_194 {strides = array<i32>} : memref<192xi32, #tpu.memory_space<vmem>>, vector<16xi32>, vector<16xi1>
        tpu.vector_store %arg15[%swap3A_364], %add3A_363 masked %lt3A_194 {strides = array<i32>} : memref<192xi32, #tpu.memory_space<vmem>>, vector<16xi32>, vector<16xi1>
        %add3A_366 = arith.constant 32 : i32
        %add3A_367 = arith.addi %mul3A_156, %add3A_366 : i32
        %add3A_368 = vector.broadcast %add3A_367 : i32 to vector<16xi32>
        %add3A_369 = arith.addi %iota3A, %add3A_368 : vector<16xi32>
        %swap3A_370 = arith.index_cast %add3A_348 : i32 to index
        %swap3A_371 = tpu.vector_load %arg15[%swap3A_370] masked %lt3A_213 {strides = array<i32>} : memref<192xi32, #tpu.memory_space<vmem>>, vector<16xi32>, vector<16xi1>
        tpu.vector_store %arg15[%swap3A_370], %add3A_369 masked %lt3A_213 {strides = array<i32>} : memref<192xi32, #tpu.memory_space<vmem>>, vector<16xi32>, vector<16xi1>
        %add3A_372 = arith.constant 48 : i32
        %add3A_373 = arith.addi %mul3A_156, %add3A_372 : i32
        %add3A_374 = vector.broadcast %add3A_373 : i32 to vector<16xi32>
        %add3A_375 = arith.addi %iota3A, %add3A_374 : vector<16xi32>
        %swap3A_376 = arith.index_cast %add3A_349 : i32 to index
        %swap3A_377 = tpu.vector_load %arg15[%swap3A_376] masked %lt3A_232 {strides = array<i32>} : memref<192xi32, #tpu.memory_space<vmem>>, vector<16xi32>, vector<16xi1>
        tpu.vector_store %arg15[%swap3A_376], %add3A_375 masked %lt3A_232 {strides = array<i32>} : memref<192xi32, #tpu.memory_space<vmem>>, vector<16xi32>, vector<16xi1>
        %add3A_378 = arith.constant 64 : i32
        %add3A_379 = arith.addi %mul3A_156, %add3A_378 : i32
        %add3A_380 = vector.broadcast %add3A_379 : i32 to vector<16xi32>
        %add3A_381 = arith.addi %iota3A, %add3A_380 : vector<16xi32>
        %swap3A_382 = arith.index_cast %add3A_350 : i32 to index
        %swap3A_383 = tpu.vector_load %arg15[%swap3A_382] masked %lt3A_251 {strides = array<i32>} : memref<192xi32, #tpu.memory_space<vmem>>, vector<16xi32>, vector<16xi1>
        tpu.vector_store %arg15[%swap3A_382], %add3A_381 masked %lt3A_251 {strides = array<i32>} : memref<192xi32, #tpu.memory_space<vmem>>, vector<16xi32>, vector<16xi1>
        %add3A_384 = arith.constant 80 : i32
        %add3A_385 = arith.addi %mul3A_156, %add3A_384 : i32
        %add3A_386 = vector.broadcast %add3A_385 : i32 to vector<16xi32>
        %add3A_387 = arith.addi %iota3A, %add3A_386 : vector<16xi32>
        %swap3A_388 = arith.index_cast %add3A_351 : i32 to index
        %swap3A_389 = tpu.vector_load %arg15[%swap3A_388] masked %lt3A_270 {strides = array<i32>} : memref<192xi32, #tpu.memory_space<vmem>>, vector<16xi32>, vector<16xi1>
        tpu.vector_store %arg15[%swap3A_388], %add3A_387 masked %lt3A_270 {strides = array<i32>} : memref<192xi32, #tpu.memory_space<vmem>>, vector<16xi32>, vector<16xi1>
        %add3A_390 = arith.constant 96 : i32
        %add3A_391 = arith.addi %mul3A_156, %add3A_390 : i32
        %add3A_392 = vector.broadcast %add3A_391 : i32 to vector<16xi32>
        %add3A_393 = arith.addi %iota3A, %add3A_392 : vector<16xi32>
        %swap3A_394 = arith.index_cast %add3A_352 : i32 to index
        %swap3A_395 = tpu.vector_load %arg15[%swap3A_394] masked %lt3A_289 {strides = array<i32>} : memref<192xi32, #tpu.memory_space<vmem>>, vector<16xi32>, vector<16xi1>
        tpu.vector_store %arg15[%swap3A_394], %add3A_393 masked %lt3A_289 {strides = array<i32>} : memref<192xi32, #tpu.memory_space<vmem>>, vector<16xi32>, vector<16xi1>
        %add3A_396 = arith.constant 112 : i32
        %add3A_397 = arith.addi %mul3A_156, %add3A_396 : i32
        %add3A_398 = vector.broadcast %add3A_397 : i32 to vector<16xi32>
        %add3A_399 = arith.addi %iota3A, %add3A_398 : vector<16xi32>
        %swap3A_400 = arith.index_cast %add3A_353 : i32 to index
        %swap3A_401 = tpu.vector_load %arg15[%swap3A_400] masked %lt3A_308 {strides = array<i32>} : memref<192xi32, #tpu.memory_space<vmem>>, vector<16xi32>, vector<16xi1>
        tpu.vector_store %arg15[%swap3A_400], %add3A_399 masked %lt3A_308 {strides = array<i32>} : memref<192xi32, #tpu.memory_space<vmem>>, vector<16xi32>, vector<16xi1>
        %add3A_402 = arith.constant 1 : i32
        %add3A_403 = arith.addi %while3A_153, %add3A_402 : i32
        scf.yield %add3A_403, %add3A_354 : i32, i32
      }
      %add3A_36 = vector.broadcast %while3A_35#1 : i32 to vector<16xi32>
      %add3A_37 = arith.addi %broadcast_in_dim3A_19, %add3A_36 : vector<16xi32>
      %get3A = arith.constant 0 : index
      %get3A_38 = tpu.vector_load %arg15[%get3A] {strides = array<i32>} : memref<192xi32, #tpu.memory_space<vmem>>, vector<16xi32>,
      %lt3A = arith.cmpi slt, %iota3A, %add3A_37 : vector<16xi32>
      %jit3A_39 = arith.constant 1073741824 : i32
      %broadcast_in_dim3A_40 = vector.broadcast %jit3A_39 : i32 to vector<16xi32>
      %select_n3A_41 = arith.select %lt3A, %get3A_38, %broadcast_in_dim3A_40 : vector<16xi1>, vector<16xi32>
      %reduce_min3A = arith.constant true
      %reduce_min3A_42 = vector.broadcast %reduce_min3A : i1 to vector<16xi1>
      %reduce_min3A_43 = arith.constant -2147483648 : i32
      %reduce_min3A_44 = vector.broadcast %reduce_min3A_43 : i32 to vector<16xi32>
      %reduce_min3A_45 = arith.xori %select_n3A_41, %reduce_min3A_44 : vector<16xi32>
      %reduce_min3A_46 = tpu.scan <min>, %reduce_min3A_45 masked %reduce_min3A_42 : vector<16xi32>, vector<16xi1> -> vector<16xi32>
      %reduce_min3A_47 = arith.xori %reduce_min3A_46, %reduce_min3A_44 : vector<16xi32>
      %reduce_min3A_48 = vector.extract %reduce_min3A_47[15] : i32 from vector<16xi32>
      %gt3A = arith.constant 0 : i32
      %gt3A_49 = arith.cmpi sgt, %while3A_35#1, %gt3A : i32
      %jit3A_50 = arith.constant 0 : i32
      %select_n3A_51 = arith.select %gt3A_49, %reduce_min3A_48, %jit3A_50 : i32
      %add3A_52 = vector.broadcast %select_n3A_51 : i32 to vector<16xi32>
      %add3A_53 = arith.addi %broadcast_in_dim3A_19, %add3A_52 : vector<16xi32>
      %add3A_54 = arith.constant 0 : i32
      %add3A_55 = vector.broadcast %add3A_54 : i32 to vector<16xi32>
      %add3A_56 = arith.addi %iota3A, %add3A_55 : vector<16xi32>
      %ge3A = arith.cmpi sge, %add3A_56, %add3A_37 : vector<16xi32>
      tpu.vector_store_idx %arg15[%add3A_56], %add3A_53 masked %ge3A : memref<192xi32, #tpu.memory_space<vmem>>[vector<16xi32>], vector<16xi32>, vector<16xi1>
      %add3A_57 = arith.constant 16 : i32
      %add3A_58 = vector.broadcast %add3A_57 : i32 to vector<16xi32>
      %add3A_59 = arith.addi %iota3A, %add3A_58 : vector<16xi32>
      %ge3A_60 = arith.cmpi sge, %add3A_59, %add3A_37 : vector<16xi32>
      tpu.vector_store_idx %arg15[%add3A_59], %add3A_53 masked %ge3A_60 : memref<192xi32, #tpu.memory_space<vmem>>[vector<16xi32>], vector<16xi32>, vector<16xi1>
      %add3A_61 = arith.constant 32 : i32
      %add3A_62 = vector.broadcast %add3A_61 : i32 to vector<16xi32>
      %add3A_63 = arith.addi %iota3A, %add3A_62 : vector<16xi32>
      %ge3A_64 = arith.cmpi sge, %add3A_63, %add3A_37 : vector<16xi32>
      tpu.vector_store_idx %arg15[%add3A_63], %add3A_53 masked %ge3A_64 : memref<192xi32, #tpu.memory_space<vmem>>[vector<16xi32>], vector<16xi32>, vector<16xi1>
      %add3A_65 = arith.constant 48 : i32
      %add3A_66 = vector.broadcast %add3A_65 : i32 to vector<16xi32>
      %add3A_67 = arith.addi %iota3A, %add3A_66 : vector<16xi32>
      %ge3A_68 = arith.cmpi sge, %add3A_67, %add3A_37 : vector<16xi32>
      tpu.vector_store_idx %arg15[%add3A_67], %add3A_53 masked %ge3A_68 : memref<192xi32, #tpu.memory_space<vmem>>[vector<16xi32>], vector<16xi32>, vector<16xi1>
      %add3A_69 = arith.constant 0 : i32
      %add3A_70 = vector.broadcast %add3A_69 : i32 to vector<16xi32>
      %add3A_71 = arith.addi %iota3A, %add3A_70 : vector<16xi32>
      %get3A_72 = arith.constant 0 : index
      %get3A_73 = tpu.vector_load %arg15[%get3A_72] {strides = array<i32>} : memref<192xi32, #tpu.memory_space<vmem>>, vector<16xi32>,
      %gather3A_74 = tpu.vector_load_idx %arg9[%get3A_73] : memref<16384xf32, #tpu.memory_space<vmem>>[vector<16xi32>], vector<16xf32>,
      %gather3A_75 = tpu.vector_load_idx %arg10[%get3A_73] : memref<16384xf32, #tpu.memory_space<vmem>>[vector<16xi32>], vector<16xf32>,
      %gather3A_76 = tpu.vector_load_idx %arg11[%get3A_73] : memref<16384xf32, #tpu.memory_space<vmem>>[vector<16xi32>], vector<16xf32>,
      %mul3A_77 = arith.constant 64 : i32
      %mul3A_78 = vector.broadcast %mul3A_77 : i32 to vector<16xi32>
      %mul3A_79 = arith.muli %add3A_31, %mul3A_78 : vector<16xi32>
      %add3A_80 = arith.addi %mul3A_79, %add3A_71 : vector<16xi32>
      %mul3A_81 = arith.constant 3 : i32
      %mul3A_82 = vector.broadcast %mul3A_81 : i32 to vector<16xi32>
      %mul3A_83 = arith.muli %add3A_80, %mul3A_82 : vector<16xi32>
      tpu.vector_store_idx %arg16[%mul3A_83], %gather3A_74 : memref<12288xf32, #tpu.memory_space<vmem>>[vector<16xi32>], vector<16xf32>,
      %add3A_84 = arith.constant 1 : i32
      %add3A_85 = vector.broadcast %add3A_84 : i32 to vector<16xi32>
      %add3A_86 = arith.addi %mul3A_83, %add3A_85 : vector<16xi32>
      tpu.vector_store_idx %arg16[%add3A_86], %gather3A_75 : memref<12288xf32, #tpu.memory_space<vmem>>[vector<16xi32>], vector<16xf32>,
      %add3A_87 = arith.constant 2 : i32
      %add3A_88 = vector.broadcast %add3A_87 : i32 to vector<16xi32>
      %add3A_89 = arith.addi %mul3A_83, %add3A_88 : vector<16xi32>
      tpu.vector_store_idx %arg16[%add3A_89], %gather3A_76 : memref<12288xf32, #tpu.memory_space<vmem>>[vector<16xi32>], vector<16xf32>,
      %add3A_90 = arith.constant 16 : i32
      %add3A_91 = vector.broadcast %add3A_90 : i32 to vector<16xi32>
      %add3A_92 = arith.addi %iota3A, %add3A_91 : vector<16xi32>
      %get3A_93 = arith.constant 16 : index
      %get3A_94 = tpu.vector_load %arg15[%get3A_93] {strides = array<i32>} : memref<192xi32, #tpu.memory_space<vmem>>, vector<16xi32>,
      %gather3A_95 = tpu.vector_load_idx %arg9[%get3A_94] : memref<16384xf32, #tpu.memory_space<vmem>>[vector<16xi32>], vector<16xf32>,
      %gather3A_96 = tpu.vector_load_idx %arg10[%get3A_94] : memref<16384xf32, #tpu.memory_space<vmem>>[vector<16xi32>], vector<16xf32>,
      %gather3A_97 = tpu.vector_load_idx %arg11[%get3A_94] : memref<16384xf32, #tpu.memory_space<vmem>>[vector<16xi32>], vector<16xf32>,
      %mul3A_98 = arith.constant 64 : i32
      %mul3A_99 = vector.broadcast %mul3A_98 : i32 to vector<16xi32>
      %mul3A_100 = arith.muli %add3A_31, %mul3A_99 : vector<16xi32>
      %add3A_101 = arith.addi %mul3A_100, %add3A_92 : vector<16xi32>
      %mul3A_102 = arith.constant 3 : i32
      %mul3A_103 = vector.broadcast %mul3A_102 : i32 to vector<16xi32>
      %mul3A_104 = arith.muli %add3A_101, %mul3A_103 : vector<16xi32>
      tpu.vector_store_idx %arg16[%mul3A_104], %gather3A_95 : memref<12288xf32, #tpu.memory_space<vmem>>[vector<16xi32>], vector<16xf32>,
      %add3A_105 = arith.constant 1 : i32
      %add3A_106 = vector.broadcast %add3A_105 : i32 to vector<16xi32>
      %add3A_107 = arith.addi %mul3A_104, %add3A_106 : vector<16xi32>
      tpu.vector_store_idx %arg16[%add3A_107], %gather3A_96 : memref<12288xf32, #tpu.memory_space<vmem>>[vector<16xi32>], vector<16xf32>,
      %add3A_108 = arith.constant 2 : i32
      %add3A_109 = vector.broadcast %add3A_108 : i32 to vector<16xi32>
      %add3A_110 = arith.addi %mul3A_104, %add3A_109 : vector<16xi32>
      tpu.vector_store_idx %arg16[%add3A_110], %gather3A_97 : memref<12288xf32, #tpu.memory_space<vmem>>[vector<16xi32>], vector<16xf32>,
      %add3A_111 = arith.constant 32 : i32
      %add3A_112 = vector.broadcast %add3A_111 : i32 to vector<16xi32>
      %add3A_113 = arith.addi %iota3A, %add3A_112 : vector<16xi32>
      %get3A_114 = arith.constant 32 : index
      %get3A_115 = tpu.vector_load %arg15[%get3A_114] {strides = array<i32>} : memref<192xi32, #tpu.memory_space<vmem>>, vector<16xi32>,
      %gather3A_116 = tpu.vector_load_idx %arg9[%get3A_115] : memref<16384xf32, #tpu.memory_space<vmem>>[vector<16xi32>], vector<16xf32>,
      %gather3A_117 = tpu.vector_load_idx %arg10[%get3A_115] : memref<16384xf32, #tpu.memory_space<vmem>>[vector<16xi32>], vector<16xf32>,
      %gather3A_118 = tpu.vector_load_idx %arg11[%get3A_115] : memref<16384xf32, #tpu.memory_space<vmem>>[vector<16xi32>], vector<16xf32>,
      %mul3A_119 = arith.constant 64 : i32
      %mul3A_120 = vector.broadcast %mul3A_119 : i32 to vector<16xi32>
      %mul3A_121 = arith.muli %add3A_31, %mul3A_120 : vector<16xi32>
      %add3A_122 = arith.addi %mul3A_121, %add3A_113 : vector<16xi32>
      %mul3A_123 = arith.constant 3 : i32
      %mul3A_124 = vector.broadcast %mul3A_123 : i32 to vector<16xi32>
      %mul3A_125 = arith.muli %add3A_122, %mul3A_124 : vector<16xi32>
      tpu.vector_store_idx %arg16[%mul3A_125], %gather3A_116 : memref<12288xf32, #tpu.memory_space<vmem>>[vector<16xi32>], vector<16xf32>,
      %add3A_126 = arith.constant 1 : i32
      %add3A_127 = vector.broadcast %add3A_126 : i32 to vector<16xi32>
      %add3A_128 = arith.addi %mul3A_125, %add3A_127 : vector<16xi32>
      tpu.vector_store_idx %arg16[%add3A_128], %gather3A_117 : memref<12288xf32, #tpu.memory_space<vmem>>[vector<16xi32>], vector<16xf32>,
      %add3A_129 = arith.constant 2 : i32
      %add3A_130 = vector.broadcast %add3A_129 : i32 to vector<16xi32>
      %add3A_131 = arith.addi %mul3A_125, %add3A_130 : vector<16xi32>
      tpu.vector_store_idx %arg16[%add3A_131], %gather3A_118 : memref<12288xf32, #tpu.memory_space<vmem>>[vector<16xi32>], vector<16xf32>,
      %add3A_132 = arith.constant 48 : i32
      %add3A_133 = vector.broadcast %add3A_132 : i32 to vector<16xi32>
      %add3A_134 = arith.addi %iota3A, %add3A_133 : vector<16xi32>
      %get3A_135 = arith.constant 48 : index
      %get3A_136 = tpu.vector_load %arg15[%get3A_135] {strides = array<i32>} : memref<192xi32, #tpu.memory_space<vmem>>, vector<16xi32>,
      %gather3A_137 = tpu.vector_load_idx %arg9[%get3A_136] : memref<16384xf32, #tpu.memory_space<vmem>>[vector<16xi32>], vector<16xf32>,
      %gather3A_138 = tpu.vector_load_idx %arg10[%get3A_136] : memref<16384xf32, #tpu.memory_space<vmem>>[vector<16xi32>], vector<16xf32>,
      %gather3A_139 = tpu.vector_load_idx %arg11[%get3A_136] : memref<16384xf32, #tpu.memory_space<vmem>>[vector<16xi32>], vector<16xf32>,
      %mul3A_140 = arith.constant 64 : i32
      %mul3A_141 = vector.broadcast %mul3A_140 : i32 to vector<16xi32>
      %mul3A_142 = arith.muli %add3A_31, %mul3A_141 : vector<16xi32>
      %add3A_143 = arith.addi %mul3A_142, %add3A_134 : vector<16xi32>
      %mul3A_144 = arith.constant 3 : i32
      %mul3A_145 = vector.broadcast %mul3A_144 : i32 to vector<16xi32>
      %mul3A_146 = arith.muli %add3A_143, %mul3A_145 : vector<16xi32>
      tpu.vector_store_idx %arg16[%mul3A_146], %gather3A_137 : memref<12288xf32, #tpu.memory_space<vmem>>[vector<16xi32>], vector<16xf32>,
      %add3A_147 = arith.constant 1 : i32
      %add3A_148 = vector.broadcast %add3A_147 : i32 to vector<16xi32>
      %add3A_149 = arith.addi %mul3A_146, %add3A_148 : vector<16xi32>
      tpu.vector_store_idx %arg16[%add3A_149], %gather3A_138 : memref<12288xf32, #tpu.memory_space<vmem>>[vector<16xi32>], vector<16xf32>,
      %add3A_150 = arith.constant 2 : i32
      %add3A_151 = vector.broadcast %add3A_150 : i32 to vector<16xi32>
      %add3A_152 = arith.addi %mul3A_146, %add3A_151 : vector<16xi32>
      tpu.vector_store_idx %arg16[%add3A_152], %gather3A_139 : memref<12288xf32, #tpu.memory_space<vmem>>[vector<16xi32>], vector<16xf32>,
    }
    %scan3A_24 = arith.constant 64 : i32
    %mul3A_25 = arith.constant 64 : i32
    %mul3A_26 = arith.muli %mul3A_2, %mul3A_25 : i32
    %mul3A_27 = arith.constant 3 : i32
    %mul3A_28 = arith.muli %mul3A_26, %mul3A_27 : i32
    "tpu.region"() ({
      %run_scoped3A = tpu.sem_alloc : memref<!tpu.dma_semaphore, #tpu.memory_space<semaphore_mem>>
      %dma_start3A = tpu.memref_slice %arg8[%mul3A_28] : memref<393216xf32, #tpu.memory_space<hbm>> -> memref<12288xf32, #tpu.memory_space<hbm>>
      %dma_start3A_29 = tpu.memref_slice %arg8[%mul3A_28] : memref<393216xf32, #tpu.memory_space<hbm>> -> memref<12288xf32, #tpu.memory_space<hbm>>
      tpu.enqueue_dma source(%arg16 : memref<12288xf32, #tpu.memory_space<vmem>>) target(%dma_start3A_29 : memref<12288xf32, #tpu.memory_space<hbm>>) target_semaphore(%run_scoped3A : memref<!tpu.dma_semaphore, #tpu.memory_space<semaphore_mem>>)
      %dma_wait3A = tpu.memref_slice %arg8[%mul3A_28] : memref<393216xf32, #tpu.memory_space<hbm>> -> memref<12288xf32, #tpu.memory_space<hbm>>
      %dma_wait3A_30 = tpu.memref_slice %arg8[%mul3A_28] : memref<393216xf32, #tpu.memory_space<hbm>> -> memref<12288xf32, #tpu.memory_space<hbm>>
      tpu.wait_dma2 semaphore(%run_scoped3A : memref<!tpu.dma_semaphore, #tpu.memory_space<semaphore_mem>>) src(%arg16 : memref<12288xf32, #tpu.memory_space<vmem>>) dst(%dma_wait3A_30 : memref<12288xf32, #tpu.memory_space<hbm>>)
      tpu.yield
    }) : () -> ()
    return
  }
}

module attributes {stable_mosaic.version = 14 : i64} {
  func.func @_fps_kernel(%arg0: memref<2x3x8x2048xf32, #tpu.memory_space<vmem>>, %arg1: memref<2x1024x1xi32, #tpu.memory_space<vmem>>, %arg2: memref<2x1024x3xf32, #tpu.memory_space<vmem>>) attributes {dimension_semantics = [], scalar_prefetch = 0 : i64, scratch_operands = 0 : i64, tpu.core_type = #tpu.core_type<tc>} {
    %get3A = arith.constant 0 : index
    %get3A_0 = arith.constant 0 : index
    %get3A_1 = arith.constant 0 : index
    %get3A_2 = arith.constant 0 : index
    %get3A_3 = vector.load %arg0[%get3A, %get3A_0, %get3A_1, %get3A_2] : memref<2x3x8x2048xf32, #tpu.memory_space<vmem>>, vector<2x1x8x2048xf32>
    %get3A_4 = vector.shape_cast %get3A_3 : vector<2x1x8x2048xf32> to vector<2x8x2048xf32>
    %get3A_5 = arith.constant 0 : index
    %get3A_6 = arith.constant 1 : index
    %get3A_7 = arith.constant 0 : index
    %get3A_8 = arith.constant 0 : index
    %get3A_9 = vector.load %arg0[%get3A_5, %get3A_6, %get3A_7, %get3A_8] : memref<2x3x8x2048xf32, #tpu.memory_space<vmem>>, vector<2x1x8x2048xf32>
    %get3A_10 = vector.shape_cast %get3A_9 : vector<2x1x8x2048xf32> to vector<2x8x2048xf32>
    %get3A_11 = arith.constant 0 : index
    %get3A_12 = arith.constant 2 : index
    %get3A_13 = arith.constant 0 : index
    %get3A_14 = arith.constant 0 : index
    %get3A_15 = vector.load %arg0[%get3A_11, %get3A_12, %get3A_13, %get3A_14] : memref<2x3x8x2048xf32, #tpu.memory_space<vmem>>, vector<2x1x8x2048xf32>
    %get3A_16 = vector.shape_cast %get3A_15 : vector<2x1x8x2048xf32> to vector<2x8x2048xf32>
    %iota3A = tpu.iota {dimensions = array<i32: 1>} : vector<2x8x2048xi32>
    %mul3A = arith.constant 2048 : i32
    %mul3A_17 = vector.broadcast %mul3A : i32 to vector<2x8x2048xi32>
    %mul3A_18 = arith.muli %iota3A, %mul3A_17 : vector<2x8x2048xi32>
    %iota3A_19 = tpu.iota {dimensions = array<i32: 2>} : vector<2x8x2048xi32>
    %add3A = arith.addi %mul3A_18, %iota3A_19 : vector<2x8x2048xi32>
    %get3A_20 = arith.constant 0 : index
    %get3A_21 = arith.constant 0 : index
    %get3A_22 = arith.constant 0 : index
    %get3A_23 = arith.constant 0 : index
    %get3A_24 = vector.load %arg0[%get3A_20, %get3A_21, %get3A_22, %get3A_23] : memref<2x3x8x2048xf32, #tpu.memory_space<vmem>>, vector<2x3x8x2048xf32>
    %broadcast_in_dim3A = arith.constant 0 : i32
    %broadcast_in_dim3A_25 = vector.broadcast %broadcast_in_dim3A : i32 to vector<2x1x1xi32>
    %swap3A = arith.constant 0 : index
    %swap3A_26 = arith.constant 0 : index
    %swap3A_27 = arith.constant 0 : index
    %swap3A_28 = vector.load %arg1[%swap3A, %swap3A_26, %swap3A_27] : memref<2x1024x1xi32, #tpu.memory_space<vmem>>, vector<2x1x1xi32>
    tpu.vector_store %arg1[%swap3A, %swap3A_26, %swap3A_27], %broadcast_in_dim3A_25 {strides = array<i32>} : memref<2x1024x1xi32, #tpu.memory_space<vmem>>, vector<2x1x1xi32>,
    %broadcast_in_dim3A_29 = arith.constant 1.000000e+10 : f32
    %broadcast_in_dim3A_30 = vector.broadcast %broadcast_in_dim3A_29 : f32 to vector<2x8x2048xf32>
    %broadcast_in_dim3A_31 = arith.constant 0 : i32
    %broadcast_in_dim3A_32 = vector.broadcast %broadcast_in_dim3A_31 : i32 to vector<2x1x1xi32>
    %scan3A = arith.constant 1 : i32
    %scan3A_33 = arith.constant 1023 : i32
    %scan3A_34 = arith.addi %scan3A, %scan3A_33 : i32
    %scan3A_35 = arith.constant 1 : i32
    %scan3A_36:2 = scf.for %scan3A_56 = %scan3A to %scan3A_34 step %scan3A_35 iter_args(%scan3A_57 = %broadcast_in_dim3A_30, %scan3A_58 = %broadcast_in_dim3A_32) -> (vector<2x8x2048xf32>, vector<2x1x1xi32>)  : i32 {
      %eq3A_59 = vector.broadcast %scan3A_58 : vector<2x1x1xi32> to vector<2x8x2048xi32>
      %eq3A_60 = arith.cmpi eq, %add3A, %eq3A_59 : vector<2x8x2048xi32>
      %broadcast_in_dim3A_61 = vector.shape_cast %eq3A_60 : vector<2x8x2048xi1> to vector<2x1x8x2048xi1>
      %jit3A_62 = arith.constant 0.000000e+00 : f32
      %broadcast_in_dim3A_63 = vector.shape_cast %broadcast_in_dim3A_61 : vector<2x1x8x2048xi1> to vector<2x1x8x2048xi1>
      %broadcast_in_dim3A_64 = vector.broadcast %broadcast_in_dim3A_63 : vector<2x1x8x2048xi1> to vector<2x3x8x2048xi1>
      %broadcast_in_dim3A_65 = vector.broadcast %jit3A_62 : f32 to vector<2x3x8x2048xf32>
      %select_n3A_66 = arith.select %broadcast_in_dim3A_64, %get3A_24, %broadcast_in_dim3A_65 : vector<2x3x8x2048xi1>, vector<2x3x8x2048xf32>
      %reduce_sum3A_67 = arith.constant dense<0.000000e+00> : vector<2x3x8xf32>
      %reduce_sum3A_68 = vector.multi_reduction <add>, %select_n3A_66, %reduce_sum3A_67 [3] : vector<2x3x8x2048xf32> to vector<2x3x8xf32>
      %broadcast_in_dim3A_69 = vector.shape_cast %reduce_sum3A_68 : vector<2x3x8xf32> to vector<2x3x8x1xf32>
      %reduce_sum3A_70 = arith.constant dense<0.000000e+00> : vector<2x3x1xf32>
      %reduce_sum3A_71 = vector.multi_reduction <add>, %broadcast_in_dim3A_69, %reduce_sum3A_70 [2] : vector<2x3x8x1xf32> to vector<2x3x1xf32>
      %broadcast_in_dim3A_72 = vector.shape_cast %reduce_sum3A_71 : vector<2x3x1xf32> to vector<2x3x1x1xf32>
      %slice3A_73 = vector.extract_strided_slice %broadcast_in_dim3A_72 {offsets = [0, 0, 0, 0], sizes = [2, 1, 1, 1], strides = [1, 1, 1, 1]} : vector<2x3x1x1xf32> to vector<2x1x1x1xf32>
      %squeeze3A_74 = vector.shape_cast %slice3A_73 : vector<2x1x1x1xf32> to vector<2x1x1xf32>
      %slice3A_75 = vector.extract_strided_slice %broadcast_in_dim3A_72 {offsets = [0, 1, 0, 0], sizes = [2, 1, 1, 1], strides = [1, 1, 1, 1]} : vector<2x3x1x1xf32> to vector<2x1x1x1xf32>
      %squeeze3A_76 = vector.shape_cast %slice3A_75 : vector<2x1x1x1xf32> to vector<2x1x1xf32>
      %slice3A_77 = vector.extract_strided_slice %broadcast_in_dim3A_72 {offsets = [0, 2, 0, 0], sizes = [2, 1, 1, 1], strides = [1, 1, 1, 1]} : vector<2x3x1x1xf32> to vector<2x1x1x1xf32>
      %squeeze3A_78 = vector.shape_cast %slice3A_77 : vector<2x1x1x1xf32> to vector<2x1x1xf32>
      %sub3A = arith.constant 1 : i32
      %sub3A_79 = arith.subi %scan3A_56, %sub3A : i32
      %concatenate3A_80 = tpu.concatenate %squeeze3A_74, %squeeze3A_76, %squeeze3A_78 in 2 : vector<2x1x1xf32>, vector<2x1x1xf32>, vector<2x1x1xf32> -> vector<2x1x3xf32>
      %swap3A_81 = arith.constant 0 : index
      %swap3A_82 = arith.index_cast %sub3A_79 : i32 to index
      %swap3A_83 = arith.constant 0 : index
      %swap3A_84 = vector.load %arg2[%swap3A_81, %swap3A_82, %swap3A_83] : memref<2x1024x3xf32, #tpu.memory_space<vmem>>, vector<2x1x3xf32>
      tpu.vector_store %arg2[%swap3A_81, %swap3A_82, %swap3A_83], %concatenate3A_80 {strides = array<i32>} : memref<2x1024x3xf32, #tpu.memory_space<vmem>>, vector<2x1x3xf32>,
      %sub3A_85 = vector.broadcast %squeeze3A_74 : vector<2x1x1xf32> to vector<2x8x2048xf32>
      %sub3A_86 = arith.subf %get3A_4, %sub3A_85 : vector<2x8x2048xf32>
      %sub3A_87 = vector.broadcast %squeeze3A_76 : vector<2x1x1xf32> to vector<2x8x2048xf32>
      %sub3A_88 = arith.subf %get3A_10, %sub3A_87 : vector<2x8x2048xf32>
      %sub3A_89 = vector.broadcast %squeeze3A_78 : vector<2x1x1xf32> to vector<2x8x2048xf32>
      %sub3A_90 = arith.subf %get3A_16, %sub3A_89 : vector<2x8x2048xf32>
      %mul3A_91 = arith.mulf %sub3A_86, %sub3A_86 : vector<2x8x2048xf32>
      %mul3A_92 = arith.mulf %sub3A_88, %sub3A_88 : vector<2x8x2048xf32>
      %add3A_93 = arith.addf %mul3A_91, %mul3A_92 : vector<2x8x2048xf32>
      %mul3A_94 = arith.mulf %sub3A_90, %sub3A_90 : vector<2x8x2048xf32>
      %add3A_95 = arith.addf %add3A_93, %mul3A_94 : vector<2x8x2048xf32>
      %min3A = arith.minimumf %scan3A_57, %add3A_95 : vector<2x8x2048xf32>
      %reduce_max3A = arith.constant dense<0xFF800000> : vector<2x8xf32>
      %reduce_max3A_96 = vector.multi_reduction <maximumf>, %min3A, %reduce_max3A [2] : vector<2x8x2048xf32> to vector<2x8xf32>
      %broadcast_in_dim3A_97 = vector.shape_cast %reduce_max3A_96 : vector<2x8xf32> to vector<2x8x1xf32>
      %reduce_max3A_98 = arith.constant dense<0xFF800000> : vector<2x1xf32>
      %reduce_max3A_99 = vector.multi_reduction <maximumf>, %broadcast_in_dim3A_97, %reduce_max3A_98 [1] : vector<2x8x1xf32> to vector<2x1xf32>
      %broadcast_in_dim3A_100 = vector.shape_cast %reduce_max3A_99 : vector<2x1xf32> to vector<2x1x1xf32>
      %eq3A_101 = vector.broadcast %broadcast_in_dim3A_100 : vector<2x1x1xf32> to vector<2x8x2048xf32>
      %eq3A_102 = arith.cmpf oeq, %min3A, %eq3A_101 : vector<2x8x2048xf32>
      %jit3A_103 = arith.constant 16384 : i32
      %broadcast_in_dim3A_104 = vector.broadcast %jit3A_103 : i32 to vector<2x8x2048xi32>
      %select_n3A_105 = arith.select %eq3A_102, %add3A, %broadcast_in_dim3A_104 : vector<2x8x2048xi1>, vector<2x8x2048xi32>
      %reduce_min3A = arith.constant dense<2147483647> : vector<2x8xi32>
      %reduce_min3A_106 = vector.multi_reduction <minsi>, %select_n3A_105, %reduce_min3A [2] : vector<2x8x2048xi32> to vector<2x8xi32>
      %broadcast_in_dim3A_107 = vector.shape_cast %reduce_min3A_106 : vector<2x8xi32> to vector<2x8x1xi32>
      %reduce_min3A_108 = arith.constant dense<2147483647> : vector<2x1xi32>
      %reduce_min3A_109 = vector.multi_reduction <minsi>, %broadcast_in_dim3A_107, %reduce_min3A_108 [1] : vector<2x8x1xi32> to vector<2x1xi32>
      %broadcast_in_dim3A_110 = vector.shape_cast %reduce_min3A_109 : vector<2x1xi32> to vector<2x1x1xi32>
      %swap3A_111 = arith.constant 0 : index
      %swap3A_112 = arith.index_cast %scan3A_56 : i32 to index
      %swap3A_113 = arith.constant 0 : index
      %swap3A_114 = vector.load %arg1[%swap3A_111, %swap3A_112, %swap3A_113] : memref<2x1024x1xi32, #tpu.memory_space<vmem>>, vector<2x1x1xi32>
      tpu.vector_store %arg1[%swap3A_111, %swap3A_112, %swap3A_113], %broadcast_in_dim3A_110 {strides = array<i32>} : memref<2x1024x1xi32, #tpu.memory_space<vmem>>, vector<2x1x1xi32>,
      scf.yield %min3A, %broadcast_in_dim3A_110 : vector<2x8x2048xf32>, vector<2x1x1xi32>
    }
    %scan3A_37 = arith.constant 1023 : i32
    %eq3A = vector.broadcast %scan3A_36#1 : vector<2x1x1xi32> to vector<2x8x2048xi32>
    %eq3A_38 = arith.cmpi eq, %add3A, %eq3A : vector<2x8x2048xi32>
    %broadcast_in_dim3A_39 = vector.shape_cast %eq3A_38 : vector<2x8x2048xi1> to vector<2x1x8x2048xi1>
    %jit3A = arith.constant 0.000000e+00 : f32
    %broadcast_in_dim3A_40 = vector.shape_cast %broadcast_in_dim3A_39 : vector<2x1x8x2048xi1> to vector<2x1x8x2048xi1>
    %broadcast_in_dim3A_41 = vector.broadcast %broadcast_in_dim3A_40 : vector<2x1x8x2048xi1> to vector<2x3x8x2048xi1>
    %broadcast_in_dim3A_42 = vector.broadcast %jit3A : f32 to vector<2x3x8x2048xf32>
    %select_n3A = arith.select %broadcast_in_dim3A_41, %get3A_24, %broadcast_in_dim3A_42 : vector<2x3x8x2048xi1>, vector<2x3x8x2048xf32>
    %reduce_sum3A = arith.constant dense<0.000000e+00> : vector<2x3x8xf32>
    %reduce_sum3A_43 = vector.multi_reduction <add>, %select_n3A, %reduce_sum3A [3] : vector<2x3x8x2048xf32> to vector<2x3x8xf32>
    %broadcast_in_dim3A_44 = vector.shape_cast %reduce_sum3A_43 : vector<2x3x8xf32> to vector<2x3x8x1xf32>
    %reduce_sum3A_45 = arith.constant dense<0.000000e+00> : vector<2x3x1xf32>
    %reduce_sum3A_46 = vector.multi_reduction <add>, %broadcast_in_dim3A_44, %reduce_sum3A_45 [2] : vector<2x3x8x1xf32> to vector<2x3x1xf32>
    %broadcast_in_dim3A_47 = vector.shape_cast %reduce_sum3A_46 : vector<2x3x1xf32> to vector<2x3x1x1xf32>
    %slice3A = vector.extract_strided_slice %broadcast_in_dim3A_47 {offsets = [0, 0, 0, 0], sizes = [2, 1, 1, 1], strides = [1, 1, 1, 1]} : vector<2x3x1x1xf32> to vector<2x1x1x1xf32>
    %squeeze3A = vector.shape_cast %slice3A : vector<2x1x1x1xf32> to vector<2x1x1xf32>
    %slice3A_48 = vector.extract_strided_slice %broadcast_in_dim3A_47 {offsets = [0, 1, 0, 0], sizes = [2, 1, 1, 1], strides = [1, 1, 1, 1]} : vector<2x3x1x1xf32> to vector<2x1x1x1xf32>
    %squeeze3A_49 = vector.shape_cast %slice3A_48 : vector<2x1x1x1xf32> to vector<2x1x1xf32>
    %slice3A_50 = vector.extract_strided_slice %broadcast_in_dim3A_47 {offsets = [0, 2, 0, 0], sizes = [2, 1, 1, 1], strides = [1, 1, 1, 1]} : vector<2x3x1x1xf32> to vector<2x1x1x1xf32>
    %squeeze3A_51 = vector.shape_cast %slice3A_50 : vector<2x1x1x1xf32> to vector<2x1x1xf32>
    %concatenate3A = tpu.concatenate %squeeze3A, %squeeze3A_49, %squeeze3A_51 in 2 : vector<2x1x1xf32>, vector<2x1x1xf32>, vector<2x1x1xf32> -> vector<2x1x3xf32>
    %swap3A_52 = arith.constant 0 : index
    %swap3A_53 = arith.constant 1023 : index
    %swap3A_54 = arith.constant 0 : index
    %swap3A_55 = vector.load %arg2[%swap3A_52, %swap3A_53, %swap3A_54] : memref<2x1024x3xf32, #tpu.memory_space<vmem>>, vector<2x1x3xf32>
    tpu.vector_store %arg2[%swap3A_52, %swap3A_53, %swap3A_54], %concatenate3A {strides = array<i32>} : memref<2x1024x3xf32, #tpu.memory_space<vmem>>, vector<2x1x3xf32>,
    return
  }
}

module attributes {stable_mosaic.version = 14 : i64} {
  func.func @_fps_kernel(%arg0: memref<2x3x8x128xf32, #tpu.memory_space<vmem>>, %arg1: memref<2x512x1xi32, #tpu.memory_space<vmem>>, %arg2: memref<2x512x3xf32, #tpu.memory_space<vmem>>) attributes {dimension_semantics = [], scalar_prefetch = 0 : i64, scratch_operands = 0 : i64, tpu.core_type = #tpu.core_type<tc>} {
    %get3A = arith.constant 0 : index
    %get3A_0 = arith.constant 0 : index
    %get3A_1 = arith.constant 0 : index
    %get3A_2 = arith.constant 0 : index
    %get3A_3 = vector.load %arg0[%get3A, %get3A_0, %get3A_1, %get3A_2] : memref<2x3x8x128xf32, #tpu.memory_space<vmem>>, vector<2x1x8x128xf32>
    %get3A_4 = vector.shape_cast %get3A_3 : vector<2x1x8x128xf32> to vector<2x8x128xf32>
    %get3A_5 = arith.constant 0 : index
    %get3A_6 = arith.constant 1 : index
    %get3A_7 = arith.constant 0 : index
    %get3A_8 = arith.constant 0 : index
    %get3A_9 = vector.load %arg0[%get3A_5, %get3A_6, %get3A_7, %get3A_8] : memref<2x3x8x128xf32, #tpu.memory_space<vmem>>, vector<2x1x8x128xf32>
    %get3A_10 = vector.shape_cast %get3A_9 : vector<2x1x8x128xf32> to vector<2x8x128xf32>
    %get3A_11 = arith.constant 0 : index
    %get3A_12 = arith.constant 2 : index
    %get3A_13 = arith.constant 0 : index
    %get3A_14 = arith.constant 0 : index
    %get3A_15 = vector.load %arg0[%get3A_11, %get3A_12, %get3A_13, %get3A_14] : memref<2x3x8x128xf32, #tpu.memory_space<vmem>>, vector<2x1x8x128xf32>
    %get3A_16 = vector.shape_cast %get3A_15 : vector<2x1x8x128xf32> to vector<2x8x128xf32>
    %iota3A = tpu.iota {dimensions = array<i32: 1>} : vector<2x8x128xi32>
    %mul3A = arith.constant 128 : i32
    %mul3A_17 = vector.broadcast %mul3A : i32 to vector<2x8x128xi32>
    %mul3A_18 = arith.muli %iota3A, %mul3A_17 : vector<2x8x128xi32>
    %iota3A_19 = tpu.iota {dimensions = array<i32: 2>} : vector<2x8x128xi32>
    %add3A = arith.addi %mul3A_18, %iota3A_19 : vector<2x8x128xi32>
    %get3A_20 = arith.constant 0 : index
    %get3A_21 = arith.constant 0 : index
    %get3A_22 = arith.constant 0 : index
    %get3A_23 = arith.constant 0 : index
    %get3A_24 = vector.load %arg0[%get3A_20, %get3A_21, %get3A_22, %get3A_23] : memref<2x3x8x128xf32, #tpu.memory_space<vmem>>, vector<2x3x8x128xf32>
    %broadcast_in_dim3A = arith.constant 0 : i32
    %broadcast_in_dim3A_25 = vector.broadcast %broadcast_in_dim3A : i32 to vector<2x1x1xi32>
    %swap3A = arith.constant 0 : index
    %swap3A_26 = arith.constant 0 : index
    %swap3A_27 = arith.constant 0 : index
    %swap3A_28 = vector.load %arg1[%swap3A, %swap3A_26, %swap3A_27] : memref<2x512x1xi32, #tpu.memory_space<vmem>>, vector<2x1x1xi32>
    tpu.vector_store %arg1[%swap3A, %swap3A_26, %swap3A_27], %broadcast_in_dim3A_25 {strides = array<i32>} : memref<2x512x1xi32, #tpu.memory_space<vmem>>, vector<2x1x1xi32>,
    %broadcast_in_dim3A_29 = arith.constant 1.000000e+10 : f32
    %broadcast_in_dim3A_30 = vector.broadcast %broadcast_in_dim3A_29 : f32 to vector<2x8x128xf32>
    %broadcast_in_dim3A_31 = arith.constant 0 : i32
    %broadcast_in_dim3A_32 = vector.broadcast %broadcast_in_dim3A_31 : i32 to vector<2x1x1xi32>
    %scan3A = arith.constant 1 : i32
    %scan3A_33 = arith.constant 511 : i32
    %scan3A_34 = arith.addi %scan3A, %scan3A_33 : i32
    %scan3A_35 = arith.constant 1 : i32
    %scan3A_36:2 = scf.for %scan3A_56 = %scan3A to %scan3A_34 step %scan3A_35 iter_args(%scan3A_57 = %broadcast_in_dim3A_30, %scan3A_58 = %broadcast_in_dim3A_32) -> (vector<2x8x128xf32>, vector<2x1x1xi32>)  : i32 {
      %eq3A_59 = vector.broadcast %scan3A_58 : vector<2x1x1xi32> to vector<2x8x128xi32>
      %eq3A_60 = arith.cmpi eq, %add3A, %eq3A_59 : vector<2x8x128xi32>
      %broadcast_in_dim3A_61 = vector.shape_cast %eq3A_60 : vector<2x8x128xi1> to vector<2x1x8x128xi1>
      %jit3A_62 = arith.constant 0.000000e+00 : f32
      %broadcast_in_dim3A_63 = vector.shape_cast %broadcast_in_dim3A_61 : vector<2x1x8x128xi1> to vector<2x1x8x128xi1>
      %broadcast_in_dim3A_64 = vector.broadcast %broadcast_in_dim3A_63 : vector<2x1x8x128xi1> to vector<2x3x8x128xi1>
      %broadcast_in_dim3A_65 = vector.broadcast %jit3A_62 : f32 to vector<2x3x8x128xf32>
      %select_n3A_66 = arith.select %broadcast_in_dim3A_64, %get3A_24, %broadcast_in_dim3A_65 : vector<2x3x8x128xi1>, vector<2x3x8x128xf32>
      %reduce_sum3A_67 = arith.constant dense<0.000000e+00> : vector<2x3x8xf32>
      %reduce_sum3A_68 = vector.multi_reduction <add>, %select_n3A_66, %reduce_sum3A_67 [3] : vector<2x3x8x128xf32> to vector<2x3x8xf32>
      %broadcast_in_dim3A_69 = vector.shape_cast %reduce_sum3A_68 : vector<2x3x8xf32> to vector<2x3x8x1xf32>
      %reduce_sum3A_70 = arith.constant dense<0.000000e+00> : vector<2x3x1xf32>
      %reduce_sum3A_71 = vector.multi_reduction <add>, %broadcast_in_dim3A_69, %reduce_sum3A_70 [2] : vector<2x3x8x1xf32> to vector<2x3x1xf32>
      %broadcast_in_dim3A_72 = vector.shape_cast %reduce_sum3A_71 : vector<2x3x1xf32> to vector<2x3x1x1xf32>
      %slice3A_73 = vector.extract_strided_slice %broadcast_in_dim3A_72 {offsets = [0, 0, 0, 0], sizes = [2, 1, 1, 1], strides = [1, 1, 1, 1]} : vector<2x3x1x1xf32> to vector<2x1x1x1xf32>
      %squeeze3A_74 = vector.shape_cast %slice3A_73 : vector<2x1x1x1xf32> to vector<2x1x1xf32>
      %slice3A_75 = vector.extract_strided_slice %broadcast_in_dim3A_72 {offsets = [0, 1, 0, 0], sizes = [2, 1, 1, 1], strides = [1, 1, 1, 1]} : vector<2x3x1x1xf32> to vector<2x1x1x1xf32>
      %squeeze3A_76 = vector.shape_cast %slice3A_75 : vector<2x1x1x1xf32> to vector<2x1x1xf32>
      %slice3A_77 = vector.extract_strided_slice %broadcast_in_dim3A_72 {offsets = [0, 2, 0, 0], sizes = [2, 1, 1, 1], strides = [1, 1, 1, 1]} : vector<2x3x1x1xf32> to vector<2x1x1x1xf32>
      %squeeze3A_78 = vector.shape_cast %slice3A_77 : vector<2x1x1x1xf32> to vector<2x1x1xf32>
      %sub3A = arith.constant 1 : i32
      %sub3A_79 = arith.subi %scan3A_56, %sub3A : i32
      %concatenate3A_80 = tpu.concatenate %squeeze3A_74, %squeeze3A_76, %squeeze3A_78 in 2 : vector<2x1x1xf32>, vector<2x1x1xf32>, vector<2x1x1xf32> -> vector<2x1x3xf32>
      %swap3A_81 = arith.constant 0 : index
      %swap3A_82 = arith.index_cast %sub3A_79 : i32 to index
      %swap3A_83 = arith.constant 0 : index
      %swap3A_84 = vector.load %arg2[%swap3A_81, %swap3A_82, %swap3A_83] : memref<2x512x3xf32, #tpu.memory_space<vmem>>, vector<2x1x3xf32>
      tpu.vector_store %arg2[%swap3A_81, %swap3A_82, %swap3A_83], %concatenate3A_80 {strides = array<i32>} : memref<2x512x3xf32, #tpu.memory_space<vmem>>, vector<2x1x3xf32>,
      %sub3A_85 = vector.broadcast %squeeze3A_74 : vector<2x1x1xf32> to vector<2x8x128xf32>
      %sub3A_86 = arith.subf %get3A_4, %sub3A_85 : vector<2x8x128xf32>
      %sub3A_87 = vector.broadcast %squeeze3A_76 : vector<2x1x1xf32> to vector<2x8x128xf32>
      %sub3A_88 = arith.subf %get3A_10, %sub3A_87 : vector<2x8x128xf32>
      %sub3A_89 = vector.broadcast %squeeze3A_78 : vector<2x1x1xf32> to vector<2x8x128xf32>
      %sub3A_90 = arith.subf %get3A_16, %sub3A_89 : vector<2x8x128xf32>
      %mul3A_91 = arith.mulf %sub3A_86, %sub3A_86 : vector<2x8x128xf32>
      %mul3A_92 = arith.mulf %sub3A_88, %sub3A_88 : vector<2x8x128xf32>
      %add3A_93 = arith.addf %mul3A_91, %mul3A_92 : vector<2x8x128xf32>
      %mul3A_94 = arith.mulf %sub3A_90, %sub3A_90 : vector<2x8x128xf32>
      %add3A_95 = arith.addf %add3A_93, %mul3A_94 : vector<2x8x128xf32>
      %min3A = arith.minimumf %scan3A_57, %add3A_95 : vector<2x8x128xf32>
      %reduce_max3A = arith.constant dense<0xFF800000> : vector<2x8xf32>
      %reduce_max3A_96 = vector.multi_reduction <maximumf>, %min3A, %reduce_max3A [2] : vector<2x8x128xf32> to vector<2x8xf32>
      %broadcast_in_dim3A_97 = vector.shape_cast %reduce_max3A_96 : vector<2x8xf32> to vector<2x8x1xf32>
      %reduce_max3A_98 = arith.constant dense<0xFF800000> : vector<2x1xf32>
      %reduce_max3A_99 = vector.multi_reduction <maximumf>, %broadcast_in_dim3A_97, %reduce_max3A_98 [1] : vector<2x8x1xf32> to vector<2x1xf32>
      %broadcast_in_dim3A_100 = vector.shape_cast %reduce_max3A_99 : vector<2x1xf32> to vector<2x1x1xf32>
      %eq3A_101 = vector.broadcast %broadcast_in_dim3A_100 : vector<2x1x1xf32> to vector<2x8x128xf32>
      %eq3A_102 = arith.cmpf oeq, %min3A, %eq3A_101 : vector<2x8x128xf32>
      %jit3A_103 = arith.constant 1024 : i32
      %broadcast_in_dim3A_104 = vector.broadcast %jit3A_103 : i32 to vector<2x8x128xi32>
      %select_n3A_105 = arith.select %eq3A_102, %add3A, %broadcast_in_dim3A_104 : vector<2x8x128xi1>, vector<2x8x128xi32>
      %reduce_min3A = arith.constant dense<2147483647> : vector<2x8xi32>
      %reduce_min3A_106 = vector.multi_reduction <minsi>, %select_n3A_105, %reduce_min3A [2] : vector<2x8x128xi32> to vector<2x8xi32>
      %broadcast_in_dim3A_107 = vector.shape_cast %reduce_min3A_106 : vector<2x8xi32> to vector<2x8x1xi32>
      %reduce_min3A_108 = arith.constant dense<2147483647> : vector<2x1xi32>
      %reduce_min3A_109 = vector.multi_reduction <minsi>, %broadcast_in_dim3A_107, %reduce_min3A_108 [1] : vector<2x8x1xi32> to vector<2x1xi32>
      %broadcast_in_dim3A_110 = vector.shape_cast %reduce_min3A_109 : vector<2x1xi32> to vector<2x1x1xi32>
      %swap3A_111 = arith.constant 0 : index
      %swap3A_112 = arith.index_cast %scan3A_56 : i32 to index
      %swap3A_113 = arith.constant 0 : index
      %swap3A_114 = vector.load %arg1[%swap3A_111, %swap3A_112, %swap3A_113] : memref<2x512x1xi32, #tpu.memory_space<vmem>>, vector<2x1x1xi32>
      tpu.vector_store %arg1[%swap3A_111, %swap3A_112, %swap3A_113], %broadcast_in_dim3A_110 {strides = array<i32>} : memref<2x512x1xi32, #tpu.memory_space<vmem>>, vector<2x1x1xi32>,
      scf.yield %min3A, %broadcast_in_dim3A_110 : vector<2x8x128xf32>, vector<2x1x1xi32>
    }
    %scan3A_37 = arith.constant 511 : i32
    %eq3A = vector.broadcast %scan3A_36#1 : vector<2x1x1xi32> to vector<2x8x128xi32>
    %eq3A_38 = arith.cmpi eq, %add3A, %eq3A : vector<2x8x128xi32>
    %broadcast_in_dim3A_39 = vector.shape_cast %eq3A_38 : vector<2x8x128xi1> to vector<2x1x8x128xi1>
    %jit3A = arith.constant 0.000000e+00 : f32
    %broadcast_in_dim3A_40 = vector.shape_cast %broadcast_in_dim3A_39 : vector<2x1x8x128xi1> to vector<2x1x8x128xi1>
    %broadcast_in_dim3A_41 = vector.broadcast %broadcast_in_dim3A_40 : vector<2x1x8x128xi1> to vector<2x3x8x128xi1>
    %broadcast_in_dim3A_42 = vector.broadcast %jit3A : f32 to vector<2x3x8x128xf32>
    %select_n3A = arith.select %broadcast_in_dim3A_41, %get3A_24, %broadcast_in_dim3A_42 : vector<2x3x8x128xi1>, vector<2x3x8x128xf32>
    %reduce_sum3A = arith.constant dense<0.000000e+00> : vector<2x3x8xf32>
    %reduce_sum3A_43 = vector.multi_reduction <add>, %select_n3A, %reduce_sum3A [3] : vector<2x3x8x128xf32> to vector<2x3x8xf32>
    %broadcast_in_dim3A_44 = vector.shape_cast %reduce_sum3A_43 : vector<2x3x8xf32> to vector<2x3x8x1xf32>
    %reduce_sum3A_45 = arith.constant dense<0.000000e+00> : vector<2x3x1xf32>
    %reduce_sum3A_46 = vector.multi_reduction <add>, %broadcast_in_dim3A_44, %reduce_sum3A_45 [2] : vector<2x3x8x1xf32> to vector<2x3x1xf32>
    %broadcast_in_dim3A_47 = vector.shape_cast %reduce_sum3A_46 : vector<2x3x1xf32> to vector<2x3x1x1xf32>
    %slice3A = vector.extract_strided_slice %broadcast_in_dim3A_47 {offsets = [0, 0, 0, 0], sizes = [2, 1, 1, 1], strides = [1, 1, 1, 1]} : vector<2x3x1x1xf32> to vector<2x1x1x1xf32>
    %squeeze3A = vector.shape_cast %slice3A : vector<2x1x1x1xf32> to vector<2x1x1xf32>
    %slice3A_48 = vector.extract_strided_slice %broadcast_in_dim3A_47 {offsets = [0, 1, 0, 0], sizes = [2, 1, 1, 1], strides = [1, 1, 1, 1]} : vector<2x3x1x1xf32> to vector<2x1x1x1xf32>
    %squeeze3A_49 = vector.shape_cast %slice3A_48 : vector<2x1x1x1xf32> to vector<2x1x1xf32>
    %slice3A_50 = vector.extract_strided_slice %broadcast_in_dim3A_47 {offsets = [0, 2, 0, 0], sizes = [2, 1, 1, 1], strides = [1, 1, 1, 1]} : vector<2x3x1x1xf32> to vector<2x1x1x1xf32>
    %squeeze3A_51 = vector.shape_cast %slice3A_50 : vector<2x1x1x1xf32> to vector<2x1x1xf32>
    %concatenate3A = tpu.concatenate %squeeze3A, %squeeze3A_49, %squeeze3A_51 in 2 : vector<2x1x1xf32>, vector<2x1x1xf32>, vector<2x1x1xf32> -> vector<2x1x3xf32>
    %swap3A_52 = arith.constant 0 : index
    %swap3A_53 = arith.constant 511 : index
    %swap3A_54 = arith.constant 0 : index
    %swap3A_55 = vector.load %arg2[%swap3A_52, %swap3A_53, %swap3A_54] : memref<2x512x3xf32, #tpu.memory_space<vmem>>, vector<2x1x3xf32>
    tpu.vector_store %arg2[%swap3A_52, %swap3A_53, %swap3A_54], %concatenate3A {strides = array<i32>} : memref<2x512x3xf32, #tpu.memory_space<vmem>>, vector<2x1x3xf32>,
    return
  }
}

module attributes {stable_mosaic.version = 14 : i64} {
  func.func @_fps_kernel(%arg0: memref<2x3x8x64xf32, #tpu.memory_space<vmem>>, %arg1: memref<2x256x1xi32, #tpu.memory_space<vmem>>, %arg2: memref<2x256x3xf32, #tpu.memory_space<vmem>>) attributes {dimension_semantics = [], scalar_prefetch = 0 : i64, scratch_operands = 0 : i64, tpu.core_type = #tpu.core_type<tc>} {
    %get3A = arith.constant 0 : index
    %get3A_0 = arith.constant 0 : index
    %get3A_1 = arith.constant 0 : index
    %get3A_2 = arith.constant 0 : index
    %get3A_3 = vector.load %arg0[%get3A, %get3A_0, %get3A_1, %get3A_2] : memref<2x3x8x64xf32, #tpu.memory_space<vmem>>, vector<2x1x8x64xf32>
    %get3A_4 = vector.shape_cast %get3A_3 : vector<2x1x8x64xf32> to vector<2x8x64xf32>
    %get3A_5 = arith.constant 0 : index
    %get3A_6 = arith.constant 1 : index
    %get3A_7 = arith.constant 0 : index
    %get3A_8 = arith.constant 0 : index
    %get3A_9 = vector.load %arg0[%get3A_5, %get3A_6, %get3A_7, %get3A_8] : memref<2x3x8x64xf32, #tpu.memory_space<vmem>>, vector<2x1x8x64xf32>
    %get3A_10 = vector.shape_cast %get3A_9 : vector<2x1x8x64xf32> to vector<2x8x64xf32>
    %get3A_11 = arith.constant 0 : index
    %get3A_12 = arith.constant 2 : index
    %get3A_13 = arith.constant 0 : index
    %get3A_14 = arith.constant 0 : index
    %get3A_15 = vector.load %arg0[%get3A_11, %get3A_12, %get3A_13, %get3A_14] : memref<2x3x8x64xf32, #tpu.memory_space<vmem>>, vector<2x1x8x64xf32>
    %get3A_16 = vector.shape_cast %get3A_15 : vector<2x1x8x64xf32> to vector<2x8x64xf32>
    %iota3A = tpu.iota {dimensions = array<i32: 1>} : vector<2x8x64xi32>
    %mul3A = arith.constant 64 : i32
    %mul3A_17 = vector.broadcast %mul3A : i32 to vector<2x8x64xi32>
    %mul3A_18 = arith.muli %iota3A, %mul3A_17 : vector<2x8x64xi32>
    %iota3A_19 = tpu.iota {dimensions = array<i32: 2>} : vector<2x8x64xi32>
    %add3A = arith.addi %mul3A_18, %iota3A_19 : vector<2x8x64xi32>
    %get3A_20 = arith.constant 0 : index
    %get3A_21 = arith.constant 0 : index
    %get3A_22 = arith.constant 0 : index
    %get3A_23 = arith.constant 0 : index
    %get3A_24 = vector.load %arg0[%get3A_20, %get3A_21, %get3A_22, %get3A_23] : memref<2x3x8x64xf32, #tpu.memory_space<vmem>>, vector<2x3x8x64xf32>
    %broadcast_in_dim3A = arith.constant 0 : i32
    %broadcast_in_dim3A_25 = vector.broadcast %broadcast_in_dim3A : i32 to vector<2x1x1xi32>
    %swap3A = arith.constant 0 : index
    %swap3A_26 = arith.constant 0 : index
    %swap3A_27 = arith.constant 0 : index
    %swap3A_28 = vector.load %arg1[%swap3A, %swap3A_26, %swap3A_27] : memref<2x256x1xi32, #tpu.memory_space<vmem>>, vector<2x1x1xi32>
    tpu.vector_store %arg1[%swap3A, %swap3A_26, %swap3A_27], %broadcast_in_dim3A_25 {strides = array<i32>} : memref<2x256x1xi32, #tpu.memory_space<vmem>>, vector<2x1x1xi32>,
    %broadcast_in_dim3A_29 = arith.constant 1.000000e+10 : f32
    %broadcast_in_dim3A_30 = vector.broadcast %broadcast_in_dim3A_29 : f32 to vector<2x8x64xf32>
    %broadcast_in_dim3A_31 = arith.constant 0 : i32
    %broadcast_in_dim3A_32 = vector.broadcast %broadcast_in_dim3A_31 : i32 to vector<2x1x1xi32>
    %scan3A = arith.constant 1 : i32
    %scan3A_33 = arith.constant 255 : i32
    %scan3A_34 = arith.addi %scan3A, %scan3A_33 : i32
    %scan3A_35 = arith.constant 1 : i32
    %scan3A_36:2 = scf.for %scan3A_56 = %scan3A to %scan3A_34 step %scan3A_35 iter_args(%scan3A_57 = %broadcast_in_dim3A_30, %scan3A_58 = %broadcast_in_dim3A_32) -> (vector<2x8x64xf32>, vector<2x1x1xi32>)  : i32 {
      %eq3A_59 = vector.broadcast %scan3A_58 : vector<2x1x1xi32> to vector<2x8x64xi32>
      %eq3A_60 = arith.cmpi eq, %add3A, %eq3A_59 : vector<2x8x64xi32>
      %broadcast_in_dim3A_61 = vector.shape_cast %eq3A_60 : vector<2x8x64xi1> to vector<2x1x8x64xi1>
      %jit3A_62 = arith.constant 0.000000e+00 : f32
      %broadcast_in_dim3A_63 = vector.shape_cast %broadcast_in_dim3A_61 : vector<2x1x8x64xi1> to vector<2x1x8x64xi1>
      %broadcast_in_dim3A_64 = vector.broadcast %broadcast_in_dim3A_63 : vector<2x1x8x64xi1> to vector<2x3x8x64xi1>
      %broadcast_in_dim3A_65 = vector.broadcast %jit3A_62 : f32 to vector<2x3x8x64xf32>
      %select_n3A_66 = arith.select %broadcast_in_dim3A_64, %get3A_24, %broadcast_in_dim3A_65 : vector<2x3x8x64xi1>, vector<2x3x8x64xf32>
      %reduce_sum3A_67 = arith.constant dense<0.000000e+00> : vector<2x3x8xf32>
      %reduce_sum3A_68 = vector.multi_reduction <add>, %select_n3A_66, %reduce_sum3A_67 [3] : vector<2x3x8x64xf32> to vector<2x3x8xf32>
      %broadcast_in_dim3A_69 = vector.shape_cast %reduce_sum3A_68 : vector<2x3x8xf32> to vector<2x3x8x1xf32>
      %reduce_sum3A_70 = arith.constant dense<0.000000e+00> : vector<2x3x1xf32>
      %reduce_sum3A_71 = vector.multi_reduction <add>, %broadcast_in_dim3A_69, %reduce_sum3A_70 [2] : vector<2x3x8x1xf32> to vector<2x3x1xf32>
      %broadcast_in_dim3A_72 = vector.shape_cast %reduce_sum3A_71 : vector<2x3x1xf32> to vector<2x3x1x1xf32>
      %slice3A_73 = vector.extract_strided_slice %broadcast_in_dim3A_72 {offsets = [0, 0, 0, 0], sizes = [2, 1, 1, 1], strides = [1, 1, 1, 1]} : vector<2x3x1x1xf32> to vector<2x1x1x1xf32>
      %squeeze3A_74 = vector.shape_cast %slice3A_73 : vector<2x1x1x1xf32> to vector<2x1x1xf32>
      %slice3A_75 = vector.extract_strided_slice %broadcast_in_dim3A_72 {offsets = [0, 1, 0, 0], sizes = [2, 1, 1, 1], strides = [1, 1, 1, 1]} : vector<2x3x1x1xf32> to vector<2x1x1x1xf32>
      %squeeze3A_76 = vector.shape_cast %slice3A_75 : vector<2x1x1x1xf32> to vector<2x1x1xf32>
      %slice3A_77 = vector.extract_strided_slice %broadcast_in_dim3A_72 {offsets = [0, 2, 0, 0], sizes = [2, 1, 1, 1], strides = [1, 1, 1, 1]} : vector<2x3x1x1xf32> to vector<2x1x1x1xf32>
      %squeeze3A_78 = vector.shape_cast %slice3A_77 : vector<2x1x1x1xf32> to vector<2x1x1xf32>
      %sub3A = arith.constant 1 : i32
      %sub3A_79 = arith.subi %scan3A_56, %sub3A : i32
      %concatenate3A_80 = tpu.concatenate %squeeze3A_74, %squeeze3A_76, %squeeze3A_78 in 2 : vector<2x1x1xf32>, vector<2x1x1xf32>, vector<2x1x1xf32> -> vector<2x1x3xf32>
      %swap3A_81 = arith.constant 0 : index
      %swap3A_82 = arith.index_cast %sub3A_79 : i32 to index
      %swap3A_83 = arith.constant 0 : index
      %swap3A_84 = vector.load %arg2[%swap3A_81, %swap3A_82, %swap3A_83] : memref<2x256x3xf32, #tpu.memory_space<vmem>>, vector<2x1x3xf32>
      tpu.vector_store %arg2[%swap3A_81, %swap3A_82, %swap3A_83], %concatenate3A_80 {strides = array<i32>} : memref<2x256x3xf32, #tpu.memory_space<vmem>>, vector<2x1x3xf32>,
      %sub3A_85 = vector.broadcast %squeeze3A_74 : vector<2x1x1xf32> to vector<2x8x64xf32>
      %sub3A_86 = arith.subf %get3A_4, %sub3A_85 : vector<2x8x64xf32>
      %sub3A_87 = vector.broadcast %squeeze3A_76 : vector<2x1x1xf32> to vector<2x8x64xf32>
      %sub3A_88 = arith.subf %get3A_10, %sub3A_87 : vector<2x8x64xf32>
      %sub3A_89 = vector.broadcast %squeeze3A_78 : vector<2x1x1xf32> to vector<2x8x64xf32>
      %sub3A_90 = arith.subf %get3A_16, %sub3A_89 : vector<2x8x64xf32>
      %mul3A_91 = arith.mulf %sub3A_86, %sub3A_86 : vector<2x8x64xf32>
      %mul3A_92 = arith.mulf %sub3A_88, %sub3A_88 : vector<2x8x64xf32>
      %add3A_93 = arith.addf %mul3A_91, %mul3A_92 : vector<2x8x64xf32>
      %mul3A_94 = arith.mulf %sub3A_90, %sub3A_90 : vector<2x8x64xf32>
      %add3A_95 = arith.addf %add3A_93, %mul3A_94 : vector<2x8x64xf32>
      %min3A = arith.minimumf %scan3A_57, %add3A_95 : vector<2x8x64xf32>
      %reduce_max3A = arith.constant dense<0xFF800000> : vector<2x8xf32>
      %reduce_max3A_96 = vector.multi_reduction <maximumf>, %min3A, %reduce_max3A [2] : vector<2x8x64xf32> to vector<2x8xf32>
      %broadcast_in_dim3A_97 = vector.shape_cast %reduce_max3A_96 : vector<2x8xf32> to vector<2x8x1xf32>
      %reduce_max3A_98 = arith.constant dense<0xFF800000> : vector<2x1xf32>
      %reduce_max3A_99 = vector.multi_reduction <maximumf>, %broadcast_in_dim3A_97, %reduce_max3A_98 [1] : vector<2x8x1xf32> to vector<2x1xf32>
      %broadcast_in_dim3A_100 = vector.shape_cast %reduce_max3A_99 : vector<2x1xf32> to vector<2x1x1xf32>
      %eq3A_101 = vector.broadcast %broadcast_in_dim3A_100 : vector<2x1x1xf32> to vector<2x8x64xf32>
      %eq3A_102 = arith.cmpf oeq, %min3A, %eq3A_101 : vector<2x8x64xf32>
      %jit3A_103 = arith.constant 512 : i32
      %broadcast_in_dim3A_104 = vector.broadcast %jit3A_103 : i32 to vector<2x8x64xi32>
      %select_n3A_105 = arith.select %eq3A_102, %add3A, %broadcast_in_dim3A_104 : vector<2x8x64xi1>, vector<2x8x64xi32>
      %reduce_min3A = arith.constant dense<2147483647> : vector<2x8xi32>
      %reduce_min3A_106 = vector.multi_reduction <minsi>, %select_n3A_105, %reduce_min3A [2] : vector<2x8x64xi32> to vector<2x8xi32>
      %broadcast_in_dim3A_107 = vector.shape_cast %reduce_min3A_106 : vector<2x8xi32> to vector<2x8x1xi32>
      %reduce_min3A_108 = arith.constant dense<2147483647> : vector<2x1xi32>
      %reduce_min3A_109 = vector.multi_reduction <minsi>, %broadcast_in_dim3A_107, %reduce_min3A_108 [1] : vector<2x8x1xi32> to vector<2x1xi32>
      %broadcast_in_dim3A_110 = vector.shape_cast %reduce_min3A_109 : vector<2x1xi32> to vector<2x1x1xi32>
      %swap3A_111 = arith.constant 0 : index
      %swap3A_112 = arith.index_cast %scan3A_56 : i32 to index
      %swap3A_113 = arith.constant 0 : index
      %swap3A_114 = vector.load %arg1[%swap3A_111, %swap3A_112, %swap3A_113] : memref<2x256x1xi32, #tpu.memory_space<vmem>>, vector<2x1x1xi32>
      tpu.vector_store %arg1[%swap3A_111, %swap3A_112, %swap3A_113], %broadcast_in_dim3A_110 {strides = array<i32>} : memref<2x256x1xi32, #tpu.memory_space<vmem>>, vector<2x1x1xi32>,
      scf.yield %min3A, %broadcast_in_dim3A_110 : vector<2x8x64xf32>, vector<2x1x1xi32>
    }
    %scan3A_37 = arith.constant 255 : i32
    %eq3A = vector.broadcast %scan3A_36#1 : vector<2x1x1xi32> to vector<2x8x64xi32>
    %eq3A_38 = arith.cmpi eq, %add3A, %eq3A : vector<2x8x64xi32>
    %broadcast_in_dim3A_39 = vector.shape_cast %eq3A_38 : vector<2x8x64xi1> to vector<2x1x8x64xi1>
    %jit3A = arith.constant 0.000000e+00 : f32
    %broadcast_in_dim3A_40 = vector.shape_cast %broadcast_in_dim3A_39 : vector<2x1x8x64xi1> to vector<2x1x8x64xi1>
    %broadcast_in_dim3A_41 = vector.broadcast %broadcast_in_dim3A_40 : vector<2x1x8x64xi1> to vector<2x3x8x64xi1>
    %broadcast_in_dim3A_42 = vector.broadcast %jit3A : f32 to vector<2x3x8x64xf32>
    %select_n3A = arith.select %broadcast_in_dim3A_41, %get3A_24, %broadcast_in_dim3A_42 : vector<2x3x8x64xi1>, vector<2x3x8x64xf32>
    %reduce_sum3A = arith.constant dense<0.000000e+00> : vector<2x3x8xf32>
    %reduce_sum3A_43 = vector.multi_reduction <add>, %select_n3A, %reduce_sum3A [3] : vector<2x3x8x64xf32> to vector<2x3x8xf32>
    %broadcast_in_dim3A_44 = vector.shape_cast %reduce_sum3A_43 : vector<2x3x8xf32> to vector<2x3x8x1xf32>
    %reduce_sum3A_45 = arith.constant dense<0.000000e+00> : vector<2x3x1xf32>
    %reduce_sum3A_46 = vector.multi_reduction <add>, %broadcast_in_dim3A_44, %reduce_sum3A_45 [2] : vector<2x3x8x1xf32> to vector<2x3x1xf32>
    %broadcast_in_dim3A_47 = vector.shape_cast %reduce_sum3A_46 : vector<2x3x1xf32> to vector<2x3x1x1xf32>
    %slice3A = vector.extract_strided_slice %broadcast_in_dim3A_47 {offsets = [0, 0, 0, 0], sizes = [2, 1, 1, 1], strides = [1, 1, 1, 1]} : vector<2x3x1x1xf32> to vector<2x1x1x1xf32>
    %squeeze3A = vector.shape_cast %slice3A : vector<2x1x1x1xf32> to vector<2x1x1xf32>
    %slice3A_48 = vector.extract_strided_slice %broadcast_in_dim3A_47 {offsets = [0, 1, 0, 0], sizes = [2, 1, 1, 1], strides = [1, 1, 1, 1]} : vector<2x3x1x1xf32> to vector<2x1x1x1xf32>
    %squeeze3A_49 = vector.shape_cast %slice3A_48 : vector<2x1x1x1xf32> to vector<2x1x1xf32>
    %slice3A_50 = vector.extract_strided_slice %broadcast_in_dim3A_47 {offsets = [0, 2, 0, 0], sizes = [2, 1, 1, 1], strides = [1, 1, 1, 1]} : vector<2x3x1x1xf32> to vector<2x1x1x1xf32>
    %squeeze3A_51 = vector.shape_cast %slice3A_50 : vector<2x1x1x1xf32> to vector<2x1x1xf32>
    %concatenate3A = tpu.concatenate %squeeze3A, %squeeze3A_49, %squeeze3A_51 in 2 : vector<2x1x1xf32>, vector<2x1x1xf32>, vector<2x1x1xf32> -> vector<2x1x3xf32>
    %swap3A_52 = arith.constant 0 : index
    %swap3A_53 = arith.constant 255 : index
    %swap3A_54 = arith.constant 0 : index
    %swap3A_55 = vector.load %arg2[%swap3A_52, %swap3A_53, %swap3A_54] : memref<2x256x3xf32, #tpu.memory_space<vmem>>, vector<2x1x3xf32>
    tpu.vector_store %arg2[%swap3A_52, %swap3A_53, %swap3A_54], %concatenate3A {strides = array<i32>} : memref<2x256x3xf32, #tpu.memory_space<vmem>>, vector<2x1x3xf32>,
    return
  }
}

module attributes {stable_mosaic.version = 14 : i64} {
  func.func @wrapped(%arg0: i32, %arg1: i32, %arg2: memref<32x64x3xf32, #tpu.memory_space<vmem>>, %arg3: memref<1x32x3xf32, #tpu.memory_space<vmem>>, %arg4: memref<3x64xf32, #tpu.memory_space<vmem>>, %arg5: memref<1x64xf32, #tpu.memory_space<vmem>>, %arg6: memref<1x64xf32, #tpu.memory_space<vmem>>, %arg7: memref<64x64xf32, #tpu.memory_space<vmem>>, %arg8: memref<1x64xf32, #tpu.memory_space<vmem>>, %arg9: memref<1x64xf32, #tpu.memory_space<vmem>>, %arg10: memref<64x128xf32, #tpu.memory_space<vmem>>, %arg11: memref<1x128xf32, #tpu.memory_space<vmem>>, %arg12: memref<1x128xf32, #tpu.memory_space<vmem>>, %arg13: memref<1x32x128xf32, #tpu.memory_space<vmem>>) attributes {dimension_semantics = [#tpu.dimension_semantics<arbitrary>, #tpu.dimension_semantics<arbitrary>], iteration_bounds = array<i64: 2, 32>, scalar_prefetch = 0 : i64, scratch_operands = 0 : i64, tpu.core_type = #tpu.core_type<tc>, window_params = [{transform_indices = @transform_0, window_bounds = array<i64: 32, 64, 3>}, {transform_indices = @transform_1, window_bounds = array<i64: 1, 32, 3>}, {pipeline_mode = #tpu.pipeline_mode<synchronous>, transform_indices = @transform_2, window_bounds = array<i64: 3, 64>}, {pipeline_mode = #tpu.pipeline_mode<synchronous>, transform_indices = @transform_3, window_bounds = array<i64: 1, 64>}, {pipeline_mode = #tpu.pipeline_mode<synchronous>, transform_indices = @transform_4, window_bounds = array<i64: 1, 64>}, {pipeline_mode = #tpu.pipeline_mode<synchronous>, transform_indices = @transform_5, window_bounds = array<i64: 64, 64>}, {pipeline_mode = #tpu.pipeline_mode<synchronous>, transform_indices = @transform_6, window_bounds = array<i64: 1, 64>}, {pipeline_mode = #tpu.pipeline_mode<synchronous>, transform_indices = @transform_7, window_bounds = array<i64: 1, 64>}, {pipeline_mode = #tpu.pipeline_mode<synchronous>, transform_indices = @transform_8, window_bounds = array<i64: 64, 128>}, {pipeline_mode = #tpu.pipeline_mode<synchronous>, transform_indices = @transform_9, window_bounds = array<i64: 1, 128>}, {pipeline_mode = #tpu.pipeline_mode<synchronous>, transform_indices = @transform_10, window_bounds = array<i64: 1, 128>}, {transform_indices = @transform_11, window_bounds = array<i64: 1, 32, 128>}]} {
    %get3A = arith.constant 0 : index
    %get3A_0 = arith.constant 0 : index
    %get3A_1 = arith.constant 0 : index
    %get3A_2 = vector.load %arg3[%get3A, %get3A_0, %get3A_1] : memref<1x32x3xf32, #tpu.memory_space<vmem>>, vector<1x32x3xf32>
    %get3A_3 = vector.shape_cast %get3A_2 : vector<1x32x3xf32> to vector<32x3xf32>
    %get3A_4 = arith.constant 0 : index
    %get3A_5 = arith.constant 0 : index
    %get3A_6 = arith.constant 0 : index
    %get3A_7 = vector.load %arg2[%get3A_4, %get3A_5, %get3A_6] : memref<32x64x3xf32, #tpu.memory_space<vmem>>, vector<32x64x3xf32>
    %reshape3A = vector.shape_cast %get3A_7 : vector<32x64x3xf32> to vector<2048x3xf32>
    %broadcast_in_dim3A = vector.shape_cast %get3A_3 : vector<32x3xf32> to vector<32x1x3xf32>
    %broadcast_in_dim3A_8 = vector.shape_cast %broadcast_in_dim3A : vector<32x1x3xf32> to vector<32x1x3xf32>
    %broadcast_in_dim3A_9 = vector.broadcast %broadcast_in_dim3A_8 : vector<32x1x3xf32> to vector<32x64x3xf32>
    %reshape3A_10 = vector.shape_cast %broadcast_in_dim3A_9 : vector<32x64x3xf32> to vector<2048x3xf32>
    %sub3A = arith.subf %reshape3A, %reshape3A_10 : vector<2048x3xf32>
    %div3A = arith.constant 1.000000e-01 : f32
    %div3A_11 = vector.broadcast %div3A : f32 to vector<2048x3xf32>
    %div3A_12 = arith.divf %sub3A, %div3A_11 : vector<2048x3xf32>
    %get3A_13 = arith.constant 0 : index
    %get3A_14 = arith.constant 0 : index
    %get3A_15 = vector.load %arg4[%get3A_13, %get3A_14] : memref<3x64xf32, #tpu.memory_space<vmem>>, vector<3x64xf32>
    %get3A_16 = arith.constant 0 : index
    %get3A_17 = arith.constant 0 : index
    %get3A_18 = vector.load %arg5[%get3A_16, %get3A_17] : memref<1x64xf32, #tpu.memory_space<vmem>>, vector<1x64xf32>
    %get3A_19 = arith.constant 0 : index
    %get3A_20 = arith.constant 0 : index
    %get3A_21 = vector.load %arg6[%get3A_19, %get3A_20] : memref<1x64xf32, #tpu.memory_space<vmem>>, vector<1x64xf32>
    %convert_element_type3A = arith.truncf %div3A_12 : vector<2048x3xf32> to vector<2048x3xbf16>
    %convert_element_type3A_22 = arith.truncf %get3A_15 : vector<3x64xf32> to vector<3x64xbf16>
    %dot_general3A = arith.constant dense<0.000000e+00> : vector<2048x64xf32>
    %dot_general3A_23 = tpu.matmul %convert_element_type3A, %convert_element_type3A_22, %dot_general3A {dimension_numbers = #tpu.dot_dimension_numbers<[1], [0], [0], [1], [0, 0, 1, 1], [], []>, transpose_lhs_hint = false} : vector<2048x3xbf16>, vector<3x64xbf16>, vector<2048x64xf32> -> vector<2048x64xf32>
    %mul3A = arith.constant 0.999994993 : f32
    %mul3A_24 = vector.broadcast %mul3A : f32 to vector<2048x64xf32>
    %mul3A_25 = arith.mulf %dot_general3A_23, %mul3A_24 : vector<2048x64xf32>
    %mul3A_26 = vector.broadcast %get3A_18 : vector<1x64xf32> to vector<2048x64xf32>
    %mul3A_27 = arith.mulf %mul3A_26, %mul3A_25 : vector<2048x64xf32>
    %add3A = vector.broadcast %get3A_21 : vector<1x64xf32> to vector<2048x64xf32>
    %add3A_28 = arith.addf %mul3A_27, %add3A : vector<2048x64xf32>
    %max3A = arith.constant 0.000000e+00 : f32
    %max3A_29 = vector.broadcast %max3A : f32 to vector<2048x64xf32>
    %max3A_30 = arith.maximumf %add3A_28, %max3A_29 : vector<2048x64xf32>
    %get3A_31 = arith.constant 0 : index
    %get3A_32 = arith.constant 0 : index
    %get3A_33 = vector.load %arg7[%get3A_31, %get3A_32] : memref<64x64xf32, #tpu.memory_space<vmem>>, vector<64x64xf32>
    %get3A_34 = arith.constant 0 : index
    %get3A_35 = arith.constant 0 : index
    %get3A_36 = vector.load %arg8[%get3A_34, %get3A_35] : memref<1x64xf32, #tpu.memory_space<vmem>>, vector<1x64xf32>
    %get3A_37 = arith.constant 0 : index
    %get3A_38 = arith.constant 0 : index
    %get3A_39 = vector.load %arg9[%get3A_37, %get3A_38] : memref<1x64xf32, #tpu.memory_space<vmem>>, vector<1x64xf32>
    %convert_element_type3A_40 = arith.truncf %max3A_30 : vector<2048x64xf32> to vector<2048x64xbf16>
    %convert_element_type3A_41 = arith.truncf %get3A_33 : vector<64x64xf32> to vector<64x64xbf16>
    %dot_general3A_42 = arith.constant dense<0.000000e+00> : vector<2048x64xf32>
    %dot_general3A_43 = tpu.matmul %convert_element_type3A_40, %convert_element_type3A_41, %dot_general3A_42 {dimension_numbers = #tpu.dot_dimension_numbers<[1], [0], [0], [1], [0, 0, 1, 1], [], []>, transpose_lhs_hint = false} : vector<2048x64xbf16>, vector<64x64xbf16>, vector<2048x64xf32> -> vector<2048x64xf32>
    %mul3A_44 = arith.constant 0.999994993 : f32
    %mul3A_45 = vector.broadcast %mul3A_44 : f32 to vector<2048x64xf32>
    %mul3A_46 = arith.mulf %dot_general3A_43, %mul3A_45 : vector<2048x64xf32>
    %mul3A_47 = vector.broadcast %get3A_36 : vector<1x64xf32> to vector<2048x64xf32>
    %mul3A_48 = arith.mulf %mul3A_47, %mul3A_46 : vector<2048x64xf32>
    %add3A_49 = vector.broadcast %get3A_39 : vector<1x64xf32> to vector<2048x64xf32>
    %add3A_50 = arith.addf %mul3A_48, %add3A_49 : vector<2048x64xf32>
    %max3A_51 = arith.constant 0.000000e+00 : f32
    %max3A_52 = vector.broadcast %max3A_51 : f32 to vector<2048x64xf32>
    %max3A_53 = arith.maximumf %add3A_50, %max3A_52 : vector<2048x64xf32>
    %get3A_54 = arith.constant 0 : index
    %get3A_55 = arith.constant 0 : index
    %get3A_56 = vector.load %arg10[%get3A_54, %get3A_55] : memref<64x128xf32, #tpu.memory_space<vmem>>, vector<64x128xf32>
    %get3A_57 = arith.constant 0 : index
    %get3A_58 = arith.constant 0 : index
    %get3A_59 = vector.load %arg11[%get3A_57, %get3A_58] : memref<1x128xf32, #tpu.memory_space<vmem>>, vector<1x128xf32>
    %get3A_60 = arith.constant 0 : index
    %get3A_61 = arith.constant 0 : index
    %get3A_62 = vector.load %arg12[%get3A_60, %get3A_61] : memref<1x128xf32, #tpu.memory_space<vmem>>, vector<1x128xf32>
    %convert_element_type3A_63 = arith.truncf %max3A_53 : vector<2048x64xf32> to vector<2048x64xbf16>
    %convert_element_type3A_64 = arith.truncf %get3A_56 : vector<64x128xf32> to vector<64x128xbf16>
    %dot_general3A_65 = arith.constant dense<0.000000e+00> : vector<2048x128xf32>
    %dot_general3A_66 = tpu.matmul %convert_element_type3A_63, %convert_element_type3A_64, %dot_general3A_65 {dimension_numbers = #tpu.dot_dimension_numbers<[1], [0], [0], [1], [0, 0, 1, 1], [], []>, transpose_lhs_hint = false} : vector<2048x64xbf16>, vector<64x128xbf16>, vector<2048x128xf32> -> vector<2048x128xf32>
    %mul3A_67 = arith.constant 0.999994993 : f32
    %mul3A_68 = vector.broadcast %mul3A_67 : f32 to vector<2048x128xf32>
    %mul3A_69 = arith.mulf %dot_general3A_66, %mul3A_68 : vector<2048x128xf32>
    %mul3A_70 = vector.broadcast %get3A_59 : vector<1x128xf32> to vector<2048x128xf32>
    %mul3A_71 = arith.mulf %mul3A_70, %mul3A_69 : vector<2048x128xf32>
    %add3A_72 = vector.broadcast %get3A_62 : vector<1x128xf32> to vector<2048x128xf32>
    %add3A_73 = arith.addf %mul3A_71, %add3A_72 : vector<2048x128xf32>
    %max3A_74 = arith.constant 0.000000e+00 : f32
    %max3A_75 = vector.broadcast %max3A_74 : f32 to vector<2048x128xf32>
    %max3A_76 = arith.maximumf %add3A_73, %max3A_75 : vector<2048x128xf32>
    %reshape3A_77 = vector.shape_cast %max3A_76 : vector<2048x128xf32> to vector<32x64x128xf32>
    %reduce_max3A = arith.constant dense<0xFF800000> : vector<32x128xf32>
    %reduce_max3A_78 = vector.multi_reduction <maximumf>, %reshape3A_77, %reduce_max3A [1] : vector<32x64x128xf32> to vector<32x128xf32>
    %swap3A = arith.constant 0 : index
    %swap3A_79 = arith.constant 0 : index
    %swap3A_80 = arith.constant 0 : index
    %swap3A_81 = vector.load %arg13[%swap3A, %swap3A_79, %swap3A_80] : memref<1x32x128xf32, #tpu.memory_space<vmem>>, vector<1x32x128xf32>
    %swap3A_82 = vector.shape_cast %swap3A_81 : vector<1x32x128xf32> to vector<32x128xf32>
    %swap3A_83 = vector.shape_cast %reduce_max3A_78 : vector<32x128xf32> to vector<1x32x128xf32>
    tpu.vector_store %arg13[%swap3A, %swap3A_79, %swap3A_80], %swap3A_83 {strides = array<i32>} : memref<1x32x128xf32, #tpu.memory_space<vmem>>, vector<1x32x128xf32>,
    return
  }
  func.func @transform_0(%arg0: i32, %arg1: i32) -> (i32, i32, i32) {
    %mul3A = arith.constant 32 : i32
    %mul3A_0 = arith.muli %arg0, %mul3A : i32
    %add3A = arith.addi %mul3A_0, %arg1 : i32
    %c0_i32 = arith.constant 0 : i32
    %c0_i32_1 = arith.constant 0 : i32
    %c0_i32_2 = arith.constant 0 : i32
    return %add3A, %c0_i32, %c0_i32_1 : i32, i32, i32
  }
  func.func @transform_1(%arg0: i32, %arg1: i32) -> (i32, i32, i32) {
    %c0_i32 = arith.constant 0 : i32
    %c0_i32_0 = arith.constant 0 : i32
    return %arg0, %arg1, %c0_i32 : i32, i32, i32
  }
  func.func @transform_2(%arg0: i32, %arg1: i32) -> (i32, i32) {
    %c0_i32 = arith.constant 0 : i32
    %c0_i32_0 = arith.constant 0 : i32
    %c0_i32_1 = arith.constant 0 : i32
    return %c0_i32, %c0_i32_0 : i32, i32
  }
  func.func @transform_3(%arg0: i32, %arg1: i32) -> (i32, i32) {
    %c0_i32 = arith.constant 0 : i32
    %c0_i32_0 = arith.constant 0 : i32
    %c0_i32_1 = arith.constant 0 : i32
    return %c0_i32, %c0_i32_0 : i32, i32
  }
  func.func @transform_4(%arg0: i32, %arg1: i32) -> (i32, i32) {
    %c0_i32 = arith.constant 0 : i32
    %c0_i32_0 = arith.constant 0 : i32
    %c0_i32_1 = arith.constant 0 : i32
    return %c0_i32, %c0_i32_0 : i32, i32
  }
  func.func @transform_5(%arg0: i32, %arg1: i32) -> (i32, i32) {
    %c0_i32 = arith.constant 0 : i32
    %c0_i32_0 = arith.constant 0 : i32
    %c0_i32_1 = arith.constant 0 : i32
    return %c0_i32, %c0_i32_0 : i32, i32
  }
  func.func @transform_6(%arg0: i32, %arg1: i32) -> (i32, i32) {
    %c0_i32 = arith.constant 0 : i32
    %c0_i32_0 = arith.constant 0 : i32
    %c0_i32_1 = arith.constant 0 : i32
    return %c0_i32, %c0_i32_0 : i32, i32
  }
  func.func @transform_7(%arg0: i32, %arg1: i32) -> (i32, i32) {
    %c0_i32 = arith.constant 0 : i32
    %c0_i32_0 = arith.constant 0 : i32
    %c0_i32_1 = arith.constant 0 : i32
    return %c0_i32, %c0_i32_0 : i32, i32
  }
  func.func @transform_8(%arg0: i32, %arg1: i32) -> (i32, i32) {
    %c0_i32 = arith.constant 0 : i32
    %c0_i32_0 = arith.constant 0 : i32
    %c0_i32_1 = arith.constant 0 : i32
    return %c0_i32, %c0_i32_0 : i32, i32
  }
  func.func @transform_9(%arg0: i32, %arg1: i32) -> (i32, i32) {
    %c0_i32 = arith.constant 0 : i32
    %c0_i32_0 = arith.constant 0 : i32
    %c0_i32_1 = arith.constant 0 : i32
    return %c0_i32, %c0_i32_0 : i32, i32
  }
  func.func @transform_10(%arg0: i32, %arg1: i32) -> (i32, i32) {
    %c0_i32 = arith.constant 0 : i32
    %c0_i32_0 = arith.constant 0 : i32
    %c0_i32_1 = arith.constant 0 : i32
    return %c0_i32, %c0_i32_0 : i32, i32
  }
  func.func @transform_11(%arg0: i32, %arg1: i32) -> (i32, i32, i32) {
    %c0_i32 = arith.constant 0 : i32
    %c0_i32_0 = arith.constant 0 : i32
    return %arg0, %arg1, %c0_i32 : i32, i32, i32
  }
}

module attributes {stable_mosaic.version = 14 : i64} {
  func.func @wrapped(%arg0: i32, %arg1: i32, %arg2: memref<1x3x1024xf32, #tpu.memory_space<vmem>>, %arg3: memref<1x1024x131xf32, #tpu.memory_space<vmem>>, %arg4: memref<1x16x3xf32, #tpu.memory_space<vmem>>, %arg5: memref<131x128xf32, #tpu.memory_space<vmem>>, %arg6: memref<1x128xf32, #tpu.memory_space<vmem>>, %arg7: memref<1x128xf32, #tpu.memory_space<vmem>>, %arg8: memref<128x128xf32, #tpu.memory_space<vmem>>, %arg9: memref<1x128xf32, #tpu.memory_space<vmem>>, %arg10: memref<1x128xf32, #tpu.memory_space<vmem>>, %arg11: memref<128x256xf32, #tpu.memory_space<vmem>>, %arg12: memref<1x256xf32, #tpu.memory_space<vmem>>, %arg13: memref<1x256xf32, #tpu.memory_space<vmem>>, %arg14: memref<1x16x256xf32, #tpu.memory_space<vmem>>) attributes {dimension_semantics = [#tpu.dimension_semantics<arbitrary>, #tpu.dimension_semantics<arbitrary>], iteration_bounds = array<i64: 2, 32>, scalar_prefetch = 0 : i64, scratch_operands = 0 : i64, tpu.core_type = #tpu.core_type<tc>, window_params = [{transform_indices = @transform_0, window_bounds = array<i64: 1, 3, 1024>}, {transform_indices = @transform_1, window_bounds = array<i64: 1, 1024, 131>}, {transform_indices = @transform_2, window_bounds = array<i64: 1, 16, 3>}, {pipeline_mode = #tpu.pipeline_mode<synchronous>, transform_indices = @transform_3, window_bounds = array<i64: 131, 128>}, {pipeline_mode = #tpu.pipeline_mode<synchronous>, transform_indices = @transform_4, window_bounds = array<i64: 1, 128>}, {pipeline_mode = #tpu.pipeline_mode<synchronous>, transform_indices = @transform_5, window_bounds = array<i64: 1, 128>}, {pipeline_mode = #tpu.pipeline_mode<synchronous>, transform_indices = @transform_6, window_bounds = array<i64: 128, 128>}, {pipeline_mode = #tpu.pipeline_mode<synchronous>, transform_indices = @transform_7, window_bounds = array<i64: 1, 128>}, {pipeline_mode = #tpu.pipeline_mode<synchronous>, transform_indices = @transform_8, window_bounds = array<i64: 1, 128>}, {pipeline_mode = #tpu.pipeline_mode<synchronous>, transform_indices = @transform_9, window_bounds = array<i64: 128, 256>}, {pipeline_mode = #tpu.pipeline_mode<synchronous>, transform_indices = @transform_10, window_bounds = array<i64: 1, 256>}, {pipeline_mode = #tpu.pipeline_mode<synchronous>, transform_indices = @transform_11, window_bounds = array<i64: 1, 256>}, {transform_indices = @transform_12, window_bounds = array<i64: 1, 16, 256>}]} {
    %get3A = arith.constant 0 : index
    %get3A_0 = arith.constant 0 : index
    %get3A_1 = arith.constant 0 : index
    %get3A_2 = vector.load %arg4[%get3A, %get3A_0, %get3A_1] : memref<1x16x3xf32, #tpu.memory_space<vmem>>, vector<1x16x3xf32>
    %get3A_3 = vector.shape_cast %get3A_2 : vector<1x16x3xf32> to vector<16x3xf32>
    %slice3A = vector.extract_strided_slice %get3A_3 {offsets = [0, 0], sizes = [16, 1], strides = [1, 1]} : vector<16x3xf32> to vector<16x1xf32>
    %slice3A_4 = vector.extract_strided_slice %get3A_3 {offsets = [0, 1], sizes = [16, 1], strides = [1, 1]} : vector<16x3xf32> to vector<16x1xf32>
    %slice3A_5 = vector.extract_strided_slice %get3A_3 {offsets = [0, 2], sizes = [16, 1], strides = [1, 1]} : vector<16x3xf32> to vector<16x1xf32>
    %broadcast_in_dim3A = arith.constant 0.000000e+00 : f32
    %broadcast_in_dim3A_6 = vector.broadcast %broadcast_in_dim3A : f32 to vector<512x131xf32>
    %broadcast_in_dim3A_7 = arith.constant 0 : i32
    %broadcast_in_dim3A_8 = vector.broadcast %broadcast_in_dim3A_7 : i32 to vector<16x1xi32>
    %get3A_9 = arith.constant 0 : index
    %get3A_10 = arith.constant 0 : index
    %get3A_11 = arith.constant 0 : index
    %get3A_12 = vector.load %arg2[%get3A_9, %get3A_10, %get3A_11] : memref<1x3x1024xf32, #tpu.memory_space<vmem>>, vector<1x1x1024xf32>
    %get3A_13 = vector.shape_cast %get3A_12 : vector<1x1x1024xf32> to vector<1x1024xf32>
    %get3A_14 = arith.constant 0 : index
    %get3A_15 = arith.constant 1 : index
    %get3A_16 = arith.constant 0 : index
    %get3A_17 = vector.load %arg2[%get3A_14, %get3A_15, %get3A_16] : memref<1x3x1024xf32, #tpu.memory_space<vmem>>, vector<1x1x1024xf32>
    %get3A_18 = vector.shape_cast %get3A_17 : vector<1x1x1024xf32> to vector<1x1024xf32>
    %get3A_19 = arith.constant 0 : index
    %get3A_20 = arith.constant 2 : index
    %get3A_21 = arith.constant 0 : index
    %get3A_22 = vector.load %arg2[%get3A_19, %get3A_20, %get3A_21] : memref<1x3x1024xf32, #tpu.memory_space<vmem>>, vector<1x1x1024xf32>
    %get3A_23 = vector.shape_cast %get3A_22 : vector<1x1x1024xf32> to vector<1x1024xf32>
    %sub3A = vector.broadcast %get3A_13 : vector<1x1024xf32> to vector<16x1024xf32>
    %sub3A_24 = vector.broadcast %slice3A : vector<16x1xf32> to vector<16x1024xf32>
    %sub3A_25 = arith.subf %sub3A, %sub3A_24 : vector<16x1024xf32>
    %sub3A_26 = vector.broadcast %get3A_18 : vector<1x1024xf32> to vector<16x1024xf32>
    %sub3A_27 = vector.broadcast %slice3A_4 : vector<16x1xf32> to vector<16x1024xf32>
    %sub3A_28 = arith.subf %sub3A_26, %sub3A_27 : vector<16x1024xf32>
    %sub3A_29 = vector.broadcast %get3A_23 : vector<1x1024xf32> to vector<16x1024xf32>
    %sub3A_30 = vector.broadcast %slice3A_5 : vector<16x1xf32> to vector<16x1024xf32>
    %sub3A_31 = arith.subf %sub3A_29, %sub3A_30 : vector<16x1024xf32>
    %mul3A = arith.mulf %sub3A_25, %sub3A_25 : vector<16x1024xf32>
    %mul3A_32 = arith.mulf %sub3A_28, %sub3A_28 : vector<16x1024xf32>
    %add3A = arith.addf %mul3A, %mul3A_32 : vector<16x1024xf32>
    %mul3A_33 = arith.mulf %sub3A_31, %sub3A_31 : vector<16x1024xf32>
    %add3A_34 = arith.addf %add3A, %mul3A_33 : vector<16x1024xf32>
    %lt3A = arith.constant 4.000000e-02 : f32
    %lt3A_35 = vector.broadcast %lt3A : f32 to vector<16x1024xf32>
    %lt3A_36 = arith.cmpf olt, %add3A_34, %lt3A_35 : vector<16x1024xf32>
    %convert_element_type3A = arith.extui %lt3A_36 : vector<16x1024xi1> to vector<16x1024xi32>
    %broadcast_in_dim3A_37 = arith.constant 0 : i32
    %broadcast_in_dim3A_38 = vector.broadcast %broadcast_in_dim3A_37 : i32 to vector<16x1xi32>
    %slice3A_39 = vector.extract_strided_slice %convert_element_type3A {offsets = [0, 0], sizes = [16, 1023], strides = [1, 1]} : vector<16x1024xi32> to vector<16x1023xi32>
    %concatenate3A = tpu.concatenate %broadcast_in_dim3A_38, %slice3A_39 in 1 : vector<16x1xi32>, vector<16x1023xi32> -> vector<16x1024xi32>
    %add3A_40 = arith.addi %convert_element_type3A, %concatenate3A : vector<16x1024xi32>
    %broadcast_in_dim3A_41 = arith.constant 0 : i32
    %broadcast_in_dim3A_42 = vector.broadcast %broadcast_in_dim3A_41 : i32 to vector<16x2xi32>
    %slice3A_43 = vector.extract_strided_slice %add3A_40 {offsets = [0, 0], sizes = [16, 1022], strides = [1, 1]} : vector<16x1024xi32> to vector<16x1022xi32>
    %concatenate3A_44 = tpu.concatenate %broadcast_in_dim3A_42, %slice3A_43 in 1 : vector<16x2xi32>, vector<16x1022xi32> -> vector<16x1024xi32>
    %add3A_45 = arith.addi %add3A_40, %concatenate3A_44 : vector<16x1024xi32>
    %broadcast_in_dim3A_46 = arith.constant 0 : i32
    %broadcast_in_dim3A_47 = vector.broadcast %broadcast_in_dim3A_46 : i32 to vector<16x4xi32>
    %slice3A_48 = vector.extract_strided_slice %add3A_45 {offsets = [0, 0], sizes = [16, 1020], strides = [1, 1]} : vector<16x1024xi32> to vector<16x1020xi32>
    %concatenate3A_49 = tpu.concatenate %broadcast_in_dim3A_47, %slice3A_48 in 1 : vector<16x4xi32>, vector<16x1020xi32> -> vector<16x1024xi32>
    %add3A_50 = arith.addi %add3A_45, %concatenate3A_49 : vector<16x1024xi32>
    %broadcast_in_dim3A_51 = arith.constant 0 : i32
    %broadcast_in_dim3A_52 = vector.broadcast %broadcast_in_dim3A_51 : i32 to vector<16x8xi32>
    %slice3A_53 = vector.extract_strided_slice %add3A_50 {offsets = [0, 0], sizes = [16, 1016], strides = [1, 1]} : vector<16x1024xi32> to vector<16x1016xi32>
    %concatenate3A_54 = tpu.concatenate %broadcast_in_dim3A_52, %slice3A_53 in 1 : vector<16x8xi32>, vector<16x1016xi32> -> vector<16x1024xi32>
    %add3A_55 = arith.addi %add3A_50, %concatenate3A_54 : vector<16x1024xi32>
    %broadcast_in_dim3A_56 = arith.constant 0 : i32
    %broadcast_in_dim3A_57 = vector.broadcast %broadcast_in_dim3A_56 : i32 to vector<16x16xi32>
    %slice3A_58 = vector.extract_strided_slice %add3A_55 {offsets = [0, 0], sizes = [16, 1008], strides = [1, 1]} : vector<16x1024xi32> to vector<16x1008xi32>
    %concatenate3A_59 = tpu.concatenate %broadcast_in_dim3A_57, %slice3A_58 in 1 : vector<16x16xi32>, vector<16x1008xi32> -> vector<16x1024xi32>
    %add3A_60 = arith.addi %add3A_55, %concatenate3A_59 : vector<16x1024xi32>
    %broadcast_in_dim3A_61 = arith.constant 0 : i32
    %broadcast_in_dim3A_62 = vector.broadcast %broadcast_in_dim3A_61 : i32 to vector<16x32xi32>
    %slice3A_63 = vector.extract_strided_slice %add3A_60 {offsets = [0, 0], sizes = [16, 992], strides = [1, 1]} : vector<16x1024xi32> to vector<16x992xi32>
    %concatenate3A_64 = tpu.concatenate %broadcast_in_dim3A_62, %slice3A_63 in 1 : vector<16x32xi32>, vector<16x992xi32> -> vector<16x1024xi32>
    %add3A_65 = arith.addi %add3A_60, %concatenate3A_64 : vector<16x1024xi32>
    %broadcast_in_dim3A_66 = arith.constant 0 : i32
    %broadcast_in_dim3A_67 = vector.broadcast %broadcast_in_dim3A_66 : i32 to vector<16x64xi32>
    %slice3A_68 = vector.extract_strided_slice %add3A_65 {offsets = [0, 0], sizes = [16, 960], strides = [1, 1]} : vector<16x1024xi32> to vector<16x960xi32>
    %concatenate3A_69 = tpu.concatenate %broadcast_in_dim3A_67, %slice3A_68 in 1 : vector<16x64xi32>, vector<16x960xi32> -> vector<16x1024xi32>
    %add3A_70 = arith.addi %add3A_65, %concatenate3A_69 : vector<16x1024xi32>
    %broadcast_in_dim3A_71 = arith.constant 0 : i32
    %broadcast_in_dim3A_72 = vector.broadcast %broadcast_in_dim3A_71 : i32 to vector<16x128xi32>
    %slice3A_73 = vector.extract_strided_slice %add3A_70 {offsets = [0, 0], sizes = [16, 896], strides = [1, 1]} : vector<16x1024xi32> to vector<16x896xi32>
    %concatenate3A_74 = tpu.concatenate %broadcast_in_dim3A_72, %slice3A_73 in 1 : vector<16x128xi32>, vector<16x896xi32> -> vector<16x1024xi32>
    %add3A_75 = arith.addi %add3A_70, %concatenate3A_74 : vector<16x1024xi32>
    %broadcast_in_dim3A_76 = arith.constant 0 : i32
    %broadcast_in_dim3A_77 = vector.broadcast %broadcast_in_dim3A_76 : i32 to vector<16x256xi32>
    %slice3A_78 = vector.extract_strided_slice %add3A_75 {offsets = [0, 0], sizes = [16, 768], strides = [1, 1]} : vector<16x1024xi32> to vector<16x768xi32>
    %concatenate3A_79 = tpu.concatenate %broadcast_in_dim3A_77, %slice3A_78 in 1 : vector<16x256xi32>, vector<16x768xi32> -> vector<16x1024xi32>
    %add3A_80 = arith.addi %add3A_75, %concatenate3A_79 : vector<16x1024xi32>
    %broadcast_in_dim3A_81 = arith.constant 0 : i32
    %broadcast_in_dim3A_82 = vector.broadcast %broadcast_in_dim3A_81 : i32 to vector<16x512xi32>
    %slice3A_83 = vector.extract_strided_slice %add3A_80 {offsets = [0, 0], sizes = [16, 512], strides = [1, 1]} : vector<16x1024xi32> to vector<16x512xi32>
    %concatenate3A_84 = tpu.concatenate %broadcast_in_dim3A_82, %slice3A_83 in 1 : vector<16x512xi32>, vector<16x512xi32> -> vector<16x1024xi32>
    %add3A_85 = arith.addi %add3A_80, %concatenate3A_84 : vector<16x1024xi32>
    %add3A_86 = vector.broadcast %broadcast_in_dim3A_8 : vector<16x1xi32> to vector<16x1024xi32>
    %add3A_87 = arith.addi %add3A_85, %add3A_86 : vector<16x1024xi32>
    %slice3A_88 = vector.extract_strided_slice %add3A_87 {offsets = [0, 1023], sizes = [16, 1], strides = [1, 1]} : vector<16x1024xi32> to vector<16x1xi32>
    %le3A = arith.constant 32 : i32
    %le3A_89 = vector.broadcast %le3A : i32 to vector<16x1024xi32>
    %le3A_90 = arith.cmpi sle, %add3A_87, %le3A_89 : vector<16x1024xi32>
    %and3A = arith.andi %lt3A_36, %le3A_90 : vector<16x1024xi1>
    %iota3A = tpu.iota {dimensions = array<i32: 1>} : vector<16x32x1024xi32>
    %add3A_91 = arith.constant 1 : i32
    %add3A_92 = vector.broadcast %add3A_91 : i32 to vector<16x32x1024xi32>
    %add3A_93 = arith.addi %iota3A, %add3A_92 : vector<16x32x1024xi32>
    %broadcast_in_dim3A_94 = vector.shape_cast %add3A_87 : vector<16x1024xi32> to vector<16x1x1024xi32>
    %eq3A = vector.broadcast %broadcast_in_dim3A_94 : vector<16x1x1024xi32> to vector<16x32x1024xi32>
    %eq3A_95 = arith.cmpi eq, %eq3A, %add3A_93 : vector<16x32x1024xi32>
    %broadcast_in_dim3A_96 = vector.shape_cast %and3A : vector<16x1024xi1> to vector<16x1x1024xi1>
    %and3A_97 = vector.broadcast %broadcast_in_dim3A_96 : vector<16x1x1024xi1> to vector<16x32x1024xi1>
    %and3A_98 = arith.andi %eq3A_95, %and3A_97 : vector<16x32x1024xi1>
    %reshape3A = vector.shape_cast %and3A_98 : vector<16x32x1024xi1> to vector<512x1024xi1>
    %convert_element_type3A_99 = arith.extui %reshape3A : vector<512x1024xi1> to vector<512x1024xi32>
    %convert_element_type3A_100 = arith.sitofp %convert_element_type3A_99 : vector<512x1024xi32> to vector<512x1024xf32>
    %get3A_101 = arith.constant 0 : index
    %get3A_102 = arith.constant 0 : index
    %get3A_103 = arith.constant 0 : index
    %get3A_104 = vector.load %arg3[%get3A_101, %get3A_102, %get3A_103] : memref<1x1024x131xf32, #tpu.memory_space<vmem>>, vector<1x1024x131xf32>
    %get3A_105 = vector.shape_cast %get3A_104 : vector<1x1024x131xf32> to vector<1024x131xf32>
    %dot_general3A = arith.constant dense<0.000000e+00> : vector<512x131xf32>
    %dot_general3A_106 = tpu.matmul %convert_element_type3A_100, %get3A_105, %dot_general3A {dimension_numbers = #tpu.dot_dimension_numbers<[1], [0], [0], [1], [0, 0, 1, 1], [], []>, precision = #tpu.contract_precision<fp32>, transpose_lhs_hint = false} : vector<512x1024xf32>, vector<1024x131xf32>, vector<512x131xf32> -> vector<512x131xf32>
    %add3A_107 = arith.addf %broadcast_in_dim3A_6, %dot_general3A_106 : vector<512x131xf32>
    %broadcast_in_dim3A_108 = vector.shape_cast %get3A_3 : vector<16x3xf32> to vector<16x1x3xf32>
    %broadcast_in_dim3A_109 = vector.shape_cast %broadcast_in_dim3A_108 : vector<16x1x3xf32> to vector<16x1x3xf32>
    %broadcast_in_dim3A_110 = vector.broadcast %broadcast_in_dim3A_109 : vector<16x1x3xf32> to vector<16x32x3xf32>
    %reshape3A_111 = vector.shape_cast %broadcast_in_dim3A_110 : vector<16x32x3xf32> to vector<512x3xf32>
    %slice3A_112 = vector.extract_strided_slice %add3A_107 {offsets = [0, 0], sizes = [512, 3], strides = [1, 1]} : vector<512x131xf32> to vector<512x3xf32>
    %sub3A_113 = arith.subf %slice3A_112, %reshape3A_111 : vector<512x3xf32>
    %div3A = arith.constant 2.000000e-01 : f32
    %div3A_114 = vector.broadcast %div3A : f32 to vector<512x3xf32>
    %div3A_115 = arith.divf %sub3A_113, %div3A_114 : vector<512x3xf32>
    %slice3A_116 = vector.extract_strided_slice %add3A_107 {offsets = [0, 3], sizes = [512, 128], strides = [1, 1]} : vector<512x131xf32> to vector<512x128xf32>
    %concatenate3A_117 = tpu.concatenate %div3A_115, %slice3A_116 in 1 : vector<512x3xf32>, vector<512x128xf32> -> vector<512x131xf32>
    %get3A_118 = arith.constant 0 : index
    %get3A_119 = arith.constant 0 : index
    %get3A_120 = vector.load %arg5[%get3A_118, %get3A_119] : memref<131x128xf32, #tpu.memory_space<vmem>>, vector<131x128xf32>
    %get3A_121 = arith.constant 0 : index
    %get3A_122 = arith.constant 0 : index
    %get3A_123 = vector.load %arg6[%get3A_121, %get3A_122] : memref<1x128xf32, #tpu.memory_space<vmem>>, vector<1x128xf32>
    %get3A_124 = arith.constant 0 : index
    %get3A_125 = arith.constant 0 : index
    %get3A_126 = vector.load %arg7[%get3A_124, %get3A_125] : memref<1x128xf32, #tpu.memory_space<vmem>>, vector<1x128xf32>
    %convert_element_type3A_127 = arith.truncf %concatenate3A_117 : vector<512x131xf32> to vector<512x131xbf16>
    %convert_element_type3A_128 = arith.truncf %get3A_120 : vector<131x128xf32> to vector<131x128xbf16>
    %dot_general3A_129 = arith.constant dense<0.000000e+00> : vector<512x128xf32>
    %dot_general3A_130 = tpu.matmul %convert_element_type3A_127, %convert_element_type3A_128, %dot_general3A_129 {dimension_numbers = #tpu.dot_dimension_numbers<[1], [0], [0], [1], [0, 0, 1, 1], [], []>, transpose_lhs_hint = false} : vector<512x131xbf16>, vector<131x128xbf16>, vector<512x128xf32> -> vector<512x128xf32>
    %mul3A_131 = arith.constant 0.999994993 : f32
    %mul3A_132 = vector.broadcast %mul3A_131 : f32 to vector<512x128xf32>
    %mul3A_133 = arith.mulf %dot_general3A_130, %mul3A_132 : vector<512x128xf32>
    %mul3A_134 = vector.broadcast %get3A_123 : vector<1x128xf32> to vector<512x128xf32>
    %mul3A_135 = arith.mulf %mul3A_134, %mul3A_133 : vector<512x128xf32>
    %add3A_136 = vector.broadcast %get3A_126 : vector<1x128xf32> to vector<512x128xf32>
    %add3A_137 = arith.addf %mul3A_135, %add3A_136 : vector<512x128xf32>
    %max3A = arith.constant 0.000000e+00 : f32
    %max3A_138 = vector.broadcast %max3A : f32 to vector<512x128xf32>
    %max3A_139 = arith.maximumf %add3A_137, %max3A_138 : vector<512x128xf32>
    %get3A_140 = arith.constant 0 : index
    %get3A_141 = arith.constant 0 : index
    %get3A_142 = vector.load %arg8[%get3A_140, %get3A_141] : memref<128x128xf32, #tpu.memory_space<vmem>>, vector<128x128xf32>
    %get3A_143 = arith.constant 0 : index
    %get3A_144 = arith.constant 0 : index
    %get3A_145 = vector.load %arg9[%get3A_143, %get3A_144] : memref<1x128xf32, #tpu.memory_space<vmem>>, vector<1x128xf32>
    %get3A_146 = arith.constant 0 : index
    %get3A_147 = arith.constant 0 : index
    %get3A_148 = vector.load %arg10[%get3A_146, %get3A_147] : memref<1x128xf32, #tpu.memory_space<vmem>>, vector<1x128xf32>
    %convert_element_type3A_149 = arith.truncf %max3A_139 : vector<512x128xf32> to vector<512x128xbf16>
    %convert_element_type3A_150 = arith.truncf %get3A_142 : vector<128x128xf32> to vector<128x128xbf16>
    %dot_general3A_151 = arith.constant dense<0.000000e+00> : vector<512x128xf32>
    %dot_general3A_152 = tpu.matmul %convert_element_type3A_149, %convert_element_type3A_150, %dot_general3A_151 {dimension_numbers = #tpu.dot_dimension_numbers<[1], [0], [0], [1], [0, 0, 1, 1], [], []>, transpose_lhs_hint = false} : vector<512x128xbf16>, vector<128x128xbf16>, vector<512x128xf32> -> vector<512x128xf32>
    %mul3A_153 = arith.constant 0.999994993 : f32
    %mul3A_154 = vector.broadcast %mul3A_153 : f32 to vector<512x128xf32>
    %mul3A_155 = arith.mulf %dot_general3A_152, %mul3A_154 : vector<512x128xf32>
    %mul3A_156 = vector.broadcast %get3A_145 : vector<1x128xf32> to vector<512x128xf32>
    %mul3A_157 = arith.mulf %mul3A_156, %mul3A_155 : vector<512x128xf32>
    %add3A_158 = vector.broadcast %get3A_148 : vector<1x128xf32> to vector<512x128xf32>
    %add3A_159 = arith.addf %mul3A_157, %add3A_158 : vector<512x128xf32>
    %max3A_160 = arith.constant 0.000000e+00 : f32
    %max3A_161 = vector.broadcast %max3A_160 : f32 to vector<512x128xf32>
    %max3A_162 = arith.maximumf %add3A_159, %max3A_161 : vector<512x128xf32>
    %get3A_163 = arith.constant 0 : index
    %get3A_164 = arith.constant 0 : index
    %get3A_165 = vector.load %arg11[%get3A_163, %get3A_164] : memref<128x256xf32, #tpu.memory_space<vmem>>, vector<128x256xf32>
    %get3A_166 = arith.constant 0 : index
    %get3A_167 = arith.constant 0 : index
    %get3A_168 = vector.load %arg12[%get3A_166, %get3A_167] : memref<1x256xf32, #tpu.memory_space<vmem>>, vector<1x256xf32>
    %get3A_169 = arith.constant 0 : index
    %get3A_170 = arith.constant 0 : index
    %get3A_171 = vector.load %arg13[%get3A_169, %get3A_170] : memref<1x256xf32, #tpu.memory_space<vmem>>, vector<1x256xf32>
    %convert_element_type3A_172 = arith.truncf %max3A_162 : vector<512x128xf32> to vector<512x128xbf16>
    %convert_element_type3A_173 = arith.truncf %get3A_165 : vector<128x256xf32> to vector<128x256xbf16>
    %dot_general3A_174 = arith.constant dense<0.000000e+00> : vector<512x256xf32>
    %dot_general3A_175 = tpu.matmul %convert_element_type3A_172, %convert_element_type3A_173, %dot_general3A_174 {dimension_numbers = #tpu.dot_dimension_numbers<[1], [0], [0], [1], [0, 0, 1, 1], [], []>, transpose_lhs_hint = false} : vector<512x128xbf16>, vector<128x256xbf16>, vector<512x256xf32> -> vector<512x256xf32>
    %mul3A_176 = arith.constant 0.999994993 : f32
    %mul3A_177 = vector.broadcast %mul3A_176 : f32 to vector<512x256xf32>
    %mul3A_178 = arith.mulf %dot_general3A_175, %mul3A_177 : vector<512x256xf32>
    %mul3A_179 = vector.broadcast %get3A_168 : vector<1x256xf32> to vector<512x256xf32>
    %mul3A_180 = arith.mulf %mul3A_179, %mul3A_178 : vector<512x256xf32>
    %add3A_181 = vector.broadcast %get3A_171 : vector<1x256xf32> to vector<512x256xf32>
    %add3A_182 = arith.addf %mul3A_180, %add3A_181 : vector<512x256xf32>
    %max3A_183 = arith.constant 0.000000e+00 : f32
    %max3A_184 = vector.broadcast %max3A_183 : f32 to vector<512x256xf32>
    %max3A_185 = arith.maximumf %add3A_182, %max3A_184 : vector<512x256xf32>
    %iota3A_186 = tpu.iota {dimensions = array<i32: 0>} : vector<512x1xi32>
    %jit3A = arith.constant 32 : i32
    %eq3A_187 = arith.constant 0 : i32
    %eq3A_188 = arith.cmpi eq, %jit3A, %eq3A_187 : i32
    %jit3A_189 = arith.constant 1 : i32
    %select_n3A = arith.select %eq3A_188, %jit3A_189, %jit3A : i32
    %rem3A = vector.broadcast %select_n3A : i32 to vector<512x1xi32>
    %rem3A_190 = arith.remsi %iota3A_186, %rem3A : vector<512x1xi32>
    %ne3A = arith.constant 0 : i32
    %ne3A_191 = vector.broadcast %ne3A : i32 to vector<512x1xi32>
    %ne3A_192 = arith.cmpi ne, %rem3A_190, %ne3A_191 : vector<512x1xi32>
    %lt3A_193 = arith.constant 0 : i32
    %lt3A_194 = vector.broadcast %lt3A_193 : i32 to vector<512x1xi32>
    %lt3A_195 = arith.cmpi slt, %rem3A_190, %lt3A_194 : vector<512x1xi32>
    %lt3A_196 = arith.constant 0 : i32
    %lt3A_197 = arith.cmpi slt, %select_n3A, %lt3A_196 : i32
    %ne3A_198 = vector.broadcast %lt3A_197 : i1 to vector<512x1xi1>
    %ne3A_199 = vector.broadcast %ne3A_198 : vector<512x1xi1> to vector<512x1xi1>
    %ne3A_200 = arith.xori %lt3A_195, %ne3A_199 : vector<512x1xi1>
    %and3A_201 = arith.andi %ne3A_200, %ne3A_192 : vector<512x1xi1>
    %add3A_202 = vector.broadcast %select_n3A : i32 to vector<512x1xi32>
    %add3A_203 = arith.addi %rem3A_190, %add3A_202 : vector<512x1xi32>
    %select_n3A_204 = arith.select %and3A_201, %add3A_203, %rem3A_190 : vector<512x1xi1>, vector<512x1xi32>
    %broadcast_in_dim3A_205 = vector.shape_cast %slice3A_88 : vector<16x1xi32> to vector<16x1x1xi32>
    %broadcast_in_dim3A_206 = vector.shape_cast %broadcast_in_dim3A_205 : vector<16x1x1xi32> to vector<16x1x1xi32>
    %broadcast_in_dim3A_207 = vector.broadcast %broadcast_in_dim3A_206 : vector<16x1x1xi32> to vector<16x32x1xi32>
    %reshape3A_208 = vector.shape_cast %broadcast_in_dim3A_207 : vector<16x32x1xi32> to vector<512x1xi32>
    %min3A = arith.constant 32 : i32
    %min3A_209 = vector.broadcast %min3A : i32 to vector<512x1xi32>
    %min3A_210 = arith.minsi %reshape3A_208, %min3A_209 : vector<512x1xi32>
    %lt3A_211 = arith.cmpi slt, %select_n3A_204, %min3A_210 : vector<512x1xi32>
    %jit3A_212 = arith.constant 0xFF800000 : f32
    %broadcast_in_dim3A_213 = vector.shape_cast %lt3A_211 : vector<512x1xi1> to vector<512x1xi1>
    %broadcast_in_dim3A_214 = vector.broadcast %broadcast_in_dim3A_213 : vector<512x1xi1> to vector<512x256xi1>
    %broadcast_in_dim3A_215 = vector.broadcast %jit3A_212 : f32 to vector<512x256xf32>
    %select_n3A_216 = arith.select %broadcast_in_dim3A_214, %max3A_185, %broadcast_in_dim3A_215 : vector<512x256xi1>, vector<512x256xf32>
    %reshape3A_217 = vector.shape_cast %select_n3A_216 : vector<512x256xf32> to vector<16x32x256xf32>
    %reduce_max3A = arith.constant dense<0xFF800000> : vector<16x256xf32>
    %reduce_max3A_218 = vector.multi_reduction <maximumf>, %reshape3A_217, %reduce_max3A [1] : vector<16x32x256xf32> to vector<16x256xf32>
    %swap3A = arith.constant 0 : index
    %swap3A_219 = arith.constant 0 : index
    %swap3A_220 = arith.constant 0 : index
    %swap3A_221 = vector.load %arg14[%swap3A, %swap3A_219, %swap3A_220] : memref<1x16x256xf32, #tpu.memory_space<vmem>>, vector<1x16x256xf32>
    %swap3A_222 = vector.shape_cast %swap3A_221 : vector<1x16x256xf32> to vector<16x256xf32>
    %swap3A_223 = vector.shape_cast %reduce_max3A_218 : vector<16x256xf32> to vector<1x16x256xf32>
    tpu.vector_store %arg14[%swap3A, %swap3A_219, %swap3A_220], %swap3A_223 {strides = array<i32>} : memref<1x16x256xf32, #tpu.memory_space<vmem>>, vector<1x16x256xf32>,
    return
  }
  func.func @transform_0(%arg0: i32, %arg1: i32) -> (i32, i32, i32) {
    %c0_i32 = arith.constant 0 : i32
    %c0_i32_0 = arith.constant 0 : i32
    %c0_i32_1 = arith.constant 0 : i32
    return %arg0, %c0_i32, %c0_i32_0 : i32, i32, i32
  }
  func.func @transform_1(%arg0: i32, %arg1: i32) -> (i32, i32, i32) {
    %c0_i32 = arith.constant 0 : i32
    %c0_i32_0 = arith.constant 0 : i32
    %c0_i32_1 = arith.constant 0 : i32
    return %arg0, %c0_i32, %c0_i32_0 : i32, i32, i32
  }
  func.func @transform_2(%arg0: i32, %arg1: i32) -> (i32, i32, i32) {
    %c0_i32 = arith.constant 0 : i32
    %c0_i32_0 = arith.constant 0 : i32
    return %arg0, %arg1, %c0_i32 : i32, i32, i32
  }
  func.func @transform_3(%arg0: i32, %arg1: i32) -> (i32, i32) {
    %c0_i32 = arith.constant 0 : i32
    %c0_i32_0 = arith.constant 0 : i32
    %c0_i32_1 = arith.constant 0 : i32
    return %c0_i32, %c0_i32_0 : i32, i32
  }
  func.func @transform_4(%arg0: i32, %arg1: i32) -> (i32, i32) {
    %c0_i32 = arith.constant 0 : i32
    %c0_i32_0 = arith.constant 0 : i32
    %c0_i32_1 = arith.constant 0 : i32
    return %c0_i32, %c0_i32_0 : i32, i32
  }
  func.func @transform_5(%arg0: i32, %arg1: i32) -> (i32, i32) {
    %c0_i32 = arith.constant 0 : i32
    %c0_i32_0 = arith.constant 0 : i32
    %c0_i32_1 = arith.constant 0 : i32
    return %c0_i32, %c0_i32_0 : i32, i32
  }
  func.func @transform_6(%arg0: i32, %arg1: i32) -> (i32, i32) {
    %c0_i32 = arith.constant 0 : i32
    %c0_i32_0 = arith.constant 0 : i32
    %c0_i32_1 = arith.constant 0 : i32
    return %c0_i32, %c0_i32_0 : i32, i32
  }
  func.func @transform_7(%arg0: i32, %arg1: i32) -> (i32, i32) {
    %c0_i32 = arith.constant 0 : i32
    %c0_i32_0 = arith.constant 0 : i32
    %c0_i32_1 = arith.constant 0 : i32
    return %c0_i32, %c0_i32_0 : i32, i32
  }
  func.func @transform_8(%arg0: i32, %arg1: i32) -> (i32, i32) {
    %c0_i32 = arith.constant 0 : i32
    %c0_i32_0 = arith.constant 0 : i32
    %c0_i32_1 = arith.constant 0 : i32
    return %c0_i32, %c0_i32_0 : i32, i32
  }
  func.func @transform_9(%arg0: i32, %arg1: i32) -> (i32, i32) {
    %c0_i32 = arith.constant 0 : i32
    %c0_i32_0 = arith.constant 0 : i32
    %c0_i32_1 = arith.constant 0 : i32
    return %c0_i32, %c0_i32_0 : i32, i32
  }
  func.func @transform_10(%arg0: i32, %arg1: i32) -> (i32, i32) {
    %c0_i32 = arith.constant 0 : i32
    %c0_i32_0 = arith.constant 0 : i32
    %c0_i32_1 = arith.constant 0 : i32
    return %c0_i32, %c0_i32_0 : i32, i32
  }
  func.func @transform_11(%arg0: i32, %arg1: i32) -> (i32, i32) {
    %c0_i32 = arith.constant 0 : i32
    %c0_i32_0 = arith.constant 0 : i32
    %c0_i32_1 = arith.constant 0 : i32
    return %c0_i32, %c0_i32_0 : i32, i32
  }
  func.func @transform_12(%arg0: i32, %arg1: i32) -> (i32, i32, i32) {
    %c0_i32 = arith.constant 0 : i32
    %c0_i32_0 = arith.constant 0 : i32
    return %arg0, %arg1, %c0_i32 : i32, i32, i32
  }
}

module attributes {stable_mosaic.version = 14 : i64} {
  func.func @wrapped(%arg0: i32, %arg1: i32, %arg2: memref<1x3x512xf32, #tpu.memory_space<vmem>>, %arg3: memref<1x512x259xf32, #tpu.memory_space<vmem>>, %arg4: memref<1x32x3xf32, #tpu.memory_space<vmem>>, %arg5: memref<259x128xf32, #tpu.memory_space<vmem>>, %arg6: memref<1x128xf32, #tpu.memory_space<vmem>>, %arg7: memref<1x128xf32, #tpu.memory_space<vmem>>, %arg8: memref<128x128xf32, #tpu.memory_space<vmem>>, %arg9: memref<1x128xf32, #tpu.memory_space<vmem>>, %arg10: memref<1x128xf32, #tpu.memory_space<vmem>>, %arg11: memref<128x256xf32, #tpu.memory_space<vmem>>, %arg12: memref<1x256xf32, #tpu.memory_space<vmem>>, %arg13: memref<1x256xf32, #tpu.memory_space<vmem>>, %arg14: memref<1x32x256xf32, #tpu.memory_space<vmem>>) attributes {dimension_semantics = [#tpu.dimension_semantics<arbitrary>, #tpu.dimension_semantics<arbitrary>], iteration_bounds = array<i64: 2, 8>, scalar_prefetch = 0 : i64, scratch_operands = 0 : i64, tpu.core_type = #tpu.core_type<tc>, window_params = [{transform_indices = @transform_0, window_bounds = array<i64: 1, 3, 512>}, {transform_indices = @transform_1, window_bounds = array<i64: 1, 512, 259>}, {transform_indices = @transform_2, window_bounds = array<i64: 1, 32, 3>}, {pipeline_mode = #tpu.pipeline_mode<synchronous>, transform_indices = @transform_3, window_bounds = array<i64: 259, 128>}, {pipeline_mode = #tpu.pipeline_mode<synchronous>, transform_indices = @transform_4, window_bounds = array<i64: 1, 128>}, {pipeline_mode = #tpu.pipeline_mode<synchronous>, transform_indices = @transform_5, window_bounds = array<i64: 1, 128>}, {pipeline_mode = #tpu.pipeline_mode<synchronous>, transform_indices = @transform_6, window_bounds = array<i64: 128, 128>}, {pipeline_mode = #tpu.pipeline_mode<synchronous>, transform_indices = @transform_7, window_bounds = array<i64: 1, 128>}, {pipeline_mode = #tpu.pipeline_mode<synchronous>, transform_indices = @transform_8, window_bounds = array<i64: 1, 128>}, {pipeline_mode = #tpu.pipeline_mode<synchronous>, transform_indices = @transform_9, window_bounds = array<i64: 128, 256>}, {pipeline_mode = #tpu.pipeline_mode<synchronous>, transform_indices = @transform_10, window_bounds = array<i64: 1, 256>}, {pipeline_mode = #tpu.pipeline_mode<synchronous>, transform_indices = @transform_11, window_bounds = array<i64: 1, 256>}, {transform_indices = @transform_12, window_bounds = array<i64: 1, 32, 256>}]} {
    %get3A = arith.constant 0 : index
    %get3A_0 = arith.constant 0 : index
    %get3A_1 = arith.constant 0 : index
    %get3A_2 = vector.load %arg4[%get3A, %get3A_0, %get3A_1] : memref<1x32x3xf32, #tpu.memory_space<vmem>>, vector<1x32x3xf32>
    %get3A_3 = vector.shape_cast %get3A_2 : vector<1x32x3xf32> to vector<32x3xf32>
    %slice3A = vector.extract_strided_slice %get3A_3 {offsets = [0, 0], sizes = [32, 1], strides = [1, 1]} : vector<32x3xf32> to vector<32x1xf32>
    %slice3A_4 = vector.extract_strided_slice %get3A_3 {offsets = [0, 1], sizes = [32, 1], strides = [1, 1]} : vector<32x3xf32> to vector<32x1xf32>
    %slice3A_5 = vector.extract_strided_slice %get3A_3 {offsets = [0, 2], sizes = [32, 1], strides = [1, 1]} : vector<32x3xf32> to vector<32x1xf32>
    %broadcast_in_dim3A = arith.constant 0.000000e+00 : f32
    %broadcast_in_dim3A_6 = vector.broadcast %broadcast_in_dim3A : f32 to vector<512x259xf32>
    %broadcast_in_dim3A_7 = arith.constant 0 : i32
    %broadcast_in_dim3A_8 = vector.broadcast %broadcast_in_dim3A_7 : i32 to vector<32x1xi32>
    %get3A_9 = arith.constant 0 : index
    %get3A_10 = arith.constant 0 : index
    %get3A_11 = arith.constant 0 : index
    %get3A_12 = vector.load %arg2[%get3A_9, %get3A_10, %get3A_11] : memref<1x3x512xf32, #tpu.memory_space<vmem>>, vector<1x1x512xf32>
    %get3A_13 = vector.shape_cast %get3A_12 : vector<1x1x512xf32> to vector<1x512xf32>
    %get3A_14 = arith.constant 0 : index
    %get3A_15 = arith.constant 1 : index
    %get3A_16 = arith.constant 0 : index
    %get3A_17 = vector.load %arg2[%get3A_14, %get3A_15, %get3A_16] : memref<1x3x512xf32, #tpu.memory_space<vmem>>, vector<1x1x512xf32>
    %get3A_18 = vector.shape_cast %get3A_17 : vector<1x1x512xf32> to vector<1x512xf32>
    %get3A_19 = arith.constant 0 : index
    %get3A_20 = arith.constant 2 : index
    %get3A_21 = arith.constant 0 : index
    %get3A_22 = vector.load %arg2[%get3A_19, %get3A_20, %get3A_21] : memref<1x3x512xf32, #tpu.memory_space<vmem>>, vector<1x1x512xf32>
    %get3A_23 = vector.shape_cast %get3A_22 : vector<1x1x512xf32> to vector<1x512xf32>
    %sub3A = vector.broadcast %get3A_13 : vector<1x512xf32> to vector<32x512xf32>
    %sub3A_24 = vector.broadcast %slice3A : vector<32x1xf32> to vector<32x512xf32>
    %sub3A_25 = arith.subf %sub3A, %sub3A_24 : vector<32x512xf32>
    %sub3A_26 = vector.broadcast %get3A_18 : vector<1x512xf32> to vector<32x512xf32>
    %sub3A_27 = vector.broadcast %slice3A_4 : vector<32x1xf32> to vector<32x512xf32>
    %sub3A_28 = arith.subf %sub3A_26, %sub3A_27 : vector<32x512xf32>
    %sub3A_29 = vector.broadcast %get3A_23 : vector<1x512xf32> to vector<32x512xf32>
    %sub3A_30 = vector.broadcast %slice3A_5 : vector<32x1xf32> to vector<32x512xf32>
    %sub3A_31 = arith.subf %sub3A_29, %sub3A_30 : vector<32x512xf32>
    %mul3A = arith.mulf %sub3A_25, %sub3A_25 : vector<32x512xf32>
    %mul3A_32 = arith.mulf %sub3A_28, %sub3A_28 : vector<32x512xf32>
    %add3A = arith.addf %mul3A, %mul3A_32 : vector<32x512xf32>
    %mul3A_33 = arith.mulf %sub3A_31, %sub3A_31 : vector<32x512xf32>
    %add3A_34 = arith.addf %add3A, %mul3A_33 : vector<32x512xf32>
    %lt3A = arith.constant 1.600000e-01 : f32
    %lt3A_35 = vector.broadcast %lt3A : f32 to vector<32x512xf32>
    %lt3A_36 = arith.cmpf olt, %add3A_34, %lt3A_35 : vector<32x512xf32>
    %convert_element_type3A = arith.extui %lt3A_36 : vector<32x512xi1> to vector<32x512xi32>
    %broadcast_in_dim3A_37 = arith.constant 0 : i32
    %broadcast_in_dim3A_38 = vector.broadcast %broadcast_in_dim3A_37 : i32 to vector<32x1xi32>
    %slice3A_39 = vector.extract_strided_slice %convert_element_type3A {offsets = [0, 0], sizes = [32, 511], strides = [1, 1]} : vector<32x512xi32> to vector<32x511xi32>
    %concatenate3A = tpu.concatenate %broadcast_in_dim3A_38, %slice3A_39 in 1 : vector<32x1xi32>, vector<32x511xi32> -> vector<32x512xi32>
    %add3A_40 = arith.addi %convert_element_type3A, %concatenate3A : vector<32x512xi32>
    %broadcast_in_dim3A_41 = arith.constant 0 : i32
    %broadcast_in_dim3A_42 = vector.broadcast %broadcast_in_dim3A_41 : i32 to vector<32x2xi32>
    %slice3A_43 = vector.extract_strided_slice %add3A_40 {offsets = [0, 0], sizes = [32, 510], strides = [1, 1]} : vector<32x512xi32> to vector<32x510xi32>
    %concatenate3A_44 = tpu.concatenate %broadcast_in_dim3A_42, %slice3A_43 in 1 : vector<32x2xi32>, vector<32x510xi32> -> vector<32x512xi32>
    %add3A_45 = arith.addi %add3A_40, %concatenate3A_44 : vector<32x512xi32>
    %broadcast_in_dim3A_46 = arith.constant 0 : i32
    %broadcast_in_dim3A_47 = vector.broadcast %broadcast_in_dim3A_46 : i32 to vector<32x4xi32>
    %slice3A_48 = vector.extract_strided_slice %add3A_45 {offsets = [0, 0], sizes = [32, 508], strides = [1, 1]} : vector<32x512xi32> to vector<32x508xi32>
    %concatenate3A_49 = tpu.concatenate %broadcast_in_dim3A_47, %slice3A_48 in 1 : vector<32x4xi32>, vector<32x508xi32> -> vector<32x512xi32>
    %add3A_50 = arith.addi %add3A_45, %concatenate3A_49 : vector<32x512xi32>
    %broadcast_in_dim3A_51 = arith.constant 0 : i32
    %broadcast_in_dim3A_52 = vector.broadcast %broadcast_in_dim3A_51 : i32 to vector<32x8xi32>
    %slice3A_53 = vector.extract_strided_slice %add3A_50 {offsets = [0, 0], sizes = [32, 504], strides = [1, 1]} : vector<32x512xi32> to vector<32x504xi32>
    %concatenate3A_54 = tpu.concatenate %broadcast_in_dim3A_52, %slice3A_53 in 1 : vector<32x8xi32>, vector<32x504xi32> -> vector<32x512xi32>
    %add3A_55 = arith.addi %add3A_50, %concatenate3A_54 : vector<32x512xi32>
    %broadcast_in_dim3A_56 = arith.constant 0 : i32
    %broadcast_in_dim3A_57 = vector.broadcast %broadcast_in_dim3A_56 : i32 to vector<32x16xi32>
    %slice3A_58 = vector.extract_strided_slice %add3A_55 {offsets = [0, 0], sizes = [32, 496], strides = [1, 1]} : vector<32x512xi32> to vector<32x496xi32>
    %concatenate3A_59 = tpu.concatenate %broadcast_in_dim3A_57, %slice3A_58 in 1 : vector<32x16xi32>, vector<32x496xi32> -> vector<32x512xi32>
    %add3A_60 = arith.addi %add3A_55, %concatenate3A_59 : vector<32x512xi32>
    %broadcast_in_dim3A_61 = arith.constant 0 : i32
    %broadcast_in_dim3A_62 = vector.broadcast %broadcast_in_dim3A_61 : i32 to vector<32x32xi32>
    %slice3A_63 = vector.extract_strided_slice %add3A_60 {offsets = [0, 0], sizes = [32, 480], strides = [1, 1]} : vector<32x512xi32> to vector<32x480xi32>
    %concatenate3A_64 = tpu.concatenate %broadcast_in_dim3A_62, %slice3A_63 in 1 : vector<32x32xi32>, vector<32x480xi32> -> vector<32x512xi32>
    %add3A_65 = arith.addi %add3A_60, %concatenate3A_64 : vector<32x512xi32>
    %broadcast_in_dim3A_66 = arith.constant 0 : i32
    %broadcast_in_dim3A_67 = vector.broadcast %broadcast_in_dim3A_66 : i32 to vector<32x64xi32>
    %slice3A_68 = vector.extract_strided_slice %add3A_65 {offsets = [0, 0], sizes = [32, 448], strides = [1, 1]} : vector<32x512xi32> to vector<32x448xi32>
    %concatenate3A_69 = tpu.concatenate %broadcast_in_dim3A_67, %slice3A_68 in 1 : vector<32x64xi32>, vector<32x448xi32> -> vector<32x512xi32>
    %add3A_70 = arith.addi %add3A_65, %concatenate3A_69 : vector<32x512xi32>
    %broadcast_in_dim3A_71 = arith.constant 0 : i32
    %broadcast_in_dim3A_72 = vector.broadcast %broadcast_in_dim3A_71 : i32 to vector<32x128xi32>
    %slice3A_73 = vector.extract_strided_slice %add3A_70 {offsets = [0, 0], sizes = [32, 384], strides = [1, 1]} : vector<32x512xi32> to vector<32x384xi32>
    %concatenate3A_74 = tpu.concatenate %broadcast_in_dim3A_72, %slice3A_73 in 1 : vector<32x128xi32>, vector<32x384xi32> -> vector<32x512xi32>
    %add3A_75 = arith.addi %add3A_70, %concatenate3A_74 : vector<32x512xi32>
    %broadcast_in_dim3A_76 = arith.constant 0 : i32
    %broadcast_in_dim3A_77 = vector.broadcast %broadcast_in_dim3A_76 : i32 to vector<32x256xi32>
    %slice3A_78 = vector.extract_strided_slice %add3A_75 {offsets = [0, 0], sizes = [32, 256], strides = [1, 1]} : vector<32x512xi32> to vector<32x256xi32>
    %concatenate3A_79 = tpu.concatenate %broadcast_in_dim3A_77, %slice3A_78 in 1 : vector<32x256xi32>, vector<32x256xi32> -> vector<32x512xi32>
    %add3A_80 = arith.addi %add3A_75, %concatenate3A_79 : vector<32x512xi32>
    %add3A_81 = vector.broadcast %broadcast_in_dim3A_8 : vector<32x1xi32> to vector<32x512xi32>
    %add3A_82 = arith.addi %add3A_80, %add3A_81 : vector<32x512xi32>
    %slice3A_83 = vector.extract_strided_slice %add3A_82 {offsets = [0, 511], sizes = [32, 1], strides = [1, 1]} : vector<32x512xi32> to vector<32x1xi32>
    %le3A = arith.constant 16 : i32
    %le3A_84 = vector.broadcast %le3A : i32 to vector<32x512xi32>
    %le3A_85 = arith.cmpi sle, %add3A_82, %le3A_84 : vector<32x512xi32>
    %and3A = arith.andi %lt3A_36, %le3A_85 : vector<32x512xi1>
    %iota3A = tpu.iota {dimensions = array<i32: 1>} : vector<32x16x512xi32>
    %add3A_86 = arith.constant 1 : i32
    %add3A_87 = vector.broadcast %add3A_86 : i32 to vector<32x16x512xi32>
    %add3A_88 = arith.addi %iota3A, %add3A_87 : vector<32x16x512xi32>
    %broadcast_in_dim3A_89 = vector.shape_cast %add3A_82 : vector<32x512xi32> to vector<32x1x512xi32>
    %eq3A = vector.broadcast %broadcast_in_dim3A_89 : vector<32x1x512xi32> to vector<32x16x512xi32>
    %eq3A_90 = arith.cmpi eq, %eq3A, %add3A_88 : vector<32x16x512xi32>
    %broadcast_in_dim3A_91 = vector.shape_cast %and3A : vector<32x512xi1> to vector<32x1x512xi1>
    %and3A_92 = vector.broadcast %broadcast_in_dim3A_91 : vector<32x1x512xi1> to vector<32x16x512xi1>
    %and3A_93 = arith.andi %eq3A_90, %and3A_92 : vector<32x16x512xi1>
    %reshape3A = vector.shape_cast %and3A_93 : vector<32x16x512xi1> to vector<512x512xi1>
    %convert_element_type3A_94 = arith.extui %reshape3A : vector<512x512xi1> to vector<512x512xi32>
    %convert_element_type3A_95 = arith.sitofp %convert_element_type3A_94 : vector<512x512xi32> to vector<512x512xf32>
    %get3A_96 = arith.constant 0 : index
    %get3A_97 = arith.constant 0 : index
    %get3A_98 = arith.constant 0 : index
    %get3A_99 = vector.load %arg3[%get3A_96, %get3A_97, %get3A_98] : memref<1x512x259xf32, #tpu.memory_space<vmem>>, vector<1x512x259xf32>
    %get3A_100 = vector.shape_cast %get3A_99 : vector<1x512x259xf32> to vector<512x259xf32>
    %dot_general3A = arith.constant dense<0.000000e+00> : vector<512x259xf32>
    %dot_general3A_101 = tpu.matmul %convert_element_type3A_95, %get3A_100, %dot_general3A {dimension_numbers = #tpu.dot_dimension_numbers<[1], [0], [0], [1], [0, 0, 1, 1], [], []>, precision = #tpu.contract_precision<fp32>, transpose_lhs_hint = false} : vector<512x512xf32>, vector<512x259xf32>, vector<512x259xf32> -> vector<512x259xf32>
    %add3A_102 = arith.addf %broadcast_in_dim3A_6, %dot_general3A_101 : vector<512x259xf32>
    %broadcast_in_dim3A_103 = vector.shape_cast %get3A_3 : vector<32x3xf32> to vector<32x1x3xf32>
    %broadcast_in_dim3A_104 = vector.shape_cast %broadcast_in_dim3A_103 : vector<32x1x3xf32> to vector<32x1x3xf32>
    %broadcast_in_dim3A_105 = vector.broadcast %broadcast_in_dim3A_104 : vector<32x1x3xf32> to vector<32x16x3xf32>
    %reshape3A_106 = vector.shape_cast %broadcast_in_dim3A_105 : vector<32x16x3xf32> to vector<512x3xf32>
    %slice3A_107 = vector.extract_strided_slice %add3A_102 {offsets = [0, 0], sizes = [512, 3], strides = [1, 1]} : vector<512x259xf32> to vector<512x3xf32>
    %sub3A_108 = arith.subf %slice3A_107, %reshape3A_106 : vector<512x3xf32>
    %div3A = arith.constant 4.000000e-01 : f32
    %div3A_109 = vector.broadcast %div3A : f32 to vector<512x3xf32>
    %div3A_110 = arith.divf %sub3A_108, %div3A_109 : vector<512x3xf32>
    %slice3A_111 = vector.extract_strided_slice %add3A_102 {offsets = [0, 3], sizes = [512, 256], strides = [1, 1]} : vector<512x259xf32> to vector<512x256xf32>
    %concatenate3A_112 = tpu.concatenate %div3A_110, %slice3A_111 in 1 : vector<512x3xf32>, vector<512x256xf32> -> vector<512x259xf32>
    %get3A_113 = arith.constant 0 : index
    %get3A_114 = arith.constant 0 : index
    %get3A_115 = vector.load %arg5[%get3A_113, %get3A_114] : memref<259x128xf32, #tpu.memory_space<vmem>>, vector<259x128xf32>
    %get3A_116 = arith.constant 0 : index
    %get3A_117 = arith.constant 0 : index
    %get3A_118 = vector.load %arg6[%get3A_116, %get3A_117] : memref<1x128xf32, #tpu.memory_space<vmem>>, vector<1x128xf32>
    %get3A_119 = arith.constant 0 : index
    %get3A_120 = arith.constant 0 : index
    %get3A_121 = vector.load %arg7[%get3A_119, %get3A_120] : memref<1x128xf32, #tpu.memory_space<vmem>>, vector<1x128xf32>
    %convert_element_type3A_122 = arith.truncf %concatenate3A_112 : vector<512x259xf32> to vector<512x259xbf16>
    %convert_element_type3A_123 = arith.truncf %get3A_115 : vector<259x128xf32> to vector<259x128xbf16>
    %dot_general3A_124 = arith.constant dense<0.000000e+00> : vector<512x128xf32>
    %dot_general3A_125 = tpu.matmul %convert_element_type3A_122, %convert_element_type3A_123, %dot_general3A_124 {dimension_numbers = #tpu.dot_dimension_numbers<[1], [0], [0], [1], [0, 0, 1, 1], [], []>, transpose_lhs_hint = false} : vector<512x259xbf16>, vector<259x128xbf16>, vector<512x128xf32> -> vector<512x128xf32>
    %mul3A_126 = arith.constant 0.999994993 : f32
    %mul3A_127 = vector.broadcast %mul3A_126 : f32 to vector<512x128xf32>
    %mul3A_128 = arith.mulf %dot_general3A_125, %mul3A_127 : vector<512x128xf32>
    %mul3A_129 = vector.broadcast %get3A_118 : vector<1x128xf32> to vector<512x128xf32>
    %mul3A_130 = arith.mulf %mul3A_129, %mul3A_128 : vector<512x128xf32>
    %add3A_131 = vector.broadcast %get3A_121 : vector<1x128xf32> to vector<512x128xf32>
    %add3A_132 = arith.addf %mul3A_130, %add3A_131 : vector<512x128xf32>
    %max3A = arith.constant 0.000000e+00 : f32
    %max3A_133 = vector.broadcast %max3A : f32 to vector<512x128xf32>
    %max3A_134 = arith.maximumf %add3A_132, %max3A_133 : vector<512x128xf32>
    %get3A_135 = arith.constant 0 : index
    %get3A_136 = arith.constant 0 : index
    %get3A_137 = vector.load %arg8[%get3A_135, %get3A_136] : memref<128x128xf32, #tpu.memory_space<vmem>>, vector<128x128xf32>
    %get3A_138 = arith.constant 0 : index
    %get3A_139 = arith.constant 0 : index
    %get3A_140 = vector.load %arg9[%get3A_138, %get3A_139] : memref<1x128xf32, #tpu.memory_space<vmem>>, vector<1x128xf32>
    %get3A_141 = arith.constant 0 : index
    %get3A_142 = arith.constant 0 : index
    %get3A_143 = vector.load %arg10[%get3A_141, %get3A_142] : memref<1x128xf32, #tpu.memory_space<vmem>>, vector<1x128xf32>
    %convert_element_type3A_144 = arith.truncf %max3A_134 : vector<512x128xf32> to vector<512x128xbf16>
    %convert_element_type3A_145 = arith.truncf %get3A_137 : vector<128x128xf32> to vector<128x128xbf16>
    %dot_general3A_146 = arith.constant dense<0.000000e+00> : vector<512x128xf32>
    %dot_general3A_147 = tpu.matmul %convert_element_type3A_144, %convert_element_type3A_145, %dot_general3A_146 {dimension_numbers = #tpu.dot_dimension_numbers<[1], [0], [0], [1], [0, 0, 1, 1], [], []>, transpose_lhs_hint = false} : vector<512x128xbf16>, vector<128x128xbf16>, vector<512x128xf32> -> vector<512x128xf32>
    %mul3A_148 = arith.constant 0.999994993 : f32
    %mul3A_149 = vector.broadcast %mul3A_148 : f32 to vector<512x128xf32>
    %mul3A_150 = arith.mulf %dot_general3A_147, %mul3A_149 : vector<512x128xf32>
    %mul3A_151 = vector.broadcast %get3A_140 : vector<1x128xf32> to vector<512x128xf32>
    %mul3A_152 = arith.mulf %mul3A_151, %mul3A_150 : vector<512x128xf32>
    %add3A_153 = vector.broadcast %get3A_143 : vector<1x128xf32> to vector<512x128xf32>
    %add3A_154 = arith.addf %mul3A_152, %add3A_153 : vector<512x128xf32>
    %max3A_155 = arith.constant 0.000000e+00 : f32
    %max3A_156 = vector.broadcast %max3A_155 : f32 to vector<512x128xf32>
    %max3A_157 = arith.maximumf %add3A_154, %max3A_156 : vector<512x128xf32>
    %get3A_158 = arith.constant 0 : index
    %get3A_159 = arith.constant 0 : index
    %get3A_160 = vector.load %arg11[%get3A_158, %get3A_159] : memref<128x256xf32, #tpu.memory_space<vmem>>, vector<128x256xf32>
    %get3A_161 = arith.constant 0 : index
    %get3A_162 = arith.constant 0 : index
    %get3A_163 = vector.load %arg12[%get3A_161, %get3A_162] : memref<1x256xf32, #tpu.memory_space<vmem>>, vector<1x256xf32>
    %get3A_164 = arith.constant 0 : index
    %get3A_165 = arith.constant 0 : index
    %get3A_166 = vector.load %arg13[%get3A_164, %get3A_165] : memref<1x256xf32, #tpu.memory_space<vmem>>, vector<1x256xf32>
    %convert_element_type3A_167 = arith.truncf %max3A_157 : vector<512x128xf32> to vector<512x128xbf16>
    %convert_element_type3A_168 = arith.truncf %get3A_160 : vector<128x256xf32> to vector<128x256xbf16>
    %dot_general3A_169 = arith.constant dense<0.000000e+00> : vector<512x256xf32>
    %dot_general3A_170 = tpu.matmul %convert_element_type3A_167, %convert_element_type3A_168, %dot_general3A_169 {dimension_numbers = #tpu.dot_dimension_numbers<[1], [0], [0], [1], [0, 0, 1, 1], [], []>, transpose_lhs_hint = false} : vector<512x128xbf16>, vector<128x256xbf16>, vector<512x256xf32> -> vector<512x256xf32>
    %mul3A_171 = arith.constant 0.999994993 : f32
    %mul3A_172 = vector.broadcast %mul3A_171 : f32 to vector<512x256xf32>
    %mul3A_173 = arith.mulf %dot_general3A_170, %mul3A_172 : vector<512x256xf32>
    %mul3A_174 = vector.broadcast %get3A_163 : vector<1x256xf32> to vector<512x256xf32>
    %mul3A_175 = arith.mulf %mul3A_174, %mul3A_173 : vector<512x256xf32>
    %add3A_176 = vector.broadcast %get3A_166 : vector<1x256xf32> to vector<512x256xf32>
    %add3A_177 = arith.addf %mul3A_175, %add3A_176 : vector<512x256xf32>
    %max3A_178 = arith.constant 0.000000e+00 : f32
    %max3A_179 = vector.broadcast %max3A_178 : f32 to vector<512x256xf32>
    %max3A_180 = arith.maximumf %add3A_177, %max3A_179 : vector<512x256xf32>
    %iota3A_181 = tpu.iota {dimensions = array<i32: 0>} : vector<512x1xi32>
    %jit3A = arith.constant 16 : i32
    %eq3A_182 = arith.constant 0 : i32
    %eq3A_183 = arith.cmpi eq, %jit3A, %eq3A_182 : i32
    %jit3A_184 = arith.constant 1 : i32
    %select_n3A = arith.select %eq3A_183, %jit3A_184, %jit3A : i32
    %rem3A = vector.broadcast %select_n3A : i32 to vector<512x1xi32>
    %rem3A_185 = arith.remsi %iota3A_181, %rem3A : vector<512x1xi32>
    %ne3A = arith.constant 0 : i32
    %ne3A_186 = vector.broadcast %ne3A : i32 to vector<512x1xi32>
    %ne3A_187 = arith.cmpi ne, %rem3A_185, %ne3A_186 : vector<512x1xi32>
    %lt3A_188 = arith.constant 0 : i32
    %lt3A_189 = vector.broadcast %lt3A_188 : i32 to vector<512x1xi32>
    %lt3A_190 = arith.cmpi slt, %rem3A_185, %lt3A_189 : vector<512x1xi32>
    %lt3A_191 = arith.constant 0 : i32
    %lt3A_192 = arith.cmpi slt, %select_n3A, %lt3A_191 : i32
    %ne3A_193 = vector.broadcast %lt3A_192 : i1 to vector<512x1xi1>
    %ne3A_194 = vector.broadcast %ne3A_193 : vector<512x1xi1> to vector<512x1xi1>
    %ne3A_195 = arith.xori %lt3A_190, %ne3A_194 : vector<512x1xi1>
    %and3A_196 = arith.andi %ne3A_195, %ne3A_187 : vector<512x1xi1>
    %add3A_197 = vector.broadcast %select_n3A : i32 to vector<512x1xi32>
    %add3A_198 = arith.addi %rem3A_185, %add3A_197 : vector<512x1xi32>
    %select_n3A_199 = arith.select %and3A_196, %add3A_198, %rem3A_185 : vector<512x1xi1>, vector<512x1xi32>
    %broadcast_in_dim3A_200 = vector.shape_cast %slice3A_83 : vector<32x1xi32> to vector<32x1x1xi32>
    %broadcast_in_dim3A_201 = vector.shape_cast %broadcast_in_dim3A_200 : vector<32x1x1xi32> to vector<32x1x1xi32>
    %broadcast_in_dim3A_202 = vector.broadcast %broadcast_in_dim3A_201 : vector<32x1x1xi32> to vector<32x16x1xi32>
    %reshape3A_203 = vector.shape_cast %broadcast_in_dim3A_202 : vector<32x16x1xi32> to vector<512x1xi32>
    %min3A = arith.constant 16 : i32
    %min3A_204 = vector.broadcast %min3A : i32 to vector<512x1xi32>
    %min3A_205 = arith.minsi %reshape3A_203, %min3A_204 : vector<512x1xi32>
    %lt3A_206 = arith.cmpi slt, %select_n3A_199, %min3A_205 : vector<512x1xi32>
    %jit3A_207 = arith.constant 0xFF800000 : f32
    %broadcast_in_dim3A_208 = vector.shape_cast %lt3A_206 : vector<512x1xi1> to vector<512x1xi1>
    %broadcast_in_dim3A_209 = vector.broadcast %broadcast_in_dim3A_208 : vector<512x1xi1> to vector<512x256xi1>
    %broadcast_in_dim3A_210 = vector.broadcast %jit3A_207 : f32 to vector<512x256xf32>
    %select_n3A_211 = arith.select %broadcast_in_dim3A_209, %max3A_180, %broadcast_in_dim3A_210 : vector<512x256xi1>, vector<512x256xf32>
    %reshape3A_212 = vector.shape_cast %select_n3A_211 : vector<512x256xf32> to vector<32x16x256xf32>
    %reduce_max3A = arith.constant dense<0xFF800000> : vector<32x256xf32>
    %reduce_max3A_213 = vector.multi_reduction <maximumf>, %reshape3A_212, %reduce_max3A [1] : vector<32x16x256xf32> to vector<32x256xf32>
    %swap3A = arith.constant 0 : index
    %swap3A_214 = arith.constant 0 : index
    %swap3A_215 = arith.constant 0 : index
    %swap3A_216 = vector.load %arg14[%swap3A, %swap3A_214, %swap3A_215] : memref<1x32x256xf32, #tpu.memory_space<vmem>>, vector<1x32x256xf32>
    %swap3A_217 = vector.shape_cast %swap3A_216 : vector<1x32x256xf32> to vector<32x256xf32>
    %swap3A_218 = vector.shape_cast %reduce_max3A_213 : vector<32x256xf32> to vector<1x32x256xf32>
    tpu.vector_store %arg14[%swap3A, %swap3A_214, %swap3A_215], %swap3A_218 {strides = array<i32>} : memref<1x32x256xf32, #tpu.memory_space<vmem>>, vector<1x32x256xf32>,
    return
  }
  func.func @transform_0(%arg0: i32, %arg1: i32) -> (i32, i32, i32) {
    %c0_i32 = arith.constant 0 : i32
    %c0_i32_0 = arith.constant 0 : i32
    %c0_i32_1 = arith.constant 0 : i32
    return %arg0, %c0_i32, %c0_i32_0 : i32, i32, i32
  }
  func.func @transform_1(%arg0: i32, %arg1: i32) -> (i32, i32, i32) {
    %c0_i32 = arith.constant 0 : i32
    %c0_i32_0 = arith.constant 0 : i32
    %c0_i32_1 = arith.constant 0 : i32
    return %arg0, %c0_i32, %c0_i32_0 : i32, i32, i32
  }
  func.func @transform_2(%arg0: i32, %arg1: i32) -> (i32, i32, i32) {
    %c0_i32 = arith.constant 0 : i32
    %c0_i32_0 = arith.constant 0 : i32
    return %arg0, %arg1, %c0_i32 : i32, i32, i32
  }
  func.func @transform_3(%arg0: i32, %arg1: i32) -> (i32, i32) {
    %c0_i32 = arith.constant 0 : i32
    %c0_i32_0 = arith.constant 0 : i32
    %c0_i32_1 = arith.constant 0 : i32
    return %c0_i32, %c0_i32_0 : i32, i32
  }
  func.func @transform_4(%arg0: i32, %arg1: i32) -> (i32, i32) {
    %c0_i32 = arith.constant 0 : i32
    %c0_i32_0 = arith.constant 0 : i32
    %c0_i32_1 = arith.constant 0 : i32
    return %c0_i32, %c0_i32_0 : i32, i32
  }
  func.func @transform_5(%arg0: i32, %arg1: i32) -> (i32, i32) {
    %c0_i32 = arith.constant 0 : i32
    %c0_i32_0 = arith.constant 0 : i32
    %c0_i32_1 = arith.constant 0 : i32
    return %c0_i32, %c0_i32_0 : i32, i32
  }
  func.func @transform_6(%arg0: i32, %arg1: i32) -> (i32, i32) {
    %c0_i32 = arith.constant 0 : i32
    %c0_i32_0 = arith.constant 0 : i32
    %c0_i32_1 = arith.constant 0 : i32
    return %c0_i32, %c0_i32_0 : i32, i32
  }
  func.func @transform_7(%arg0: i32, %arg1: i32) -> (i32, i32) {
    %c0_i32 = arith.constant 0 : i32
    %c0_i32_0 = arith.constant 0 : i32
    %c0_i32_1 = arith.constant 0 : i32
    return %c0_i32, %c0_i32_0 : i32, i32
  }
  func.func @transform_8(%arg0: i32, %arg1: i32) -> (i32, i32) {
    %c0_i32 = arith.constant 0 : i32
    %c0_i32_0 = arith.constant 0 : i32
    %c0_i32_1 = arith.constant 0 : i32
    return %c0_i32, %c0_i32_0 : i32, i32
  }
  func.func @transform_9(%arg0: i32, %arg1: i32) -> (i32, i32) {
    %c0_i32 = arith.constant 0 : i32
    %c0_i32_0 = arith.constant 0 : i32
    %c0_i32_1 = arith.constant 0 : i32
    return %c0_i32, %c0_i32_0 : i32, i32
  }
  func.func @transform_10(%arg0: i32, %arg1: i32) -> (i32, i32) {
    %c0_i32 = arith.constant 0 : i32
    %c0_i32_0 = arith.constant 0 : i32
    %c0_i32_1 = arith.constant 0 : i32
    return %c0_i32, %c0_i32_0 : i32, i32
  }
  func.func @transform_11(%arg0: i32, %arg1: i32) -> (i32, i32) {
    %c0_i32 = arith.constant 0 : i32
    %c0_i32_0 = arith.constant 0 : i32
    %c0_i32_1 = arith.constant 0 : i32
    return %c0_i32, %c0_i32_0 : i32, i32
  }
  func.func @transform_12(%arg0: i32, %arg1: i32) -> (i32, i32, i32) {
    %c0_i32 = arith.constant 0 : i32
    %c0_i32_0 = arith.constant 0 : i32
    return %arg0, %arg1, %c0_i32 : i32, i32, i32
  }
}

module attributes {stable_mosaic.version = 14 : i64} {
  func.func @wrapped(%arg0: i32, %arg1: memref<1x512x3xf32, #tpu.memory_space<vmem>>, %arg2: memref<1x3x256xf32, #tpu.memory_space<vmem>>, %arg3: memref<1x512x256xf32, #tpu.memory_space<vmem>>, %arg4: memref<1x256x256xf32, #tpu.memory_space<vmem>>, %arg5: memref<512x256xf32, #tpu.memory_space<vmem>>, %arg6: memref<1x256xf32, #tpu.memory_space<vmem>>, %arg7: memref<1x256xf32, #tpu.memory_space<vmem>>, %arg8: memref<256x256xf32, #tpu.memory_space<vmem>>, %arg9: memref<1x256xf32, #tpu.memory_space<vmem>>, %arg10: memref<1x256xf32, #tpu.memory_space<vmem>>, %arg11: memref<1x512x256xf32, #tpu.memory_space<vmem>>) attributes {dimension_semantics = [#tpu.dimension_semantics<arbitrary>], iteration_bounds = array<i64: 2>, scalar_prefetch = 0 : i64, scratch_operands = 0 : i64, tpu.core_type = #tpu.core_type<tc>, window_params = [{transform_indices = @transform_0, window_bounds = array<i64: 1, 512, 3>}, {transform_indices = @transform_1, window_bounds = array<i64: 1, 3, 256>}, {transform_indices = @transform_2, window_bounds = array<i64: 1, 512, 256>}, {transform_indices = @transform_3, window_bounds = array<i64: 1, 256, 256>}, {pipeline_mode = #tpu.pipeline_mode<synchronous>, transform_indices = @transform_4, window_bounds = array<i64: 512, 256>}, {pipeline_mode = #tpu.pipeline_mode<synchronous>, transform_indices = @transform_5, window_bounds = array<i64: 1, 256>}, {pipeline_mode = #tpu.pipeline_mode<synchronous>, transform_indices = @transform_6, window_bounds = array<i64: 1, 256>}, {pipeline_mode = #tpu.pipeline_mode<synchronous>, transform_indices = @transform_7, window_bounds = array<i64: 256, 256>}, {pipeline_mode = #tpu.pipeline_mode<synchronous>, transform_indices = @transform_8, window_bounds = array<i64: 1, 256>}, {pipeline_mode = #tpu.pipeline_mode<synchronous>, transform_indices = @transform_9, window_bounds = array<i64: 1, 256>}, {transform_indices = @transform_10, window_bounds = array<i64: 1, 512, 256>}]} {
    %get3A = arith.constant 0 : index
    %get3A_0 = arith.constant 0 : index
    %get3A_1 = arith.constant 0 : index
    %get3A_2 = vector.load %arg1[%get3A, %get3A_0, %get3A_1] : memref<1x512x3xf32, #tpu.memory_space<vmem>>, vector<1x512x3xf32>
    %get3A_3 = vector.shape_cast %get3A_2 : vector<1x512x3xf32> to vector<512x3xf32>
    %slice3A = vector.extract_strided_slice %get3A_3 {offsets = [0, 0], sizes = [512, 1], strides = [1, 1]} : vector<512x3xf32> to vector<512x1xf32>
    %slice3A_4 = vector.extract_strided_slice %get3A_3 {offsets = [0, 1], sizes = [512, 1], strides = [1, 1]} : vector<512x3xf32> to vector<512x1xf32>
    %slice3A_5 = vector.extract_strided_slice %get3A_3 {offsets = [0, 2], sizes = [512, 1], strides = [1, 1]} : vector<512x3xf32> to vector<512x1xf32>
    %get3A_6 = arith.constant 0 : index
    %get3A_7 = arith.constant 0 : index
    %get3A_8 = arith.constant 0 : index
    %get3A_9 = vector.load %arg2[%get3A_6, %get3A_7, %get3A_8] : memref<1x3x256xf32, #tpu.memory_space<vmem>>, vector<1x1x256xf32>
    %get3A_10 = vector.shape_cast %get3A_9 : vector<1x1x256xf32> to vector<1x256xf32>
    %get3A_11 = arith.constant 0 : index
    %get3A_12 = arith.constant 1 : index
    %get3A_13 = arith.constant 0 : index
    %get3A_14 = vector.load %arg2[%get3A_11, %get3A_12, %get3A_13] : memref<1x3x256xf32, #tpu.memory_space<vmem>>, vector<1x1x256xf32>
    %get3A_15 = vector.shape_cast %get3A_14 : vector<1x1x256xf32> to vector<1x256xf32>
    %get3A_16 = arith.constant 0 : index
    %get3A_17 = arith.constant 2 : index
    %get3A_18 = arith.constant 0 : index
    %get3A_19 = vector.load %arg2[%get3A_16, %get3A_17, %get3A_18] : memref<1x3x256xf32, #tpu.memory_space<vmem>>, vector<1x1x256xf32>
    %get3A_20 = vector.shape_cast %get3A_19 : vector<1x1x256xf32> to vector<1x256xf32>
    %sub3A = vector.broadcast %slice3A : vector<512x1xf32> to vector<512x256xf32>
    %sub3A_21 = vector.broadcast %get3A_10 : vector<1x256xf32> to vector<512x256xf32>
    %sub3A_22 = arith.subf %sub3A, %sub3A_21 : vector<512x256xf32>
    %sub3A_23 = vector.broadcast %slice3A_4 : vector<512x1xf32> to vector<512x256xf32>
    %sub3A_24 = vector.broadcast %get3A_15 : vector<1x256xf32> to vector<512x256xf32>
    %sub3A_25 = arith.subf %sub3A_23, %sub3A_24 : vector<512x256xf32>
    %sub3A_26 = vector.broadcast %slice3A_5 : vector<512x1xf32> to vector<512x256xf32>
    %sub3A_27 = vector.broadcast %get3A_20 : vector<1x256xf32> to vector<512x256xf32>
    %sub3A_28 = arith.subf %sub3A_26, %sub3A_27 : vector<512x256xf32>
    %mul3A = arith.mulf %sub3A_22, %sub3A_22 : vector<512x256xf32>
    %mul3A_29 = arith.mulf %sub3A_25, %sub3A_25 : vector<512x256xf32>
    %add3A = arith.addf %mul3A, %mul3A_29 : vector<512x256xf32>
    %mul3A_30 = arith.mulf %sub3A_28, %sub3A_28 : vector<512x256xf32>
    %add3A_31 = arith.addf %add3A, %mul3A_30 : vector<512x256xf32>
    %iota3A = tpu.iota {dimensions = array<i32: 1>} : vector<512x256xi32>
    %broadcast_in_dim3A = arith.constant 0.000000e+00 : f32
    %broadcast_in_dim3A_32 = vector.broadcast %broadcast_in_dim3A : f32 to vector<512x256xf32>
    %broadcast_in_dim3A_33 = arith.constant 0.000000e+00 : f32
    %broadcast_in_dim3A_34 = vector.broadcast %broadcast_in_dim3A_33 : f32 to vector<512x1xf32>
    %reduce_min3A = arith.constant dense<0x7F800000> : vector<512xf32>
    %reduce_min3A_35 = vector.multi_reduction <minimumf>, %add3A_31, %reduce_min3A [1] : vector<512x256xf32> to vector<512xf32>
    %broadcast_in_dim3A_36 = vector.shape_cast %reduce_min3A_35 : vector<512xf32> to vector<512x1xf32>
    %eq3A = vector.broadcast %broadcast_in_dim3A_36 : vector<512x1xf32> to vector<512x256xf32>
    %eq3A_37 = arith.cmpf oeq, %add3A_31, %eq3A : vector<512x256xf32>
    %jit3A = arith.constant 256 : i32
    %broadcast_in_dim3A_38 = vector.broadcast %jit3A : i32 to vector<512x256xi32>
    %select_n3A = arith.select %eq3A_37, %iota3A, %broadcast_in_dim3A_38 : vector<512x256xi1>, vector<512x256xi32>
    %reduce_min3A_39 = arith.constant dense<2147483647> : vector<512xi32>
    %reduce_min3A_40 = vector.multi_reduction <minsi>, %select_n3A, %reduce_min3A_39 [1] : vector<512x256xi32> to vector<512xi32>
    %broadcast_in_dim3A_41 = vector.shape_cast %reduce_min3A_40 : vector<512xi32> to vector<512x1xi32>
    %eq3A_42 = vector.broadcast %broadcast_in_dim3A_41 : vector<512x1xi32> to vector<512x256xi32>
    %eq3A_43 = arith.cmpi eq, %iota3A, %eq3A_42 : vector<512x256xi32>
    %add3A_44 = arith.constant 9.99999993E-9 : f32
    %add3A_45 = vector.broadcast %add3A_44 : f32 to vector<512x1xf32>
    %add3A_46 = arith.addf %broadcast_in_dim3A_36, %add3A_45 : vector<512x1xf32>
    %div3A = arith.constant 1.000000e+00 : f32
    %div3A_47 = vector.broadcast %div3A : f32 to vector<512x1xf32>
    %div3A_48 = arith.divf %div3A_47, %add3A_46 : vector<512x1xf32>
    %jit3A_49 = arith.constant 0.000000e+00 : f32
    %broadcast_in_dim3A_50 = vector.shape_cast %div3A_48 : vector<512x1xf32> to vector<512x1xf32>
    %broadcast_in_dim3A_51 = vector.broadcast %broadcast_in_dim3A_50 : vector<512x1xf32> to vector<512x256xf32>
    %broadcast_in_dim3A_52 = vector.broadcast %jit3A_49 : f32 to vector<512x256xf32>
    %select_n3A_53 = arith.select %eq3A_43, %broadcast_in_dim3A_51, %broadcast_in_dim3A_52 : vector<512x256xi1>, vector<512x256xf32>
    %add3A_54 = arith.addf %broadcast_in_dim3A_32, %select_n3A_53 : vector<512x256xf32>
    %add3A_55 = arith.addf %broadcast_in_dim3A_34, %div3A_48 : vector<512x1xf32>
    %jit3A_56 = arith.constant 1.000000e+30 : f32
    %broadcast_in_dim3A_57 = vector.broadcast %jit3A_56 : f32 to vector<512x256xf32>
    %select_n3A_58 = arith.select %eq3A_43, %broadcast_in_dim3A_57, %add3A_31 : vector<512x256xi1>, vector<512x256xf32>
    %reduce_min3A_59 = arith.constant dense<0x7F800000> : vector<512xf32>
    %reduce_min3A_60 = vector.multi_reduction <minimumf>, %select_n3A_58, %reduce_min3A_59 [1] : vector<512x256xf32> to vector<512xf32>
    %broadcast_in_dim3A_61 = vector.shape_cast %reduce_min3A_60 : vector<512xf32> to vector<512x1xf32>
    %eq3A_62 = vector.broadcast %broadcast_in_dim3A_61 : vector<512x1xf32> to vector<512x256xf32>
    %eq3A_63 = arith.cmpf oeq, %select_n3A_58, %eq3A_62 : vector<512x256xf32>
    %jit3A_64 = arith.constant 256 : i32
    %broadcast_in_dim3A_65 = vector.broadcast %jit3A_64 : i32 to vector<512x256xi32>
    %select_n3A_66 = arith.select %eq3A_63, %iota3A, %broadcast_in_dim3A_65 : vector<512x256xi1>, vector<512x256xi32>
    %reduce_min3A_67 = arith.constant dense<2147483647> : vector<512xi32>
    %reduce_min3A_68 = vector.multi_reduction <minsi>, %select_n3A_66, %reduce_min3A_67 [1] : vector<512x256xi32> to vector<512xi32>
    %broadcast_in_dim3A_69 = vector.shape_cast %reduce_min3A_68 : vector<512xi32> to vector<512x1xi32>
    %eq3A_70 = vector.broadcast %broadcast_in_dim3A_69 : vector<512x1xi32> to vector<512x256xi32>
    %eq3A_71 = arith.cmpi eq, %iota3A, %eq3A_70 : vector<512x256xi32>
    %add3A_72 = arith.constant 9.99999993E-9 : f32
    %add3A_73 = vector.broadcast %add3A_72 : f32 to vector<512x1xf32>
    %add3A_74 = arith.addf %broadcast_in_dim3A_61, %add3A_73 : vector<512x1xf32>
    %div3A_75 = arith.constant 1.000000e+00 : f32
    %div3A_76 = vector.broadcast %div3A_75 : f32 to vector<512x1xf32>
    %div3A_77 = arith.divf %div3A_76, %add3A_74 : vector<512x1xf32>
    %jit3A_78 = arith.constant 0.000000e+00 : f32
    %broadcast_in_dim3A_79 = vector.shape_cast %div3A_77 : vector<512x1xf32> to vector<512x1xf32>
    %broadcast_in_dim3A_80 = vector.broadcast %broadcast_in_dim3A_79 : vector<512x1xf32> to vector<512x256xf32>
    %broadcast_in_dim3A_81 = vector.broadcast %jit3A_78 : f32 to vector<512x256xf32>
    %select_n3A_82 = arith.select %eq3A_71, %broadcast_in_dim3A_80, %broadcast_in_dim3A_81 : vector<512x256xi1>, vector<512x256xf32>
    %add3A_83 = arith.addf %add3A_54, %select_n3A_82 : vector<512x256xf32>
    %add3A_84 = arith.addf %add3A_55, %div3A_77 : vector<512x1xf32>
    %jit3A_85 = arith.constant 1.000000e+30 : f32
    %broadcast_in_dim3A_86 = vector.broadcast %jit3A_85 : f32 to vector<512x256xf32>
    %select_n3A_87 = arith.select %eq3A_71, %broadcast_in_dim3A_86, %select_n3A_58 : vector<512x256xi1>, vector<512x256xf32>
    %reduce_min3A_88 = arith.constant dense<0x7F800000> : vector<512xf32>
    %reduce_min3A_89 = vector.multi_reduction <minimumf>, %select_n3A_87, %reduce_min3A_88 [1] : vector<512x256xf32> to vector<512xf32>
    %broadcast_in_dim3A_90 = vector.shape_cast %reduce_min3A_89 : vector<512xf32> to vector<512x1xf32>
    %eq3A_91 = vector.broadcast %broadcast_in_dim3A_90 : vector<512x1xf32> to vector<512x256xf32>
    %eq3A_92 = arith.cmpf oeq, %select_n3A_87, %eq3A_91 : vector<512x256xf32>
    %jit3A_93 = arith.constant 256 : i32
    %broadcast_in_dim3A_94 = vector.broadcast %jit3A_93 : i32 to vector<512x256xi32>
    %select_n3A_95 = arith.select %eq3A_92, %iota3A, %broadcast_in_dim3A_94 : vector<512x256xi1>, vector<512x256xi32>
    %reduce_min3A_96 = arith.constant dense<2147483647> : vector<512xi32>
    %reduce_min3A_97 = vector.multi_reduction <minsi>, %select_n3A_95, %reduce_min3A_96 [1] : vector<512x256xi32> to vector<512xi32>
    %broadcast_in_dim3A_98 = vector.shape_cast %reduce_min3A_97 : vector<512xi32> to vector<512x1xi32>
    %eq3A_99 = vector.broadcast %broadcast_in_dim3A_98 : vector<512x1xi32> to vector<512x256xi32>
    %eq3A_100 = arith.cmpi eq, %iota3A, %eq3A_99 : vector<512x256xi32>
    %add3A_101 = arith.constant 9.99999993E-9 : f32
    %add3A_102 = vector.broadcast %add3A_101 : f32 to vector<512x1xf32>
    %add3A_103 = arith.addf %broadcast_in_dim3A_90, %add3A_102 : vector<512x1xf32>
    %div3A_104 = arith.constant 1.000000e+00 : f32
    %div3A_105 = vector.broadcast %div3A_104 : f32 to vector<512x1xf32>
    %div3A_106 = arith.divf %div3A_105, %add3A_103 : vector<512x1xf32>
    %jit3A_107 = arith.constant 0.000000e+00 : f32
    %broadcast_in_dim3A_108 = vector.shape_cast %div3A_106 : vector<512x1xf32> to vector<512x1xf32>
    %broadcast_in_dim3A_109 = vector.broadcast %broadcast_in_dim3A_108 : vector<512x1xf32> to vector<512x256xf32>
    %broadcast_in_dim3A_110 = vector.broadcast %jit3A_107 : f32 to vector<512x256xf32>
    %select_n3A_111 = arith.select %eq3A_100, %broadcast_in_dim3A_109, %broadcast_in_dim3A_110 : vector<512x256xi1>, vector<512x256xf32>
    %add3A_112 = arith.addf %add3A_83, %select_n3A_111 : vector<512x256xf32>
    %add3A_113 = arith.addf %add3A_84, %div3A_106 : vector<512x1xf32>
    %div3A_114 = vector.broadcast %add3A_113 : vector<512x1xf32> to vector<512x256xf32>
    %div3A_115 = arith.divf %add3A_112, %div3A_114 : vector<512x256xf32>
    %get3A_116 = arith.constant 0 : index
    %get3A_117 = arith.constant 0 : index
    %get3A_118 = arith.constant 0 : index
    %get3A_119 = vector.load %arg4[%get3A_116, %get3A_117, %get3A_118] : memref<1x256x256xf32, #tpu.memory_space<vmem>>, vector<1x256x256xf32>
    %get3A_120 = vector.shape_cast %get3A_119 : vector<1x256x256xf32> to vector<256x256xf32>
    %dot_general3A = arith.constant dense<0.000000e+00> : vector<512x256xf32>
    %dot_general3A_121 = tpu.matmul %div3A_115, %get3A_120, %dot_general3A {dimension_numbers = #tpu.dot_dimension_numbers<[1], [0], [0], [1], [0, 0, 1, 1], [], []>, precision = #tpu.contract_precision<fp32>, transpose_lhs_hint = false} : vector<512x256xf32>, vector<256x256xf32>, vector<512x256xf32> -> vector<512x256xf32>
    %get3A_122 = arith.constant 0 : index
    %get3A_123 = arith.constant 0 : index
    %get3A_124 = arith.constant 0 : index
    %get3A_125 = vector.load %arg3[%get3A_122, %get3A_123, %get3A_124] : memref<1x512x256xf32, #tpu.memory_space<vmem>>, vector<1x512x256xf32>
    %get3A_126 = vector.shape_cast %get3A_125 : vector<1x512x256xf32> to vector<512x256xf32>
    %concatenate3A = tpu.concatenate %dot_general3A_121, %get3A_126 in 1 : vector<512x256xf32>, vector<512x256xf32> -> vector<512x512xf32>
    %get3A_127 = arith.constant 0 : index
    %get3A_128 = arith.constant 0 : index
    %get3A_129 = vector.load %arg5[%get3A_127, %get3A_128] : memref<512x256xf32, #tpu.memory_space<vmem>>, vector<512x256xf32>
    %get3A_130 = arith.constant 0 : index
    %get3A_131 = arith.constant 0 : index
    %get3A_132 = vector.load %arg6[%get3A_130, %get3A_131] : memref<1x256xf32, #tpu.memory_space<vmem>>, vector<1x256xf32>
    %get3A_133 = arith.constant 0 : index
    %get3A_134 = arith.constant 0 : index
    %get3A_135 = vector.load %arg7[%get3A_133, %get3A_134] : memref<1x256xf32, #tpu.memory_space<vmem>>, vector<1x256xf32>
    %convert_element_type3A = arith.truncf %concatenate3A : vector<512x512xf32> to vector<512x512xbf16>
    %convert_element_type3A_136 = arith.truncf %get3A_129 : vector<512x256xf32> to vector<512x256xbf16>
    %dot_general3A_137 = arith.constant dense<0.000000e+00> : vector<512x256xf32>
    %dot_general3A_138 = tpu.matmul %convert_element_type3A, %convert_element_type3A_136, %dot_general3A_137 {dimension_numbers = #tpu.dot_dimension_numbers<[1], [0], [0], [1], [0, 0, 1, 1], [], []>, transpose_lhs_hint = false} : vector<512x512xbf16>, vector<512x256xbf16>, vector<512x256xf32> -> vector<512x256xf32>
    %mul3A_139 = arith.constant 0.999994993 : f32
    %mul3A_140 = vector.broadcast %mul3A_139 : f32 to vector<512x256xf32>
    %mul3A_141 = arith.mulf %dot_general3A_138, %mul3A_140 : vector<512x256xf32>
    %mul3A_142 = vector.broadcast %get3A_132 : vector<1x256xf32> to vector<512x256xf32>
    %mul3A_143 = arith.mulf %mul3A_142, %mul3A_141 : vector<512x256xf32>
    %add3A_144 = vector.broadcast %get3A_135 : vector<1x256xf32> to vector<512x256xf32>
    %add3A_145 = arith.addf %mul3A_143, %add3A_144 : vector<512x256xf32>
    %max3A = arith.constant 0.000000e+00 : f32
    %max3A_146 = vector.broadcast %max3A : f32 to vector<512x256xf32>
    %max3A_147 = arith.maximumf %add3A_145, %max3A_146 : vector<512x256xf32>
    %get3A_148 = arith.constant 0 : index
    %get3A_149 = arith.constant 0 : index
    %get3A_150 = vector.load %arg8[%get3A_148, %get3A_149] : memref<256x256xf32, #tpu.memory_space<vmem>>, vector<256x256xf32>
    %get3A_151 = arith.constant 0 : index
    %get3A_152 = arith.constant 0 : index
    %get3A_153 = vector.load %arg9[%get3A_151, %get3A_152] : memref<1x256xf32, #tpu.memory_space<vmem>>, vector<1x256xf32>
    %get3A_154 = arith.constant 0 : index
    %get3A_155 = arith.constant 0 : index
    %get3A_156 = vector.load %arg10[%get3A_154, %get3A_155] : memref<1x256xf32, #tpu.memory_space<vmem>>, vector<1x256xf32>
    %convert_element_type3A_157 = arith.truncf %max3A_147 : vector<512x256xf32> to vector<512x256xbf16>
    %convert_element_type3A_158 = arith.truncf %get3A_150 : vector<256x256xf32> to vector<256x256xbf16>
    %dot_general3A_159 = arith.constant dense<0.000000e+00> : vector<512x256xf32>
    %dot_general3A_160 = tpu.matmul %convert_element_type3A_157, %convert_element_type3A_158, %dot_general3A_159 {dimension_numbers = #tpu.dot_dimension_numbers<[1], [0], [0], [1], [0, 0, 1, 1], [], []>, transpose_lhs_hint = false} : vector<512x256xbf16>, vector<256x256xbf16>, vector<512x256xf32> -> vector<512x256xf32>
    %mul3A_161 = arith.constant 0.999994993 : f32
    %mul3A_162 = vector.broadcast %mul3A_161 : f32 to vector<512x256xf32>
    %mul3A_163 = arith.mulf %dot_general3A_160, %mul3A_162 : vector<512x256xf32>
    %mul3A_164 = vector.broadcast %get3A_153 : vector<1x256xf32> to vector<512x256xf32>
    %mul3A_165 = arith.mulf %mul3A_164, %mul3A_163 : vector<512x256xf32>
    %add3A_166 = vector.broadcast %get3A_156 : vector<1x256xf32> to vector<512x256xf32>
    %add3A_167 = arith.addf %mul3A_165, %add3A_166 : vector<512x256xf32>
    %max3A_168 = arith.constant 0.000000e+00 : f32
    %max3A_169 = vector.broadcast %max3A_168 : f32 to vector<512x256xf32>
    %max3A_170 = arith.maximumf %add3A_167, %max3A_169 : vector<512x256xf32>
    %swap3A = arith.constant 0 : index
    %swap3A_171 = arith.constant 0 : index
    %swap3A_172 = arith.constant 0 : index
    %swap3A_173 = vector.load %arg11[%swap3A, %swap3A_171, %swap3A_172] : memref<1x512x256xf32, #tpu.memory_space<vmem>>, vector<1x512x256xf32>
    %swap3A_174 = vector.shape_cast %swap3A_173 : vector<1x512x256xf32> to vector<512x256xf32>
    %swap3A_175 = vector.shape_cast %max3A_170 : vector<512x256xf32> to vector<1x512x256xf32>
    tpu.vector_store %arg11[%swap3A, %swap3A_171, %swap3A_172], %swap3A_175 {strides = array<i32>} : memref<1x512x256xf32, #tpu.memory_space<vmem>>, vector<1x512x256xf32>,
    return
  }
  func.func @transform_0(%arg0: i32) -> (i32, i32, i32) {
    %c0_i32 = arith.constant 0 : i32
    %c0_i32_0 = arith.constant 0 : i32
    %c0_i32_1 = arith.constant 0 : i32
    return %arg0, %c0_i32, %c0_i32_0 : i32, i32, i32
  }
  func.func @transform_1(%arg0: i32) -> (i32, i32, i32) {
    %c0_i32 = arith.constant 0 : i32
    %c0_i32_0 = arith.constant 0 : i32
    %c0_i32_1 = arith.constant 0 : i32
    return %arg0, %c0_i32, %c0_i32_0 : i32, i32, i32
  }
  func.func @transform_2(%arg0: i32) -> (i32, i32, i32) {
    %c0_i32 = arith.constant 0 : i32
    %c0_i32_0 = arith.constant 0 : i32
    %c0_i32_1 = arith.constant 0 : i32
    return %arg0, %c0_i32, %c0_i32_0 : i32, i32, i32
  }
  func.func @transform_3(%arg0: i32) -> (i32, i32, i32) {
    %c0_i32 = arith.constant 0 : i32
    %c0_i32_0 = arith.constant 0 : i32
    %c0_i32_1 = arith.constant 0 : i32
    return %arg0, %c0_i32, %c0_i32_0 : i32, i32, i32
  }
  func.func @transform_4(%arg0: i32) -> (i32, i32) {
    %c0_i32 = arith.constant 0 : i32
    %c0_i32_0 = arith.constant 0 : i32
    %c0_i32_1 = arith.constant 0 : i32
    return %c0_i32, %c0_i32_0 : i32, i32
  }
  func.func @transform_5(%arg0: i32) -> (i32, i32) {
    %c0_i32 = arith.constant 0 : i32
    %c0_i32_0 = arith.constant 0 : i32
    %c0_i32_1 = arith.constant 0 : i32
    return %c0_i32, %c0_i32_0 : i32, i32
  }
  func.func @transform_6(%arg0: i32) -> (i32, i32) {
    %c0_i32 = arith.constant 0 : i32
    %c0_i32_0 = arith.constant 0 : i32
    %c0_i32_1 = arith.constant 0 : i32
    return %c0_i32, %c0_i32_0 : i32, i32
  }
  func.func @transform_7(%arg0: i32) -> (i32, i32) {
    %c0_i32 = arith.constant 0 : i32
    %c0_i32_0 = arith.constant 0 : i32
    %c0_i32_1 = arith.constant 0 : i32
    return %c0_i32, %c0_i32_0 : i32, i32
  }
  func.func @transform_8(%arg0: i32) -> (i32, i32) {
    %c0_i32 = arith.constant 0 : i32
    %c0_i32_0 = arith.constant 0 : i32
    %c0_i32_1 = arith.constant 0 : i32
    return %c0_i32, %c0_i32_0 : i32, i32
  }
  func.func @transform_9(%arg0: i32) -> (i32, i32) {
    %c0_i32 = arith.constant 0 : i32
    %c0_i32_0 = arith.constant 0 : i32
    %c0_i32_1 = arith.constant 0 : i32
    return %c0_i32, %c0_i32_0 : i32, i32
  }
  func.func @transform_10(%arg0: i32) -> (i32, i32, i32) {
    %c0_i32 = arith.constant 0 : i32
    %c0_i32_0 = arith.constant 0 : i32
    %c0_i32_1 = arith.constant 0 : i32
    return %arg0, %c0_i32, %c0_i32_0 : i32, i32, i32
  }
}

</mosaic_0001>

<sc_bundles>
// kernel: kernel.10.cloned.1.call-start
scs
__scs_entry_jumppad:
0x0: {  	(pc) =	sbr.rel $0x88, $3  }
0x1: {  	(tag) =	ssettag $0x0;
	lr =	simm.s32 $0x1  }
0x2: {  	[smem:$0x3F7F] =	sst lr;
	_ =	strace $0xD0000000  }
0x3: {  	_ = 	snop  }
0x4: {  	_ = 	snop  }
0x5: {  	_ = 	snop  }
0x6: {  	_ = 	snop  }
0x7: {  	_ = 	snop  }
__scs_overlays_trampoline_lowered:
0x8: {  	[smem:$0x3F8E] =	sst s0  }
0x9: {  	[smem:$0x3F8F] =	sst s1  }
0xa: {  	[smem:$0x3F90] =	sst s2  }
0xb: {  	[smem:$0x3F91] =	sst s3  }
0xc: {  	[smem:$0x3F92] =	sst s4  }
0xd: {  	[smem:$0x3F93] =	sst s5  }
0xe: {  	[smem:$0x3F94] =	sst s6  }
0xf: {  	[smem:$0x3F95] =	sst s7  }
0x10: {  	[smem:$0x3F96] =	sst s8  }
0x11: {  	[smem:$0x3F97] =	sst s9;
	s0 =	simm.s32 @!p0 $0x0  }
0x12: {  	s1 =	sld [smem:$0x3F7D];
	s0 =	simm.s32 @p0 $0x1  }
0x13: {  	[smem:$0x3F98] =	sst s0;
	s0 =	simm.s32 @!p1 $0x0  }
0x14: {  	s2 =	sld [smem:$0x3F7C];
	s0 =	simm.s32 @p1 $0x1  }
0x15: {  	[smem:$0x3F99] =	sst s0;
	s0 =	simm.s32 @!p2 $0x0  }
0x16: {  	s3 =	sld [smem:$0x3FDB];
	s0 =	simm.s32 @p2 $0x1  }
0x17: {  	s4 =	simm.s32 $0x1BF5;
	[smem:$0x3F9B] =	sst s0  }
0x18: {  	s0 =	sld [smem:$0x3F7E];
	_ =	swait.ge [sflag:s4], $0x0  }
0x19: {  	s7 =	sld [smem:$0x3F7F]  }
0x1a: {  	s8 =	sadd.s32 $0xFFFFE003, lr  }
0x1b: {  	s9 =	sadd.s32 $0xFFFFFEF7, lr;
	s5 =	simm.s32 $0xFFFFFFFF;
	p2 =	slt.u32 s8, $0xFFFFF086  }
0x1c: {  	p1 =	slt.u32 s9, $0xF7A;
	s5 =	simm.s32 @!p2 $0x0  }
0x1d: {  	s5 =	simm.s32 @p1 $0x1;
	p0 =	seq.s32 s7, s2  }
0x1e: {  	s7 =	smul.u32 @!p0 $0xF7A, s2;
	p2 =	seq.s32 @!p0 s5, $0x0  }
0x1f: {  	s9 =	smul.u32 $0xF7A, s1;
	s8 =	simm.s32 @!p0 $0x1BF5;
	p2 =	por !p2, p0  }
0x20: {  	[sflag:s8] =	ssyncset.s32 @!p0 $0xFFFFF086;
	s6 =	sadd.s32 @!p0 s3, s7;
	s7 =	simm.s32 @!p0 $0x108  }
0x21: {  	s3 =	sadd.s32 s3, s9;
	s6 =	sadd.s32 @!p0 $0x88, s6;
	s7 =	simm.s32 @p2 $0x1082  }
0x22: {  	[simem:s7], [sflag:s8] =	dma.local @!p0 [hbm:s6], $0xF7A  }
0x23: {  	s9 =	sor.u32 $0xD0000000, s2;
	s6 =	simm.s32 $0x108;
	_ =	swait.ge @!p0 [sflag:s8], $0x0  }
0x24: {  	s3 =	sadd.s32 $0x88, s3;
	s6 =	simm.s32 @!p1 $0x1082;
	[sflag:s4] =	ssyncset.s32 $0xFFFFF086  }
0x25: {  	[simem:s6], [sflag:s4] =	dma.local [hbm:s3], $0xF7A  }
0x26: {  	[smem:$0x3F7F] =	sst s1;
	(tag) =	ssettag s2;
	_ =	strace s9  }
0x27: {  	s1 =	sld [smem:$0x3F8F]  }
0x28: {  	s2 =	sld [smem:$0x3F90]  }
0x29: {  	s4 =	sld [smem:$0x3F92]  }
0x2a: {  	p0 =	seq.s32 s5, $0x0;
	s5 =	sld [smem:$0x3F93]  }
0x2b: {  	s6 =	sld [smem:$0x3F94]  }
0x2c: {  	s7 =	sld [smem:$0x3F95]  }
0x2d: {  	s3 =	simm.s32 $0x108;
	s8 =	sld [smem:$0x3F96]  }
0x2e: {  	s3 =	simm.s32 @!p0 $0x1082;
	s9 =	sld [smem:$0x3F97]  }
0x2f: {  	lr =	sadd.s32 s0, s3;
	s0 =	sld [smem:$0x3F8E]  }
0x30: {  	s3 =	sld [smem:$0x3F91]  }
0x31: {  	[smem:$0x3F9A] =	sst s10  }
0x32: {  	s10 =	sld [smem:$0x3F98];
	_ =	sdelay $0x3  }
0x33: {  	p0 =	seq.s32 s10, $0x1;
	s10 =	sld [smem:$0x3F9A];
	_ =	sdelay $0x3  }
0x34: {  	[smem:$0x3F9A] =	sst s10  }
0x35: {  	s10 =	sld [smem:$0x3F99];
	_ =	sdelay $0x3  }
0x36: {  	p1 =	seq.s32 s10, $0x1;
	s10 =	sld [smem:$0x3F9A];
	_ =	sdelay $0x3  }
0x37: {  	[smem:$0x3F9A] =	sst s10  }
0x38: {  	s10 =	sld [smem:$0x3F9B]  }
0x39: {  	_ = 	snop;
	(pc) =	sbr.ind lr, $3  }
0x3a: {  	_ = 	snop  }
0x3b: {  	_ = 	snop  }
0x3c: {  	p2 =	seq.s32 s10, $0x1;
	s10 =	sld [smem:$0x3F9A]  }
0x3d: {  	_ =	shalt  }
0x3e: {  	_ =	shalt  }
0x3f: {  	_ =	shalt  }
0x40: {  	_ =	shalt  }
0x41: {  	_ =	shalt  }
0x42: {  	_ =	shalt  }
0x43: {  	_ =	shalt  }
0x44: {  	_ =	shalt  }
0x45: {  	_ =	shalt  }
0x46: {  	_ =	shalt  }
0x47: {  	_ =	shalt  }
0x48: {  	_ =	shalt  }
0x49: {  	_ =	shalt  }
0x4a: {  	_ =	shalt  }
0x4b: {  	_ =	shalt  }
0x4c: {  	_ =	shalt  }
0x4d: {  	_ =	shalt  }
0x4e: {  	_ =	shalt  }
0x4f: {  	_ =	shalt  }
0x50: {  	_ =	shalt  }
0x51: {  	_ =	shalt  }
0x52: {  	_ =	shalt  }
0x53: {  	_ =	shalt  }
0x54: {  	_ =	shalt  }
0x55: {  	_ =	shalt  }
0x56: {  	_ =	shalt  }
0x57: {  	_ =	shalt  }
0x58: {  	_ =	shalt  }
0x59: {  	_ =	shalt  }
0x5a: {  	_ =	shalt  }
0x5b: {  	_ =	shalt  }
0x5c: {  	_ =	shalt  }
0x5d: {  	_ =	shalt  }
0x5e: {  	_ =	shalt  }
0x5f: {  	_ =	shalt  }
0x60: {  	_ =	shalt  }
0x61: {  	_ =	shalt  }
0x62: {  	_ =	shalt  }
0x63: {  	_ =	shalt  }
0x64: {  	_ =	shalt  }
0x65: {  	_ =	shalt  }
0x66: {  	_ =	shalt  }
0x67: {  	_ =	shalt  }
0x68: {  	_ =	shalt  }
0x69: {  	_ =	shalt  }
0x6a: {  	_ =	shalt  }
0x6b: {  	_ =	shalt  }
0x6c: {  	_ =	shalt  }
0x6d: {  	_ =	shalt  }
0x6e: {  	_ =	shalt  }
0x6f: {  	_ =	shalt  }
0x70: {  	_ =	shalt  }
0x71: {  	_ =	shalt  }
0x72: {  	_ =	shalt  }
0x73: {  	_ =	shalt  }
0x74: {  	_ =	shalt  }
0x75: {  	_ =	shalt  }
0x76: {  	_ =	shalt  }
0x77: {  	_ =	shalt  }
0x78: {  	_ =	shalt  }
0x79: {  	_ =	shalt  }
0x7a: {  	_ =	shalt  }
0x7b: {  	_ =	shalt  }
0x7c: {  	_ =	shalt  }
0x7d: {  	_ =	shalt  }
0x7e: {  	_ =	shalt  }
0x7f: {  	_ =	shalt  }
0x80: {  	_ =	shalt  }
0x81: {  	_ =	shalt  }
0x82: {  	_ =	shalt  }
0x83: {  	_ =	shalt  }
0x84: {  	_ =	shalt  }
0x85: {  	_ =	shalt  }
0x86: {  	_ =	shalt  }
0x87: {  	_ =	shalt  }
.Lfunc_end0:
.L_simem_size_0:
called_computation_lowered:
.L_overlay_start_0:
0x88: {  	s2 =	sld [smem:$0x3FD9]  }
0x89: {  	s3 =	sld [smem:$0x3FFE];
	_ =	sdelay $0x1  }
0x8a: {  	s1 =	srdreg.scid  }
0x8b: {  	s0 =	sand.u32 $0x1, s1  }
0x8c: {  	s16 =	sshll.u32 s0, $0xA;
	s2 =	sadd.s32 s3, s2  }
0x8d: {  	s2 =	sadd.s32 s2, s16  }
0x8e: {  	[smem:$0x3FA6] =	sst s2  }
0x8f: {  	_ = 	snop  }
0x90: {  	(tm) =	ssettm $0x1  }
0x91: {  	s17 =	sld [smem:$0x3FFB];
	_ =	sdelay $0x3  }
0x92: {  	_ =	strace s17  }
0x93: {  	s2 =	sld [smem:$0x3FFC];
	_ =	sdelay $0x3  }
0x94: {  	_ =	strace s2  }
0x95: {  	s2 =	sld [smem:$0x3FFD];
	_ =	sdelay $0x3  }
0x96: {  	_ =	strace s2  }
0x97: {  	_ =	strace $0x8FFFFFFF  }
0x98: {  	s18 =	sld [smem:$0x3FDB];
	_ =	sdelay $0x1  }
0x99: {  	s19 =	simm.s32 $_scs_section_size  }
0x9a: {  	s4 =	simm.s32 $_size__tile_overlayer_lowered;
	s5 =	simm.s32 $_tile_overlayer_lowered  }
0x9b: {  	s22 =	simm.s32 $0x1BFF;
	s21 =	sshll.u32 s5, $0x1;
	s2 =	sadd.s32 s19, s18  }
0x9c: {  	s6 =	simm.s32 $0x0;
	s20 =	sshll.u32 s4, $0x1;
	s4 =	sadd.s32 s21, s2  }
0x9d: {  	[timem:s6], [sflag:s22] =	dma.local [hbm:s4], s20  }
0x9e: {  	_ =	swait.ge [sflag:s22], s20  }
0x9f: {  	s3 =	ssub.s32 $0x0, s20;
	[sflag:s22] =	ssyncset.done $0x0  }
0xa0: {  	[sflag:s22] =	ssyncadd.s32 s3;
	_ =	sdelay $0x1  }
0xa1: {  	s23 =	simm.s32 $0x1B8B  }
0xa2: {  	_ =	swait.ge [sflag:s23], $0x1  }
0xa3: {  	[sflag:s23] =	ssyncset.done $0x0  }
0xa4: {  	s25 =	simm.s32 $0x1B8E;
	s24 =	sld [smem:$0x3FFE];
	[sflag:s23] =	ssyncadd.s32 $0xFFFFFFFF  }
0xa5: {  	s26 =	simm.s32 $execute0_lowered;
	[smem:$0x3FD2] =	sst s25  }
0xa6: {  	s4 =	sshll.u32 s26, $0x1;
	_ =	strace $0x80000046;
	[dreg:$0x1] =	wrdreg $0xFFFFFFFF  }
0xa7: {  	s28 =	simm.s32 $_size_execute0_lowered;
	s2 =	sadd.s32 s2, s4;
	[dreg:$0x0] =	wrdreg $0x0  }
0xa8: {  	s4 =	sshll.u32 s28, $0x1;
	[dreg:$0x2] =	wrdreg s2  }
0xa9: {  	[dreg:$0x3] =	wrdreg s4  }
0xaa: {  	[dreg:$0x4] =	wrdreg $0xC0  }
0xab: {  	_ =	task [dreg:s6], $0x5FFFF  }
0xac: {  	[dreg:$0x1] =	wrdreg $0xFFFFFFFF  }
0xad: {  	[dreg:$0x0] =	wrdreg $0x60  }
0xae: {  	[dreg:$0x2] =	wrdreg s24  }
0xaf: {  	[dreg:$0x3] =	wrdreg $0x9  }
0xb0: {  	_ =	task.clear_ibuf [dreg:s6], $0x4FFFF;
	_ =	strace $0x90000046  }
0xb1: {  	s29 =	simm.s32 $0x9;
	_ =	strace $0x80000048  }
0xb2: {  	_ =	swait.ge [sflag:s29], $0x1  }
0xb3: {  	[sflag:s29] =	ssyncadd.s32 $0xFFFFFFFF  }
0xb4: {  	_ =	strace $0x90000048  }
0xb5: {  	_ =	sfence  }
0xb6: {  	s30 =	sld [smem:$0x0];
	_ =	sdelay $0x2  }
0xb7: {  	s31 =	sshll.u32 s1, $0xD;
	s1 =	sshrl.u32 s1, $0x2  }
0xb8: {  	s3 =	sand.u32 $0x4000, s31;
	s1 =	sadd.s32 s1, s30  }
0xb9: {  	s0 =	sor.u32 s3, s0;
	s1 =	sshll.u32 s1, $0x11  }
0xba: {  	s0 =	sor.u32 s1, s0  }
0xbb: {  	s0 =	sadd.s32 $0x8F2B, s0  }
0xbc: {  	[sflag:s0] =	ssyncadd.remote.s32 $0x1  }
0xbd: {  	_ =	sfence.sel $0xFFFF  }
0xbe: {  	[dreg:$0x0] =	wrdreg $0xFFFFFFFF;
	(pc) =	sbr.abs _section_cstart, $3  }
0xbf: {  	[dreg:$0x1] =	wrdreg $0xFFFFFFFF  }
0xc0: {  	_ =	task.clear_ibuf [dreg:s6], $0x2FFFF;
	_ =	strace $0x9FFFFFFF  }
0xc1: {  	(tm) =	ssettm $0x7FFFFFFF  }
tec
execute0_lowered:
.L_overlay_start_1:
0x0: {  	(tag) =	ssettag $0x1  }
0x1: {  	s3 =	rddreg [dreg:$0x0]  }
0x2: {  	s2 =	simm.s32 $0x0;
	s0 =	stileid.u32;
	s4 =	srdreg.scid  }
0x3: {  	s11 =	simm.s32 $0x80;
	s12 =	simm.s32 $0x100;
	s13 =	simm.s32 $0x1  }
0x4: {  	s14 =	simm.s32 $0x4000;
	s15 =	simm.s32 $0x8000;
	s16 =	simm.s32 $0xC000  }
0x5: {  	s17 =	simm.s32 $0xC080;
	s18 =	simm.s32 $0xC100;
	s19 =	simm.s32 $0xC180  }
0x6: {  	s20 =	simm.s32 $0xC280;
	s21 =	simm.s32 $0x0;
	[smem:$0x7FF] =	sst s2  }
0x7: {  	v0 =	vlaneseq.u32;
	s5 =	sshll.u32 s0, $0x1;
	s4 =	sand.u32 $0x1, s4;
	_ =	strace $0x80000047  }
0x8: {  	v1 =	vimm.s32 $0x0;
	v2 =	vadd.s32 $0x1, v0;
	s6 =	sand.u32 $0x10, s5;
	s5 =	sor.u32 s4, s5;
	s4 =	ssub.s32 $0x2, s4  }
0x9: {  	v3 =	vadd.s32 $0x11, v0;
	v4 =	vor.u32 $0x10, v0;
	v5 =	vmul.u32 $0x3, v0;
	s7 =	sshll.u32 s5, $0x3;
	s5 =	smul.u32 $0x600, s5;
	s6 =	sadd.s32 s6, s3  }
0xa: {  	v6 =	vadd.s32 $0x21, v0;
	v7 =	vor.u32 $0x20, v0;
	v8 =	vadd.s32 $0x31, v0;
	s28 =	sshrl.u32 s4, $0x1;
	s8 =	sadd.s32 s7, s3;
	s29 =	sadd.s32 $0x5C00, s6  }
0xb: {  	v9 =	vor.u32 $0x30, v0;
	v10 =	vadd.s32 $0x1, v5;
	v11 =	vadd.s32 $0x2, v5;
	s10 =	ssub.s32 s4, s28;
	s30 =	sadd.s32 $0x4C00, s6;
	[dreg:$0x2] =	wrdreg s29  }
0xc: {  	v12 =	vadd.s32 $0x30, v5;
	v13 =	vadd.s32 $0x31, v5;
	v14 =	vadd.s32 $0x32, v5;
	s31 =	sadd.s32 $0x3C00, s6;
	s9 =	sadd.s32 s5, s3;
	[dreg:$0x3] =	wrdreg s30  }
0xd: {  	v15 =	vadd.s32 $0x60, v5;
	v16 =	vadd.s32 $0x61, v5;
	v17 =	vadd.s32 $0x62, v5;
	[dreg:$0x4] =	wrdreg s31;
	s6 =	sadd.s32 $0x6C00, s8;
	s7 =	sadd.s32 $0x7000, s8  }
0xe: {  	v18 =	vadd.s32 $0x90, v5;
	v19 =	vadd.s32 $0x91, v5;
	v20 =	vadd.s32 $0x92, v5;
	s8 =	sadd.s32 $0x6E00, s8;
	s10 =	smax.u32 s10, $0x1;
	s9 =	sadd.s32 $0x7200, s9  }
.LBB2_1:
0xf: {  	s0 =	rddreg [dreg:$0x2]  }
0x10: {  	[tilespmem:s2], [sflag:$0x1] =	stream.strided.gather [hbm4b:s0+s11], $0x4000, s12, s11, $0x38;
	[tilespmem:$0xF280] =	vst v63  }
0x11: {  	_ =	swait.ge [sflag:s13], $0x4000  }
0x12: {  	[sflag:s13] =	ssyncset.done $0x0  }
0x13: {  	s30 =	rddreg [dreg:$0x3];
	[sflag:s13] =	ssyncadd.s32 $0xFFFFC000  }
0x14: {  	[tilespmem:s14], [sflag:$0x1] =	stream.strided.gather [hbm4b:s30+s11], $0x4000, s12, s11, $0x38;
	[tilespmem:$0xF280] =	vst v63  }
0x15: {  	_ =	swait.ge [sflag:s13], $0x4000  }
0x16: {  	[sflag:s13] =	ssyncset.done $0x0  }
0x17: {  	s31 =	rddreg [dreg:$0x4];
	[sflag:s13] =	ssyncadd.s32 $0xFFFFC000  }
0x18: {  	[tilespmem:s15], [sflag:$0x1] =	stream.strided.gather [hbm4b:s31+s11], $0x4000, s12, s11, $0x38;
	[tilespmem:$0xF280] =	vst v63  }
0x19: {  	_ =	swait.ge [sflag:s13], $0x4000  }
0x1a: {  	[sflag:s13] =	ssyncset.done $0x0  }
0x1b: {  	[sflag:s13] =	ssyncadd.s32 $0xFFFFC000  }
0x1c: {  	[tilespmem:s16], [sflag:$0x1] =	stream.linear.gather [hbm4b:s6+s2], $0x40, $0x38;
	[tilespmem:$0xF280] =	vst v63  }
0x1d: {  	_ =	swait.ge [sflag:s13], $0x40  }
0x1e: {  	[sflag:s13] =	ssyncset.done $0x0  }
0x1f: {  	[sflag:s13] =	ssyncadd.s32 $0xFFFFFFC0  }
0x20: {  	[tilespmem:s17], [sflag:$0x1] =	stream.linear.gather [hbm4b:s7+s2], $0x40, $0x38;
	[tilespmem:$0xF280] =	vst v63  }
0x21: {  	_ =	swait.ge [sflag:s13], $0x40  }
0x22: {  	[sflag:s13] =	ssyncset.done $0x0  }
0x23: {  	[sflag:s13] =	ssyncadd.s32 $0xFFFFFFC0  }
0x24: {  	[tilespmem:s18], [sflag:$0x1] =	stream.linear.gather [hbm4b:s8+s2], $0x40, $0x38;
	[tilespmem:$0xF280] =	vst v63  }
0x25: {  	_ =	swait.ge [sflag:s13], $0x40  }
0x26: {  	[sflag:s13] =	ssyncset.done $0x0  }
0x27: {  	s22 =	simm.s32 $0x0;
	[sflag:s13] =	ssyncadd.s32 $0xFFFFFFC0  }
.LBB2_2:
0x28: {  	v21 =	vmov s22;
	_ =	sdelay $0x4  }
0x29: {  	v22 =	vld.idx.msk [tilespmem:v21+s16+$0x0], $0xffff  }
0x2a: {  	s29 =	simm.s32 $0x0;
	s23 =	simm.s32 $0x70;
	s24 =	simm.s32 $0x40;
	v23 =	vld.idx.msk [tilespmem:v21+s17+$0x0], $0xffff  }
0x2b: {  	s25 =	simm.s32 $0x4040;
	s26 =	simm.s32 $0x8040;
	s28 =	simm.s32 $0x0;
	v24 =	vld.idx.msk [tilespmem:v21+s18+$0x0], $0xffff  }
.LBB2_3:
0x2c: {  	v25 =	vld [tilespmem:s24+$0xFFFFFFC0]  }
0x2d: {  	v26 =	vld [tilespmem:s25+$0xFFFFFFC0]  }
0x2e: {  	v27 =	vld [tilespmem:s24+$0xFFFFFFD0]  }
0x2f: {  	v28 =	vld [tilespmem:s25+$0xFFFFFFD0]  }
0x30: {  	v29 =	vld [tilespmem:s26+$0xFFFFFFC0]  }
0x31: {  	v30 =	vld [tilespmem:s26+$0xFFFFFFD0]  }
0x32: {  	v31 =	vld [tilespmem:s24+$0xFFFFFFE0]  }
0x33: {  	v32 =	vld [tilespmem:s25+$0xFFFFFFE0]  }
0x34: {  	v33 =	vld [tilespmem:s24+$0xFFFFFFF0]  }
0x35: {  	v34 =	vld [tilespmem:s25+$0xFFFFFFF0]  }
0x36: {  	v35 =	vld [tilespmem:s26+$0xFFFFFFE0]  }
0x37: {  	v36 =	vld [tilespmem:s25+$0x0]  }
0x38: {  	v37 =	vld [tilespmem:s24+$0x10];
	v25 =	vsub.f32 v25, v22;
	v26 =	vsub.f32 v26, v23  }
0x39: {  	v49 =	vld [tilespmem:s24+$0x20];
	v27 =	vsub.f32 v27, v22;
	v28 =	vsub.f32 v28, v23  }
0x3a: {  	v38 =	vld [tilespmem:s25+$0x20];
	v29 =	vsub.f32 v29, v24;
	v30 =	vsub.f32 v30, v24  }
0x3b: {  	v39 =	vld [tilespmem:s26+$0x20];
	v31 =	vsub.f32 v31, v22;
	v32 =	vsub.f32 v32, v23  }
0x3c: {  	v51 =	vld [tilespmem:s25+$0x30];
	v33 =	vsub.f32 v33, v22;
	v34 =	vsub.f32 v34, v23  }
0x3d: {  	v43 =	vld [tilespmem:s25+$0x10];
	v35 =	vsub.f32 v35, v24;
	v48 =	vsub.f32 v36, v23  }
0x3e: {  	v52 =	vld [tilespmem:s26+$0x30];
	v37 =	vsub.f32 v37, v22;
	v53 =	vsub.f32 v49, v22  }
0x3f: {  	v46 =	vld [tilespmem:s26+$0x0];
	v54 =	vsub.f32 v38, v23;
	v25 =	vmul.f32 v25, v25;
	v26 =	vmul.f32 v26, v26  }
0x40: {  	v47 =	vld [tilespmem:s26+$0x10];
	v55 =	vsub.f32 v39, v24;
	v27 =	vmul.f32 v27, v27;
	v28 =	vmul.f32 v28, v28  }
0x41: {  	v40 =	vld [tilespmem:s24+$0x0];
	v56 =	vsub.f32 v51, v23;
	v29 =	vmul.f32 v29, v29;
	v30 =	vmul.f32 v30, v30  }
0x42: {  	v41 =	vmul.f32 v31, v31;
	v42 =	vmul.f32 v32, v32;
	v25 =	vadd.f32 v26, v25;
	v26 =	vld [tilespmem:s26+$0xFFFFFFF0]  }
0x43: {  	v57 =	vsub.f32 v52, v24;
	v44 =	vmul.f32 v33, v33;
	v45 =	vmul.f32 v34, v34  }
0x44: {  	v35 =	vmul.f32 v35, v35;
	v32 =	vsub.f32 v43, v23;
	v34 =	vsub.f32 v46, v24  }
0x45: {  	v33 =	vmul.f32 v48, v48;
	v31 =	vsub.f32 v47, v24;
	v37 =	vmul.f32 v37, v37  }
0x46: {  	v59 =	vmul.f32 v55, v55;
	v27 =	vadd.f32 v28, v27;
	v28 =	vsub.f32 v40, v22  }
0x47: {  	v32 =	vmul.f32 v32, v32;
	v50 =	vmul.f32 v34, v34;
	v26 =	vsub.f32 v26, v24  }
0x48: {  	v40 =	vld [tilespmem:s24+$0x30];
	v25 =	vadd.f32 v29, v25;
	v29 =	vadd.f32 v42, v41;
	v28 =	vmul.f32 v28, v28  }
0x49: {  	v27 =	vadd.f32 v30, v27;
	v30 =	vadd.f32 v45, v44;
	v26 =	vmul.f32 v26, v26  }
0x4a: {  	v31 =	vmul.f32 v31, v31;
	v28 =	vadd.f32 v33, v28;
	v29 =	vadd.f32 v35, v29  }
0x4b: {  	v32 =	vadd.f32 v32, v37;
	vm3 =	vlt.f32 v25, $9.999999770e-03;
	v25 =	vadd.f32 v26, v30  }
0x4c: {  	vm1 =	vlt.f32 v29, $9.999999770e-03;
	v29 =	vmul.f32 v54, v54;
	v26 =	vadd.f32 v50, v28  }
0x4d: {  	v28 =	vmul.f32 v53, v53;
	vm0 =	vlt.f32 v25, $9.999999770e-03;
	v25 =	vsub.f32 v40, v22  }
0x4e: {  	vm2 =	vlt.f32 v27, $9.999999770e-03;
	v27 =	vadd.f32 v31, v32;
	v31 =	vmul.f32 v56, v56  }
0x4f: {  	v58 =	vsel vm3, $0x1, v1;
	v28 =	vadd.f32 v29, v28;
	v25 =	vmul.f32 v25, v25  }
0x50: {  	v61 =	vmul.f32 v57, v57;
	v60 =	vsel vm2, $0x1, v1;
	(xrf0) =	vadd.scan.msk.s32 $0xffff, v58;
	v62 =	vsel vm1, $0x1, v1  }
0x51: {  	(xrf0) =	vadd.scan.msk.s32 $0xffff, v60;
	vm4 =	vlt.f32 v26, $9.999999770e-03;
	v26 =	vadd.f32 v59, v28;
	v25 =	vadd.f32 v31, v25  }
0x52: {  	vm6 =	vlt.f32 v27, $9.999999770e-03;
	(xrf0) =	vadd.scan.msk.s32 $0xffff, v62;
	v63 =	vsel vm0, $0x1, v1;
	v27 =	vsel vm4, $0x1, v1  }
0x53: {  	(xrf0) =	vadd.scan.msk.s32 $0xffff, v63;
	vm7 =	vlt.f32 v26, $9.999999770e-03;
	v26 =	vsel vm6, $0x1, v1;
	v25 =	vadd.f32 v61, v25  }
0x54: {  	(xrf0) =	vadd.scan.msk.s32 $0xffff, v27  }
0x55: {  	(xrf0) =	vadd.scan.msk.s32 $0xffff, v26;
	vm5 =	vlt.f32 v25, $9.999999770e-03;
	v25 =	vsel vm7, $0x1, v1  }
0x56: {  	v26, _, _ =	vpop (xrf0);
	(xrf0) =	vadd.scan.msk.s32 $0xffff, v25;
	v25 =	vsel vm5, $0x1, v1;
	_ =	sdelay $0x1  }
0x57: {  	(v2sf) =	vpush v26, $0xF;
	v26, _, _ =	vpop (xrf0);
	(xrf0) =	vadd.scan.msk.s32 $0xffff, v25  }
0x58: {  	(v2sf) =	vpush v26, $0xF;
	v25, _, _ =	vpop (xrf0)  }
0x59: {  	v26, _, _ =	vpop (xrf0);
	(v2sf) =	vpush v25, $0xF  }
0x5a: {  	v25, _, _ =	vpop (xrf0);
	(v2sf) =	vpush v26, $0xF  }
0x5b: {  	v26, _, _ =	vpop (xrf0);
	(v2sf) =	vpush v25, $0xF  }
0x5c: {  	v25, _, _ =	vpop (xrf0);
	(v2sf) =	vpush v26, $0xF  }
0x5d: {  	(v2sf) =	vpush v25, $0xF;
	v25, _, _ =	vpop (xrf0)  }
0x5e: {  	(v2sf) =	vpush v25, $0xF;
	_ =	sdelay $0x7  }
0x5f: {  	s30 =	spop (v2sf)  }
0x60: {  	s31 =	spop (v2sf);
	s30 =	sadd.s32 s29, s30  }
0x61: {  	s31 =	sadd.s32 s30, s31;
	s0 =	spop (v2sf)  }
0x62: {  	s1 =	sadd.s32 $0xFFFFFF90, s23;
	s3 =	spop (v2sf);
	s0 =	sadd.s32 s31, s0  }
0x63: {  	s4 =	sadd.s32 $0xFFFFFFA0, s23;
	v25 =	vor.u32 s1, v0;
	s1 =	spop (v2sf);
	s3 =	sadd.s32 s0, s3  }
0x64: {  	s5 =	sadd.s32 $0xFFFFFFB0, s23;
	[tilespmem:s29+$0xC180] =	vst.msk vm3, v25;
	v25 =	vor.u32 s4, v0;
	s4 =	spop (v2sf);
	s1 =	sadd.s32 s3, s1  }
0x65: {  	s29 =	sadd.s32 $0xFFFFFFC0, s23;
	[tilespmem:s30+$0xC180] =	vst.msk vm2, v25;
	v25 =	vor.u32 s5, v0;
	s5 =	spop (v2sf);
	s4 =	sadd.s32 s1, s4  }
0x66: {  	[tilespmem:s31+$0xC180] =	vst.msk vm1, v25;
	v25 =	vor.u32 s29, v0;
	s29 =	spop (v2sf);
	s5 =	sadd.s32 s4, s5  }
0x67: {  	p0 =	sgt.u32 s28, $0x7E;
	s29 =	sadd.s32 s5, s29  }
0x68: {  	p1 =	slt.s32 @!p0 s29, $0x40  }
0x69: {  	s30 =	sadd.s32 $0xFFFFFFD0, s23;
	p0 =	por p0, !p1  }
.Ltmp0:
0x6a: {  	s31 =	sadd.s32 $0xFFFFFFE0, s23;
	[tilespmem:s0+$0xC180] =	vst.msk vm0, v25;
	v25 =	vor.u32 s30, v0;
	(pc) =	sbr.rel @!p0 .LBB2_3-.Ltmp0, $4  }
0x6b: {  	s30 =	sadd.s32 $0xFFFFFFF0, s23;
	[tilespmem:s3+$0xC180] =	vst.msk vm4, v25;
	v25 =	vor.u32 s31, v0  }
0x6c: {  	[tilespmem:s1+$0xC180] =	vst.msk vm6, v25;
	v25 =	vor.u32 s30, v0  }
0x6d: {  	s28 =	sadd.s32 $0x1, s28;
	s25 =	sadd.s32 $0x80, s25;
	v26 =	vor.u32 s23, v0;
	[tilespmem:s4+$0xC180] =	vst.msk vm7, v25  }
0x6e: {  	s24 =	sadd.s32 $0x80, s24;
	s26 =	sadd.s32 $0x80, s26;
	s23 =	sadd.s32 $0x80, s23;
	[tilespmem:s5+$0xC180] =	vst.msk vm5, v26  }
0x6f: {  	v22 =	vld [tilespmem:$0xC180];
	_ =	sdelay $0x3  }
0x70: {  	v23 =	vmov s29  }
0x71: {  	vm0 =	vgt.s32 v23, v0;
	v22 =	vxor.u32 $0x80000000, v22  }
0x72: {  	v22 =	vnsel vm0, $0xC0000000, v22  }
0x73: {  	(xrf0) =	vmin.scan.msk.u32 $0xffff, v22;
	_ =	sdelay $0x5  }
0x74: {  	v22, _, _ =	vpop (xrf0)  }
0x75: {  	(v2sf) =	vpush v22, $0xF;
	_ =	sdelay $0xc  }
0x76: {  	vm15 =	vlt.s32 v23, v2  }
0x77: {  	vm1 =	vlt.s32 v23, v3  }
0x78: {  	vm2 =	vlt.s32 v23, v6;
	s0 =	spop (v2sf)  }
0x79: {  	p0 =	sgt.s32 s29, $0x0;
	vm3 =	vlt.s32 v23, v8;
	s0 =	sxor.u32 $0x80000000, s0  }
0x7a: {  	s0 =	simm.s32 @!p0 $0x0  }
0x7b: {  	v22 =	vmov s0  }
0x7c: {  	[tilespmem:v0+s19+$0x0] =	vst.idx.msk vm15, v22  }
0x7d: {  	[tilespmem:v4+s19+$0x0] =	vst.idx.msk vm1, v22  }
0x7e: {  	[tilespmem:v7+s19+$0x0] =	vst.idx.msk vm2, v22  }
0x7f: {  	[tilespmem:v9+s19+$0x0] =	vst.idx.msk vm3, v22  }
0x80: {  	v22 =	vld [tilespmem:$0xC180];
	_ =	sdelay $0x5  }
0x81: {  	v21 =	vmul.u32 $0xC0, v21;
	_ =	sdelay $0x1  }
0x82: {  	v24 =	vor.u32 v5, v21;
	v23 =	vld.idx.msk [tilespmem:v22+s2+$0x0], $0xffff  }
0x83: {  	v26 =	vor.u32 v10, v21;
	v25 =	vld.idx.msk [tilespmem:v22+s14+$0x0], $0xffff  }
0x84: {  	v27 =	vor.u32 v11, v21;
	v22 =	vld.idx.msk [tilespmem:v22+s15+$0x0], $0xffff;
	_ =	sdelay $0x2  }
0x85: {  	[tilespmem:v24+s20+$0x0] =	vst.idx.msk $0xffff, v23  }
0x86: {  	[tilespmem:v26+s20+$0x0] =	vst.idx.msk $0xffff, v25  }
0x87: {  	[tilespmem:v27+s20+$0x0] =	vst.idx.msk $0xffff, v22  }
0x88: {  	v22 =	vld [tilespmem:$0xC190];
	_ =	sdelay $0x7  }
0x89: {  	v56 =	vadd.s32 v12, v21;
	v23 =	vld.idx.msk [tilespmem:v22+s2+$0x0], $0xffff  }
0x8a: {  	v57 =	vadd.s32 v13, v21;
	v25 =	vld.idx.msk [tilespmem:v22+s14+$0x0], $0xffff  }
0x8b: {  	v58 =	vadd.s32 v14, v21;
	v22 =	vld.idx.msk [tilespmem:v22+s15+$0x0], $0xffff;
	_ =	sdelay $0x2  }
0x8c: {  	[tilespmem:v56+s20+$0x0] =	vst.idx.msk $0xffff, v23  }
0x8d: {  	[tilespmem:v57+s20+$0x0] =	vst.idx.msk $0xffff, v25  }
0x8e: {  	[tilespmem:v58+s20+$0x0] =	vst.idx.msk $0xffff, v22  }
0x8f: {  	v22 =	vld [tilespmem:$0xC1A0];
	_ =	sdelay $0x7  }
0x90: {  	v59 =	vadd.s32 v15, v21;
	v23 =	vld.idx.msk [tilespmem:v22+s2+$0x0], $0xffff  }
0x91: {  	v60 =	vadd.s32 v16, v21;
	v25 =	vld.idx.msk [tilespmem:v22+s14+$0x0], $0xffff  }
0x92: {  	v61 =	vadd.s32 v17, v21;
	v22 =	vld.idx.msk [tilespmem:v22+s15+$0x0], $0xffff;
	_ =	sdelay $0x2  }
0x93: {  	[tilespmem:v59+s20+$0x0] =	vst.idx.msk $0xffff, v23  }
0x94: {  	[tilespmem:v60+s20+$0x0] =	vst.idx.msk $0xffff, v25  }
0x95: {  	[tilespmem:v61+s20+$0x0] =	vst.idx.msk $0xffff, v22  }
0x96: {  	v22 =	vld [tilespmem:$0xC1B0];
	_ =	sdelay $0x7  }
0x97: {  	v62 =	vadd.s32 v18, v21;
	v23 =	vld.idx.msk [tilespmem:v22+s2+$0x0], $0xffff  }
0x98: {  	s22 =	sadd.s32 $0x1, s22;
	v63 =	vadd.s32 v19, v21;
	v25 =	vld.idx.msk [tilespmem:v22+s14+$0x0], $0xffff  }
0x99: {  	v21 =	vadd.s32 v20, v21;
	p0 =	sne.s32 s22, $0x40;
	v22 =	vld.idx.msk [tilespmem:v22+s15+$0x0], $0xffff  }
.Ltmp1:
0x9a: {  	_ = 	snop;
	(pc) =	sbr.rel @p0 .LBB2_2-.Ltmp1, $4  }
0x9b: {  	_ = 	snop  }
0x9c: {  	[tilespmem:v62+s20+$0x0] =	vst.idx.msk $0xffff, v23  }
0x9d: {  	[tilespmem:v63+s20+$0x0] =	vst.idx.msk $0xffff, v25  }
0x9e: {  	[tilespmem:v21+s20+$0x0] =	vst.idx.msk $0xffff, v22  }
0x9f: {  	s21 =	sadd.s32 $0x1, s21  }
0xa0: {  	p0 =	sne.s32 s21, s10  }
.Ltmp2:
0xa1: {  	_ = 	snop;
	(pc) =	sbr.rel @p0 .LBB2_1-.Ltmp2, $4  }
0xa2: {  	[hbm4b:s9+s2] =	stream.linear.scatter [tilespmem:s20], [sflag:$0x1], $0x3000, $0x38;
	[tilespmem:$0xF280] =	vst v63  }
0xa3: {  	_ =	swait.ge [sflag:s13], $0x3000  }
0xa4: {  	[sflag:s13] =	ssyncset.done $0x0  }
0xa5: {  	[sflag:s13] =	ssyncadd.s32 $0xFFFFD000  }
0xa6: {  	_ =	sfence.sel $0x180000  }
0xa7: {  	[bflag:$0x0] =	sbarrier.arrive $0xFFFF  }
0xa8: {  	_ =	strace $0x90000047  }
0xa9: {  	s0 =	stileid.u32;
	[bflag:$0x2] =	sbarrier.arrive $0xFFFF  }
0xaa: {  	p0 =	sne.s32 s0, $0x0;
	s0 =	rddreg [dreg:$0x1]  }
0xab: {  	s0 =	sadd.s32 @!p0 $0x100000, s0  }
0xac: {  	[sflag:s0] =	ssyncadd.tile.s32 @!p0 $0x1;
	_ =	shalt  }
.Lfunc_end2:
_tile_overlayer_lowered:
.L_overlay_start_2:
0xad: {  	(tag) =	ssettag $0x2  }
0xae: {  	s0 =	rddreg [dreg:$0x0];
	s2 =	stileid.u32  }
0xaf: {  	s1 =	rddreg [dreg:$0x1];
	p0 =	sne.s32 s2, $0x0  }
0xb0: {  	s3 =	rddreg [dreg:$0x2];
	[bflag:$0x3] =	sbarrier.arrive $0xFFFF;
	s2 =	simm.s32 @!p0 $0x1C01  }
0xb1: {  	[timem:s3], [sflag:s2] =	dma.local @!p0 [hbm:s0], s1  }
0xb2: {  	s0 =	simm.s32 @!p0 $0x1  }
0xb3: {  	_ =	swait.ge @!p0 [sflag:s0], s1  }
0xb4: {  	s1 =	ssub.s32 @!p0 $0x0, s1;
	[sflag:s0] =	ssyncset.done @!p0 $0x0  }
0xb5: {  	[sflag:s0] =	ssyncadd.s32 @!p0 s1  }
0xb6: {  	[bflag:$0x3] =	sbarrier.arrive $0xFFFF  }
0xb7: {  	_ =	shalt  }

</sc_bundles>
